<compile_context>
chip_gen: v7x
topology: tpu7x:2x2x1
jax: 0.10.2.dev20260603
libtpu: 0.0.44.dev20260713+nightly
codegen_flags: <defaults>
</compile_context>

<pallas_src>
import jax
import jax.numpy as jnp
from jax import lax
from jax.experimental import pallas as pl
from jax.experimental.pallas import tpu as pltpu
from jax.experimental.pallas import tpu_sc as plsc

D = 300
DP = 304
B = 4096
L = 200
NC = 2
NS = 16
NW = NC * NS
B_PER_W = B // NW
GRP = 4
OUT_W = D * L
DA = 160
DB = D - DA
N_DTA = DA // 16
N_DTB = (DP - DA) // 16

CHUNKS = (72, 64, 64)
CHUNK_OFF = (0, 72, 136)


def _body(x_hbm, wv_hbm, out_hbm, idx_v, ch0, ch1, ch2, half_a, half_b,
          gsem, wsem_a, wsem_b):
    wid = lax.axis_index("s") * NC + lax.axis_index("c")
    base = wid * B_PER_W
    iota = lax.iota(jnp.int32, 16)
    perms = [jnp.bitwise_and(iota + c, 15) for c in range(16)]
    bufs = (ch0, ch1, ch2)

    def stage_idx(b_first):
        pltpu.sync_copy(x_hbm.at[pl.ds((base + b_first) * L, GRP * L)], idx_v)

    def g_descs(b):
        s = (b % GRP) * L
        return [pltpu.make_async_copy(
            wv_hbm.at[idx_v.at[pl.ds(s + CHUNK_OFF[j], CHUNKS[j])]],
            bufs[j], gsem) for j in range(3)]

    def wa_desc(b):
        return pltpu.make_async_copy(
            half_a, out_hbm.at[pl.ds((base + b) * OUT_W, DA * L)], wsem_a)

    def wb_desc(b):
        return pltpu.make_async_copy(
            half_b.at[pl.ds(0, DB * L)],
            out_hbm.at[pl.ds((base + b) * OUT_W + DA * L, DB * L)], wsem_b)

    stage_idx(0)
    for g in g_descs(0):
        g.start()

    def transpose_half(dt0, n_dt, dest, d_base):
        def per_dt(t, c2):
            dt = dt0 + t
            dcol = dt * 16
            dloc = (dcol - d_base) * L
            for cid in range(3):
                buf = bufs[cid]
                ntiles = 5 if cid == 0 else 4
                maxl0 = CHUNKS[cid] - 16
                choff = CHUNK_OFF[cid]

                def per_tile(tt, c3):
                    loc_l0 = jnp.minimum(tt * 16, maxl0)
                    lrow = iota + loc_l0
                    sbase = dloc + choff + loc_l0 + iota
                    for c in range(16):
                        v = plsc.load_gather(
                            buf, [lrow, dcol + perms[c]])
                        plsc.store_scatter(
                            dest, [sbase + perms[c] * L], v)
                    return c3

                lax.fori_loop(0, ntiles, per_tile, 0)
            return c2
        lax.fori_loop(0, n_dt, per_dt, 0)

    def per_b(b, carry):
        for g in g_descs(b):
            g.wait()

        @pl.when(b > 0)
        def _():
            wa_desc(b - 1).wait()

        transpose_half(0, N_DTA, half_a, 0)
        wa_desc(b).start()

        @pl.when(b > 0)
        def _():
            wb_desc(b - 1).wait()

        transpose_half(N_DTA, N_DTB, half_b, DA)

        @pl.when(jnp.logical_and((b + 1) % GRP == 0, b + 1 < B_PER_W))
        def _():
            stage_idx(b + 1)

        @pl.when(b + 1 < B_PER_W)
        def _():
            for g in g_descs(b + 1):
                g.start()

        wb_desc(b).start()
        return carry

    lax.fori_loop(0, B_PER_W, per_b, 0)
    wa_desc(B_PER_W - 1).wait()
    wb_desc(B_PER_W - 1).wait()


_embed_transpose = pl.kernel(
    _body,
    out_type=jax.ShapeDtypeStruct((B * D * L,), jnp.float32),
    mesh=plsc.VectorSubcoreMesh(
        core_axis_name="c", subcore_axis_name="s",
        num_cores=NC, num_subcores=NS),
    compiler_params=pltpu.CompilerParams(
        use_tc_tiling_on_sc=False, needs_layout_passes=False,
        disable_bounds_checks=True),
    scratch_types=[
        pltpu.VMEM((GRP * L,), jnp.int32),
        pltpu.VMEM((CHUNKS[0], DP), jnp.float32),
        pltpu.VMEM((CHUNKS[1], DP), jnp.float32),
        pltpu.VMEM((CHUNKS[2], DP), jnp.float32),
        pltpu.VMEM((DA * L,), jnp.float32),
        pltpu.VMEM(((DP - DA) * L,), jnp.float32),
        pltpu.SemaphoreType.DMA,
        pltpu.SemaphoreType.DMA,
        pltpu.SemaphoreType.DMA,
    ],
)


def kernel(x, word_vectors):
    x32 = x.astype(jnp.int32).reshape(B * L)
    wvp = jnp.pad(word_vectors, ((0, 0), (0, DP - D)))
    return _embed_transpose(x32, wvp).reshape(B, D, L)

# --- scband reference (transcript-rebuilt; emitter-appended) ---
"""Pipeline reference for scband-input-embedding-layer-22067541966856 (READ-ONLY COPY).

The authoritative reference and input builder live on the scoring server;
editing this copy changes nothing except your own understanding.
"""

import jax, jax.numpy as jnp
import numpy as np

VOCAB = 100000
EMB_DIM = 300
BATCH = 4096
SEQ = 200

def setup_inputs(seed: int = 0) -> dict:
    key = jax.random.key(seed)
    k1, k2 = jax.random.split(key)
    x = jax.random.randint(k1, (BATCH, SEQ), 0, VOCAB, dtype=jnp.int64 if jax.config.jax_enable_x64 else jnp.int32)
    word_vectors = jax.random.normal(k2, (VOCAB, EMB_DIM), dtype=jnp.float32)
    return {"x": x, "word_vectors": word_vectors}

def reference(x, word_vectors):
    # emb = Embedding.from_pretrained(word_vectors)(x)  -> gather rows
    emb = jnp.take(word_vectors, x, axis=0)  # [B, L, D]
    # dropout in eval mode is identity (inference reference)
    # permute(0, 2, 1)
    out = jnp.transpose(emb, (0, 2, 1))  # [B, D, L]
    return out

if __name__ == "__main__":
    import jax
    _d = setup_inputs()
    print(jax.jit(kernel)(*tuple(_d.values())))

</pallas_src>

<mosaic_0001>
#map = affine_map<(d0, d1) -> (0)>
#map1 = affine_map<(d0, d1) -> (0, 0)>
module attributes {stable_mosaic.version = 14 : i64} {
  func.func @_body(%arg0: i32, %arg1: i32, %arg2: memref<819200xi32, #tpu.memory_space<hbm>>, %arg3: memref<100000x304xf32, #tpu.memory_space<hbm>>, %arg4: memref<245760000xf32, #tpu.memory_space<hbm>>, %arg5: memref<800xi32, #tpu.memory_space<vmem>>, %arg6: memref<72x304xf32, #tpu.memory_space<vmem>>, %arg7: memref<64x304xf32, #tpu.memory_space<vmem>>, %arg8: memref<64x304xf32, #tpu.memory_space<vmem>>, %arg9: memref<32000xf32, #tpu.memory_space<vmem>>, %arg10: memref<28800xf32, #tpu.memory_space<vmem>>, %arg11: memref<!tpu.dma_semaphore, #tpu.memory_space<semaphore_mem>>, %arg12: memref<!tpu.dma_semaphore, #tpu.memory_space<semaphore_mem>>, %arg13: memref<!tpu.dma_semaphore, #tpu.memory_space<semaphore_mem>>) attributes {dimension_semantics = [#tpu.dimension_semantics<core_parallel>, #tpu.dimension_semantics<subcore_parallel>], iteration_bounds = array<i64: 2, 16>, scalar_prefetch = 0 : i64, scratch_operands = 9 : i64, tpu.core_type = #tpu.core_type<sc_vector_subcore>, window_params = [{transform_indices = #map}, {transform_indices = #map1}, {transform_indices = #map}]} {
    %mul3A = arith.constant 2 : i32
    %mul3A_0 = arith.muli %arg1, %mul3A : i32
    %add3A = arith.addi %mul3A_0, %arg0 : i32
    %mul3A_1 = arith.constant 128 : i32
    %mul3A_2 = arith.muli %add3A, %mul3A_1 : i32
    %iota3A = tpu.iota {dimensions = array<i32: 0>} : vector<16xi32>
    %add3A_3 = arith.constant 0 : i32
    %add3A_4 = vector.broadcast %add3A_3 : i32 to vector<16xi32>
    %add3A_5 = arith.addi %iota3A, %add3A_4 : vector<16xi32>
    %and3A = arith.constant 15 : i32
    %and3A_6 = vector.broadcast %and3A : i32 to vector<16xi32>
    %and3A_7 = arith.andi %add3A_5, %and3A_6 : vector<16xi32>
    %add3A_8 = arith.constant 1 : i32
    %add3A_9 = vector.broadcast %add3A_8 : i32 to vector<16xi32>
    %add3A_10 = arith.addi %iota3A, %add3A_9 : vector<16xi32>
    %and3A_11 = arith.constant 15 : i32
    %and3A_12 = vector.broadcast %and3A_11 : i32 to vector<16xi32>
    %and3A_13 = arith.andi %add3A_10, %and3A_12 : vector<16xi32>
    %add3A_14 = arith.constant 2 : i32
    %add3A_15 = vector.broadcast %add3A_14 : i32 to vector<16xi32>
    %add3A_16 = arith.addi %iota3A, %add3A_15 : vector<16xi32>
    %and3A_17 = arith.constant 15 : i32
    %and3A_18 = vector.broadcast %and3A_17 : i32 to vector<16xi32>
    %and3A_19 = arith.andi %add3A_16, %and3A_18 : vector<16xi32>
    %add3A_20 = arith.constant 3 : i32
    %add3A_21 = vector.broadcast %add3A_20 : i32 to vector<16xi32>
    %add3A_22 = arith.addi %iota3A, %add3A_21 : vector<16xi32>
    %and3A_23 = arith.constant 15 : i32
    %and3A_24 = vector.broadcast %and3A_23 : i32 to vector<16xi32>
    %and3A_25 = arith.andi %add3A_22, %and3A_24 : vector<16xi32>
    %add3A_26 = arith.constant 4 : i32
    %add3A_27 = vector.broadcast %add3A_26 : i32 to vector<16xi32>
    %add3A_28 = arith.addi %iota3A, %add3A_27 : vector<16xi32>
    %and3A_29 = arith.constant 15 : i32
    %and3A_30 = vector.broadcast %and3A_29 : i32 to vector<16xi32>
    %and3A_31 = arith.andi %add3A_28, %and3A_30 : vector<16xi32>
    %add3A_32 = arith.constant 5 : i32
    %add3A_33 = vector.broadcast %add3A_32 : i32 to vector<16xi32>
    %add3A_34 = arith.addi %iota3A, %add3A_33 : vector<16xi32>
    %and3A_35 = arith.constant 15 : i32
    %and3A_36 = vector.broadcast %and3A_35 : i32 to vector<16xi32>
    %and3A_37 = arith.andi %add3A_34, %and3A_36 : vector<16xi32>
    %add3A_38 = arith.constant 6 : i32
    %add3A_39 = vector.broadcast %add3A_38 : i32 to vector<16xi32>
    %add3A_40 = arith.addi %iota3A, %add3A_39 : vector<16xi32>
    %and3A_41 = arith.constant 15 : i32
    %and3A_42 = vector.broadcast %and3A_41 : i32 to vector<16xi32>
    %and3A_43 = arith.andi %add3A_40, %and3A_42 : vector<16xi32>
    %add3A_44 = arith.constant 7 : i32
    %add3A_45 = vector.broadcast %add3A_44 : i32 to vector<16xi32>
    %add3A_46 = arith.addi %iota3A, %add3A_45 : vector<16xi32>
    %and3A_47 = arith.constant 15 : i32
    %and3A_48 = vector.broadcast %and3A_47 : i32 to vector<16xi32>
    %and3A_49 = arith.andi %add3A_46, %and3A_48 : vector<16xi32>
    %add3A_50 = arith.constant 8 : i32
    %add3A_51 = vector.broadcast %add3A_50 : i32 to vector<16xi32>
    %add3A_52 = arith.addi %iota3A, %add3A_51 : vector<16xi32>
    %and3A_53 = arith.constant 15 : i32
    %and3A_54 = vector.broadcast %and3A_53 : i32 to vector<16xi32>
    %and3A_55 = arith.andi %add3A_52, %and3A_54 : vector<16xi32>
    %add3A_56 = arith.constant 9 : i32
    %add3A_57 = vector.broadcast %add3A_56 : i32 to vector<16xi32>
    %add3A_58 = arith.addi %iota3A, %add3A_57 : vector<16xi32>
    %and3A_59 = arith.constant 15 : i32
    %and3A_60 = vector.broadcast %and3A_59 : i32 to vector<16xi32>
    %and3A_61 = arith.andi %add3A_58, %and3A_60 : vector<16xi32>
    %add3A_62 = arith.constant 10 : i32
    %add3A_63 = vector.broadcast %add3A_62 : i32 to vector<16xi32>
    %add3A_64 = arith.addi %iota3A, %add3A_63 : vector<16xi32>
    %and3A_65 = arith.constant 15 : i32
    %and3A_66 = vector.broadcast %and3A_65 : i32 to vector<16xi32>
    %and3A_67 = arith.andi %add3A_64, %and3A_66 : vector<16xi32>
    %add3A_68 = arith.constant 11 : i32
    %add3A_69 = vector.broadcast %add3A_68 : i32 to vector<16xi32>
    %add3A_70 = arith.addi %iota3A, %add3A_69 : vector<16xi32>
    %and3A_71 = arith.constant 15 : i32
    %and3A_72 = vector.broadcast %and3A_71 : i32 to vector<16xi32>
    %and3A_73 = arith.andi %add3A_70, %and3A_72 : vector<16xi32>
    %add3A_74 = arith.constant 12 : i32
    %add3A_75 = vector.broadcast %add3A_74 : i32 to vector<16xi32>
    %add3A_76 = arith.addi %iota3A, %add3A_75 : vector<16xi32>
    %and3A_77 = arith.constant 15 : i32
    %and3A_78 = vector.broadcast %and3A_77 : i32 to vector<16xi32>
    %and3A_79 = arith.andi %add3A_76, %and3A_78 : vector<16xi32>
    %add3A_80 = arith.constant 13 : i32
    %add3A_81 = vector.broadcast %add3A_80 : i32 to vector<16xi32>
    %add3A_82 = arith.addi %iota3A, %add3A_81 : vector<16xi32>
    %and3A_83 = arith.constant 15 : i32
    %and3A_84 = vector.broadcast %and3A_83 : i32 to vector<16xi32>
    %and3A_85 = arith.andi %add3A_82, %and3A_84 : vector<16xi32>
    %add3A_86 = arith.constant 14 : i32
    %add3A_87 = vector.broadcast %add3A_86 : i32 to vector<16xi32>
    %add3A_88 = arith.addi %iota3A, %add3A_87 : vector<16xi32>
    %and3A_89 = arith.constant 15 : i32
    %and3A_90 = vector.broadcast %and3A_89 : i32 to vector<16xi32>
    %and3A_91 = arith.andi %add3A_88, %and3A_90 : vector<16xi32>
    %add3A_92 = arith.constant 15 : i32
    %add3A_93 = vector.broadcast %add3A_92 : i32 to vector<16xi32>
    %add3A_94 = arith.addi %iota3A, %add3A_93 : vector<16xi32>
    %and3A_95 = arith.constant 15 : i32
    %and3A_96 = vector.broadcast %and3A_95 : i32 to vector<16xi32>
    %and3A_97 = arith.andi %add3A_94, %and3A_96 : vector<16xi32>
    %add3A_98 = arith.constant 0 : i32
    %add3A_99 = arith.addi %mul3A_2, %add3A_98 : i32
    %mul3A_100 = arith.constant 200 : i32
    %mul3A_101 = arith.muli %add3A_99, %mul3A_100 : i32
    "tpu.region"() ({
      %run_scoped3A = tpu.sem_alloc : memref<!tpu.dma_semaphore, #tpu.memory_space<semaphore_mem>>
      %dma_start3A_138 = tpu.memref_slice %arg2[%mul3A_101] : memref<819200xi32, #tpu.memory_space<hbm>> -> memref<800xi32, #tpu.memory_space<hbm>>
      %dma_start3A_139 = tpu.memref_slice %arg2[%mul3A_101] : memref<819200xi32, #tpu.memory_space<hbm>> -> memref<800xi32, #tpu.memory_space<hbm>>
      tpu.enqueue_dma source(%dma_start3A_139 : memref<800xi32, #tpu.memory_space<hbm>>) target(%arg5 : memref<800xi32, #tpu.memory_space<vmem>>) target_semaphore(%run_scoped3A : memref<!tpu.dma_semaphore, #tpu.memory_space<semaphore_mem>>)
      %dma_wait3A_140 = tpu.memref_slice %arg2[%mul3A_101] : memref<819200xi32, #tpu.memory_space<hbm>> -> memref<800xi32, #tpu.memory_space<hbm>>
      %dma_wait3A_141 = tpu.memref_slice %arg2[%mul3A_101] : memref<819200xi32, #tpu.memory_space<hbm>> -> memref<800xi32, #tpu.memory_space<hbm>>
      tpu.wait_dma2 semaphore(%run_scoped3A : memref<!tpu.dma_semaphore, #tpu.memory_space<semaphore_mem>>) src(%dma_wait3A_141 : memref<800xi32, #tpu.memory_space<hbm>>) dst(%arg5 : memref<800xi32, #tpu.memory_space<vmem>>)
      tpu.yield
    }) : () -> ()
    %dma_start3A = arith.constant 0 : i32
    %dma_start3A_102 = tpu.memref_slice %arg5[%dma_start3A] : memref<800xi32, #tpu.memory_space<vmem>> -> memref<72xi32, #tpu.memory_space<vmem>>
    %dma_start3A_103 = arith.constant 0 : i32
    %dma_start3A_104 = arith.constant 0 : i32
    %dma_start3A_105 = tpu.memref_slice %arg3[%dma_start3A_103, %dma_start3A_104] : memref<100000x304xf32, #tpu.memory_space<hbm>> -> memref<100000x304xf32, #tpu.memory_space<hbm>>
    tpu.enqueue_indirect_dma source(%dma_start3A_105 : memref<100000x304xf32, #tpu.memory_space<hbm>>) target(%arg6 : memref<72x304xf32, #tpu.memory_space<vmem>>) offsets(%dma_start3A_102 : memref<72xi32, #tpu.memory_space<vmem>>) semaphore(%arg11 : memref<!tpu.dma_semaphore, #tpu.memory_space<semaphore_mem>>)
    %dma_start3A_106 = arith.constant 72 : i32
    %dma_start3A_107 = tpu.memref_slice %arg5[%dma_start3A_106] : memref<800xi32, #tpu.memory_space<vmem>> -> memref<64xi32, #tpu.memory_space<vmem>>
    %dma_start3A_108 = arith.constant 0 : i32
    %dma_start3A_109 = arith.constant 0 : i32
    %dma_start3A_110 = tpu.memref_slice %arg3[%dma_start3A_108, %dma_start3A_109] : memref<100000x304xf32, #tpu.memory_space<hbm>> -> memref<100000x304xf32, #tpu.memory_space<hbm>>
    tpu.enqueue_indirect_dma source(%dma_start3A_110 : memref<100000x304xf32, #tpu.memory_space<hbm>>) target(%arg7 : memref<64x304xf32, #tpu.memory_space<vmem>>) offsets(%dma_start3A_107 : memref<64xi32, #tpu.memory_space<vmem>>) semaphore(%arg11 : memref<!tpu.dma_semaphore, #tpu.memory_space<semaphore_mem>>)
    %dma_start3A_111 = arith.constant 136 : i32
    %dma_start3A_112 = tpu.memref_slice %arg5[%dma_start3A_111] : memref<800xi32, #tpu.memory_space<vmem>> -> memref<64xi32, #tpu.memory_space<vmem>>
    %dma_start3A_113 = arith.constant 0 : i32
    %dma_start3A_114 = arith.constant 0 : i32
    %dma_start3A_115 = tpu.memref_slice %arg3[%dma_start3A_113, %dma_start3A_114] : memref<100000x304xf32, #tpu.memory_space<hbm>> -> memref<100000x304xf32, #tpu.memory_space<hbm>>
    tpu.enqueue_indirect_dma source(%dma_start3A_115 : memref<100000x304xf32, #tpu.memory_space<hbm>>) target(%arg8 : memref<64x304xf32, #tpu.memory_space<vmem>>) offsets(%dma_start3A_112 : memref<64xi32, #tpu.memory_space<vmem>>) semaphore(%arg11 : memref<!tpu.dma_semaphore, #tpu.memory_space<semaphore_mem>>)
    %scan3A = arith.constant 0 : i32
    %scan3A_116 = arith.constant 0 : i32
    %scan3A_117 = arith.constant 128 : i32
    %scan3A_118 = arith.addi %scan3A_116, %scan3A_117 : i32
    %scan3A_119 = arith.constant 1 : i32
    scf.for %scan3A_138 = %scan3A_116 to %scan3A_118 step %scan3A_119  : i32 {
      %jit3A = arith.constant 4 : i32
      %eq3A = arith.constant 0 : i32
      %eq3A_139 = arith.cmpi eq, %jit3A, %eq3A : i32
      %jit3A_140 = arith.constant 1 : i32
      %select_n3A = arith.select %eq3A_139, %jit3A_140, %jit3A : i32
      %rem3A = arith.remsi %scan3A_138, %select_n3A : i32
      %ne3A = arith.constant 0 : i32
      %ne3A_141 = arith.cmpi ne, %rem3A, %ne3A : i32
      %lt3A = arith.constant 0 : i32
      %lt3A_142 = arith.cmpi slt, %rem3A, %lt3A : i32
      %lt3A_143 = arith.constant 0 : i32
      %lt3A_144 = arith.cmpi slt, %select_n3A, %lt3A_143 : i32
      %ne3A_145 = arith.xori %lt3A_142, %lt3A_144 : i1
      %and3A_146 = arith.andi %ne3A_145, %ne3A_141 : i1
      %add3A_147 = arith.addi %rem3A, %select_n3A : i32
      %select_n3A_148 = arith.select %and3A_146, %add3A_147, %rem3A : i32
      %mul3A_149 = arith.constant 200 : i32
      %mul3A_150 = arith.muli %select_n3A_148, %mul3A_149 : i32
      %add3A_151 = arith.constant 0 : i32
      %add3A_152 = arith.addi %mul3A_150, %add3A_151 : i32
      %add3A_153 = arith.constant 72 : i32
      %add3A_154 = arith.addi %mul3A_150, %add3A_153 : i32
      %add3A_155 = arith.constant 136 : i32
      %add3A_156 = arith.addi %mul3A_150, %add3A_155 : i32
      %dma_wait3A_157 = tpu.memref_slice %arg5[%add3A_152] : memref<800xi32, #tpu.memory_space<vmem>> -> memref<72xi32, #tpu.memory_space<vmem>>
      %dma_wait3A_158 = arith.constant 0 : i32
      %dma_wait3A_159 = arith.constant 0 : i32
      %dma_wait3A_160 = tpu.memref_slice %arg3[%dma_wait3A_158, %dma_wait3A_159] : memref<100000x304xf32, #tpu.memory_space<hbm>> -> memref<100000x304xf32, #tpu.memory_space<hbm>>
      tpu.wait_indirect_dma semaphore(%arg11 : memref<!tpu.dma_semaphore, #tpu.memory_space<semaphore_mem>>) src(%dma_wait3A_160 : memref<100000x304xf32, #tpu.memory_space<hbm>>) dst(%arg6 : memref<72x304xf32, #tpu.memory_space<vmem>>)
      %dma_wait3A_161 = tpu.memref_slice %arg5[%add3A_154] : memref<800xi32, #tpu.memory_space<vmem>> -> memref<64xi32, #tpu.memory_space<vmem>>
      %dma_wait3A_162 = arith.constant 0 : i32
      %dma_wait3A_163 = arith.constant 0 : i32
      %dma_wait3A_164 = tpu.memref_slice %arg3[%dma_wait3A_162, %dma_wait3A_163] : memref<100000x304xf32, #tpu.memory_space<hbm>> -> memref<100000x304xf32, #tpu.memory_space<hbm>>
      tpu.wait_indirect_dma semaphore(%arg11 : memref<!tpu.dma_semaphore, #tpu.memory_space<semaphore_mem>>) src(%dma_wait3A_164 : memref<100000x304xf32, #tpu.memory_space<hbm>>) dst(%arg7 : memref<64x304xf32, #tpu.memory_space<vmem>>)
      %dma_wait3A_165 = tpu.memref_slice %arg5[%add3A_156] : memref<800xi32, #tpu.memory_space<vmem>> -> memref<64xi32, #tpu.memory_space<vmem>>
      %dma_wait3A_166 = arith.constant 0 : i32
      %dma_wait3A_167 = arith.constant 0 : i32
      %dma_wait3A_168 = tpu.memref_slice %arg3[%dma_wait3A_166, %dma_wait3A_167] : memref<100000x304xf32, #tpu.memory_space<hbm>> -> memref<100000x304xf32, #tpu.memory_space<hbm>>
      tpu.wait_indirect_dma semaphore(%arg11 : memref<!tpu.dma_semaphore, #tpu.memory_space<semaphore_mem>>) src(%dma_wait3A_168 : memref<100000x304xf32, #tpu.memory_space<hbm>>) dst(%arg8 : memref<64x304xf32, #tpu.memory_space<vmem>>)
      %gt3A = arith.constant 0 : i32
      %gt3A_169 = arith.cmpi sgt, %scan3A_138, %gt3A : i32
      %convert_element_type3A = arith.extui %gt3A_169 : i1 to i32
      %cond3A = arith.constant 0 : i32
      %cond3A_170 = arith.cmpi ne, %convert_element_type3A, %cond3A : i32
      scf.if %cond3A_170 {
        %sub3A = arith.constant 1 : i32
        %sub3A_239 = arith.subi %scan3A_138, %sub3A : i32
        %add3A_240 = arith.addi %mul3A_2, %sub3A_239 : i32
        %mul3A_241 = arith.constant 60000 : i32
        %mul3A_242 = arith.muli %add3A_240, %mul3A_241 : i32
        %dma_wait3A_243 = tpu.memref_slice %arg4[%mul3A_242] : memref<245760000xf32, #tpu.memory_space<hbm>> -> memref<32000xf32, #tpu.memory_space<hbm>>
        %dma_wait3A_244 = tpu.memref_slice %arg4[%mul3A_242] : memref<245760000xf32, #tpu.memory_space<hbm>> -> memref<32000xf32, #tpu.memory_space<hbm>>
        tpu.wait_dma2 semaphore(%arg12 : memref<!tpu.dma_semaphore, #tpu.memory_space<semaphore_mem>>) src(%arg9 : memref<32000xf32, #tpu.memory_space<vmem>>) dst(%dma_wait3A_244 : memref<32000xf32, #tpu.memory_space<hbm>>)
      } else {
      }
      %scan3A_171 = arith.constant 0 : i32
      %scan3A_172 = arith.constant 0 : i32
      %scan3A_173 = arith.constant 10 : i32
      %scan3A_174 = arith.addi %scan3A_172, %scan3A_173 : i32
      %scan3A_175 = arith.constant 1 : i32
      scf.for %scan3A_239 = %scan3A_172 to %scan3A_174 step %scan3A_175  : i32 {
        %add3A_240 = arith.constant 0 : i32
        %add3A_241 = arith.addi %add3A_240, %scan3A_239 : i32
        %mul3A_242 = arith.constant 16 : i32
        %mul3A_243 = arith.muli %add3A_241, %mul3A_242 : i32
        %sub3A = arith.constant 0 : i32
        %sub3A_244 = arith.subi %mul3A_243, %sub3A : i32
        %mul3A_245 = arith.constant 200 : i32
        %mul3A_246 = arith.muli %sub3A_244, %mul3A_245 : i32
        %scan3A_247 = arith.constant 0 : i32
        %scan3A_248 = arith.constant 0 : i32
        %scan3A_249 = arith.constant 5 : i32
        %scan3A_250 = arith.addi %scan3A_248, %scan3A_249 : i32
        %scan3A_251 = arith.constant 1 : i32
        scf.for %scan3A_265 = %scan3A_248 to %scan3A_250 step %scan3A_251  : i32 {
          %mul3A_266 = arith.constant 16 : i32
          %mul3A_267 = arith.muli %scan3A_265, %mul3A_266 : i32
          %min3A = arith.constant 56 : i32
          %min3A_268 = arith.minsi %mul3A_267, %min3A : i32
          %add3A_269 = vector.broadcast %min3A_268 : i32 to vector<16xi32>
          %add3A_270 = arith.addi %iota3A, %add3A_269 : vector<16xi32>
          %add3A_271 = arith.constant 0 : i32
          %add3A_272 = arith.addi %mul3A_246, %add3A_271 : i32
          %add3A_273 = arith.addi %add3A_272, %min3A_268 : i32
          %add3A_274 = vector.broadcast %add3A_273 : i32 to vector<16xi32>
          %add3A_275 = arith.addi %add3A_274, %iota3A : vector<16xi32>
          %add3A_276 = vector.broadcast %mul3A_243 : i32 to vector<16xi32>
          %add3A_277 = arith.addi %add3A_276, %and3A_7 : vector<16xi32>
          %gather3A = tpu.vector_load_idx %arg6[%add3A_270, %add3A_277] : memref<72x304xf32, #tpu.memory_space<vmem>>[vector<16xi32>, vector<16xi32>], vector<16xf32>,
          %mul3A_278 = arith.constant 200 : i32
          %mul3A_279 = vector.broadcast %mul3A_278 : i32 to vector<16xi32>
          %mul3A_280 = arith.muli %and3A_7, %mul3A_279 : vector<16xi32>
          %add3A_281 = arith.addi %add3A_275, %mul3A_280 : vector<16xi32>
          tpu.vector_store_idx %arg9[%add3A_281], %gather3A : memref<32000xf32, #tpu.memory_space<vmem>>[vector<16xi32>], vector<16xf32>,
          %add3A_282 = vector.broadcast %mul3A_243 : i32 to vector<16xi32>
          %add3A_283 = arith.addi %add3A_282, %and3A_13 : vector<16xi32>
          %gather3A_284 = tpu.vector_load_idx %arg6[%add3A_270, %add3A_283] : memref<72x304xf32, #tpu.memory_space<vmem>>[vector<16xi32>, vector<16xi32>], vector<16xf32>,
          %mul3A_285 = arith.constant 200 : i32
          %mul3A_286 = vector.broadcast %mul3A_285 : i32 to vector<16xi32>
          %mul3A_287 = arith.muli %and3A_13, %mul3A_286 : vector<16xi32>
          %add3A_288 = arith.addi %add3A_275, %mul3A_287 : vector<16xi32>
          tpu.vector_store_idx %arg9[%add3A_288], %gather3A_284 : memref<32000xf32, #tpu.memory_space<vmem>>[vector<16xi32>], vector<16xf32>,
          %add3A_289 = vector.broadcast %mul3A_243 : i32 to vector<16xi32>
          %add3A_290 = arith.addi %add3A_289, %and3A_19 : vector<16xi32>
          %gather3A_291 = tpu.vector_load_idx %arg6[%add3A_270, %add3A_290] : memref<72x304xf32, #tpu.memory_space<vmem>>[vector<16xi32>, vector<16xi32>], vector<16xf32>,
          %mul3A_292 = arith.constant 200 : i32
          %mul3A_293 = vector.broadcast %mul3A_292 : i32 to vector<16xi32>
          %mul3A_294 = arith.muli %and3A_19, %mul3A_293 : vector<16xi32>
          %add3A_295 = arith.addi %add3A_275, %mul3A_294 : vector<16xi32>
          tpu.vector_store_idx %arg9[%add3A_295], %gather3A_291 : memref<32000xf32, #tpu.memory_space<vmem>>[vector<16xi32>], vector<16xf32>,
          %add3A_296 = vector.broadcast %mul3A_243 : i32 to vector<16xi32>
          %add3A_297 = arith.addi %add3A_296, %and3A_25 : vector<16xi32>
          %gather3A_298 = tpu.vector_load_idx %arg6[%add3A_270, %add3A_297] : memref<72x304xf32, #tpu.memory_space<vmem>>[vector<16xi32>, vector<16xi32>], vector<16xf32>,
          %mul3A_299 = arith.constant 200 : i32
          %mul3A_300 = vector.broadcast %mul3A_299 : i32 to vector<16xi32>
          %mul3A_301 = arith.muli %and3A_25, %mul3A_300 : vector<16xi32>
          %add3A_302 = arith.addi %add3A_275, %mul3A_301 : vector<16xi32>
          tpu.vector_store_idx %arg9[%add3A_302], %gather3A_298 : memref<32000xf32, #tpu.memory_space<vmem>>[vector<16xi32>], vector<16xf32>,
          %add3A_303 = vector.broadcast %mul3A_243 : i32 to vector<16xi32>
          %add3A_304 = arith.addi %add3A_303, %and3A_31 : vector<16xi32>
          %gather3A_305 = tpu.vector_load_idx %arg6[%add3A_270, %add3A_304] : memref<72x304xf32, #tpu.memory_space<vmem>>[vector<16xi32>, vector<16xi32>], vector<16xf32>,
          %mul3A_306 = arith.constant 200 : i32
          %mul3A_307 = vector.broadcast %mul3A_306 : i32 to vector<16xi32>
          %mul3A_308 = arith.muli %and3A_31, %mul3A_307 : vector<16xi32>
          %add3A_309 = arith.addi %add3A_275, %mul3A_308 : vector<16xi32>
          tpu.vector_store_idx %arg9[%add3A_309], %gather3A_305 : memref<32000xf32, #tpu.memory_space<vmem>>[vector<16xi32>], vector<16xf32>,
          %add3A_310 = vector.broadcast %mul3A_243 : i32 to vector<16xi32>
          %add3A_311 = arith.addi %add3A_310, %and3A_37 : vector<16xi32>
          %gather3A_312 = tpu.vector_load_idx %arg6[%add3A_270, %add3A_311] : memref<72x304xf32, #tpu.memory_space<vmem>>[vector<16xi32>, vector<16xi32>], vector<16xf32>,
          %mul3A_313 = arith.constant 200 : i32
          %mul3A_314 = vector.broadcast %mul3A_313 : i32 to vector<16xi32>
          %mul3A_315 = arith.muli %and3A_37, %mul3A_314 : vector<16xi32>
          %add3A_316 = arith.addi %add3A_275, %mul3A_315 : vector<16xi32>
          tpu.vector_store_idx %arg9[%add3A_316], %gather3A_312 : memref<32000xf32, #tpu.memory_space<vmem>>[vector<16xi32>], vector<16xf32>,
          %add3A_317 = vector.broadcast %mul3A_243 : i32 to vector<16xi32>
          %add3A_318 = arith.addi %add3A_317, %and3A_43 : vector<16xi32>
          %gather3A_319 = tpu.vector_load_idx %arg6[%add3A_270, %add3A_318] : memref<72x304xf32, #tpu.memory_space<vmem>>[vector<16xi32>, vector<16xi32>], vector<16xf32>,
          %mul3A_320 = arith.constant 200 : i32
          %mul3A_321 = vector.broadcast %mul3A_320 : i32 to vector<16xi32>
          %mul3A_322 = arith.muli %and3A_43, %mul3A_321 : vector<16xi32>
          %add3A_323 = arith.addi %add3A_275, %mul3A_322 : vector<16xi32>
          tpu.vector_store_idx %arg9[%add3A_323], %gather3A_319 : memref<32000xf32, #tpu.memory_space<vmem>>[vector<16xi32>], vector<16xf32>,
          %add3A_324 = vector.broadcast %mul3A_243 : i32 to vector<16xi32>
          %add3A_325 = arith.addi %add3A_324, %and3A_49 : vector<16xi32>
          %gather3A_326 = tpu.vector_load_idx %arg6[%add3A_270, %add3A_325] : memref<72x304xf32, #tpu.memory_space<vmem>>[vector<16xi32>, vector<16xi32>], vector<16xf32>,
          %mul3A_327 = arith.constant 200 : i32
          %mul3A_328 = vector.broadcast %mul3A_327 : i32 to vector<16xi32>
          %mul3A_329 = arith.muli %and3A_49, %mul3A_328 : vector<16xi32>
          %add3A_330 = arith.addi %add3A_275, %mul3A_329 : vector<16xi32>
          tpu.vector_store_idx %arg9[%add3A_330], %gather3A_326 : memref<32000xf32, #tpu.memory_space<vmem>>[vector<16xi32>], vector<16xf32>,
          %add3A_331 = vector.broadcast %mul3A_243 : i32 to vector<16xi32>
          %add3A_332 = arith.addi %add3A_331, %and3A_55 : vector<16xi32>
          %gather3A_333 = tpu.vector_load_idx %arg6[%add3A_270, %add3A_332] : memref<72x304xf32, #tpu.memory_space<vmem>>[vector<16xi32>, vector<16xi32>], vector<16xf32>,
          %mul3A_334 = arith.constant 200 : i32
          %mul3A_335 = vector.broadcast %mul3A_334 : i32 to vector<16xi32>
          %mul3A_336 = arith.muli %and3A_55, %mul3A_335 : vector<16xi32>
          %add3A_337 = arith.addi %add3A_275, %mul3A_336 : vector<16xi32>
          tpu.vector_store_idx %arg9[%add3A_337], %gather3A_333 : memref<32000xf32, #tpu.memory_space<vmem>>[vector<16xi32>], vector<16xf32>,
          %add3A_338 = vector.broadcast %mul3A_243 : i32 to vector<16xi32>
          %add3A_339 = arith.addi %add3A_338, %and3A_61 : vector<16xi32>
          %gather3A_340 = tpu.vector_load_idx %arg6[%add3A_270, %add3A_339] : memref<72x304xf32, #tpu.memory_space<vmem>>[vector<16xi32>, vector<16xi32>], vector<16xf32>,
          %mul3A_341 = arith.constant 200 : i32
          %mul3A_342 = vector.broadcast %mul3A_341 : i32 to vector<16xi32>
          %mul3A_343 = arith.muli %and3A_61, %mul3A_342 : vector<16xi32>
          %add3A_344 = arith.addi %add3A_275, %mul3A_343 : vector<16xi32>
          tpu.vector_store_idx %arg9[%add3A_344], %gather3A_340 : memref<32000xf32, #tpu.memory_space<vmem>>[vector<16xi32>], vector<16xf32>,
          %add3A_345 = vector.broadcast %mul3A_243 : i32 to vector<16xi32>
          %add3A_346 = arith.addi %add3A_345, %and3A_67 : vector<16xi32>
          %gather3A_347 = tpu.vector_load_idx %arg6[%add3A_270, %add3A_346] : memref<72x304xf32, #tpu.memory_space<vmem>>[vector<16xi32>, vector<16xi32>], vector<16xf32>,
          %mul3A_348 = arith.constant 200 : i32
          %mul3A_349 = vector.broadcast %mul3A_348 : i32 to vector<16xi32>
          %mul3A_350 = arith.muli %and3A_67, %mul3A_349 : vector<16xi32>
          %add3A_351 = arith.addi %add3A_275, %mul3A_350 : vector<16xi32>
          tpu.vector_store_idx %arg9[%add3A_351], %gather3A_347 : memref<32000xf32, #tpu.memory_space<vmem>>[vector<16xi32>], vector<16xf32>,
          %add3A_352 = vector.broadcast %mul3A_243 : i32 to vector<16xi32>
          %add3A_353 = arith.addi %add3A_352, %and3A_73 : vector<16xi32>
          %gather3A_354 = tpu.vector_load_idx %arg6[%add3A_270, %add3A_353] : memref<72x304xf32, #tpu.memory_space<vmem>>[vector<16xi32>, vector<16xi32>], vector<16xf32>,
          %mul3A_355 = arith.constant 200 : i32
          %mul3A_356 = vector.broadcast %mul3A_355 : i32 to vector<16xi32>
          %mul3A_357 = arith.muli %and3A_73, %mul3A_356 : vector<16xi32>
          %add3A_358 = arith.addi %add3A_275, %mul3A_357 : vector<16xi32>
          tpu.vector_store_idx %arg9[%add3A_358], %gather3A_354 : memref<32000xf32, #tpu.memory_space<vmem>>[vector<16xi32>], vector<16xf32>,
          %add3A_359 = vector.broadcast %mul3A_243 : i32 to vector<16xi32>
          %add3A_360 = arith.addi %add3A_359, %and3A_79 : vector<16xi32>
          %gather3A_361 = tpu.vector_load_idx %arg6[%add3A_270, %add3A_360] : memref<72x304xf32, #tpu.memory_space<vmem>>[vector<16xi32>, vector<16xi32>], vector<16xf32>,
          %mul3A_362 = arith.constant 200 : i32
          %mul3A_363 = vector.broadcast %mul3A_362 : i32 to vector<16xi32>
          %mul3A_364 = arith.muli %and3A_79, %mul3A_363 : vector<16xi32>
          %add3A_365 = arith.addi %add3A_275, %mul3A_364 : vector<16xi32>
          tpu.vector_store_idx %arg9[%add3A_365], %gather3A_361 : memref<32000xf32, #tpu.memory_space<vmem>>[vector<16xi32>], vector<16xf32>,
          %add3A_366 = vector.broadcast %mul3A_243 : i32 to vector<16xi32>
          %add3A_367 = arith.addi %add3A_366, %and3A_85 : vector<16xi32>
          %gather3A_368 = tpu.vector_load_idx %arg6[%add3A_270, %add3A_367] : memref<72x304xf32, #tpu.memory_space<vmem>>[vector<16xi32>, vector<16xi32>], vector<16xf32>,
          %mul3A_369 = arith.constant 200 : i32
          %mul3A_370 = vector.broadcast %mul3A_369 : i32 to vector<16xi32>
          %mul3A_371 = arith.muli %and3A_85, %mul3A_370 : vector<16xi32>
          %add3A_372 = arith.addi %add3A_275, %mul3A_371 : vector<16xi32>
          tpu.vector_store_idx %arg9[%add3A_372], %gather3A_368 : memref<32000xf32, #tpu.memory_space<vmem>>[vector<16xi32>], vector<16xf32>,
          %add3A_373 = vector.broadcast %mul3A_243 : i32 to vector<16xi32>
          %add3A_374 = arith.addi %add3A_373, %and3A_91 : vector<16xi32>
          %gather3A_375 = tpu.vector_load_idx %arg6[%add3A_270, %add3A_374] : memref<72x304xf32, #tpu.memory_space<vmem>>[vector<16xi32>, vector<16xi32>], vector<16xf32>,
          %mul3A_376 = arith.constant 200 : i32
          %mul3A_377 = vector.broadcast %mul3A_376 : i32 to vector<16xi32>
          %mul3A_378 = arith.muli %and3A_91, %mul3A_377 : vector<16xi32>
          %add3A_379 = arith.addi %add3A_275, %mul3A_378 : vector<16xi32>
          tpu.vector_store_idx %arg9[%add3A_379], %gather3A_375 : memref<32000xf32, #tpu.memory_space<vmem>>[vector<16xi32>], vector<16xf32>,
          %add3A_380 = vector.broadcast %mul3A_243 : i32 to vector<16xi32>
          %add3A_381 = arith.addi %add3A_380, %and3A_97 : vector<16xi32>
          %gather3A_382 = tpu.vector_load_idx %arg6[%add3A_270, %add3A_381] : memref<72x304xf32, #tpu.memory_space<vmem>>[vector<16xi32>, vector<16xi32>], vector<16xf32>,
          %mul3A_383 = arith.constant 200 : i32
          %mul3A_384 = vector.broadcast %mul3A_383 : i32 to vector<16xi32>
          %mul3A_385 = arith.muli %and3A_97, %mul3A_384 : vector<16xi32>
          %add3A_386 = arith.addi %add3A_275, %mul3A_385 : vector<16xi32>
          tpu.vector_store_idx %arg9[%add3A_386], %gather3A_382 : memref<32000xf32, #tpu.memory_space<vmem>>[vector<16xi32>], vector<16xf32>,
        }
        %scan3A_252 = arith.constant 5 : i32
        %scan3A_253 = arith.constant 0 : i32
        %scan3A_254 = arith.constant 0 : i32
        %scan3A_255 = arith.constant 4 : i32
        %scan3A_256 = arith.addi %scan3A_254, %scan3A_255 : i32
        %scan3A_257 = arith.constant 1 : i32
        scf.for %scan3A_265 = %scan3A_254 to %scan3A_256 step %scan3A_257  : i32 {
          %mul3A_266 = arith.constant 16 : i32
          %mul3A_267 = arith.muli %scan3A_265, %mul3A_266 : i32
          %min3A = arith.constant 48 : i32
          %min3A_268 = arith.minsi %mul3A_267, %min3A : i32
          %add3A_269 = vector.broadcast %min3A_268 : i32 to vector<16xi32>
          %add3A_270 = arith.addi %iota3A, %add3A_269 : vector<16xi32>
          %add3A_271 = arith.constant 72 : i32
          %add3A_272 = arith.addi %mul3A_246, %add3A_271 : i32
          %add3A_273 = arith.addi %add3A_272, %min3A_268 : i32
          %add3A_274 = vector.broadcast %add3A_273 : i32 to vector<16xi32>
          %add3A_275 = arith.addi %add3A_274, %iota3A : vector<16xi32>
          %add3A_276 = vector.broadcast %mul3A_243 : i32 to vector<16xi32>
          %add3A_277 = arith.addi %add3A_276, %and3A_7 : vector<16xi32>
          %gather3A = tpu.vector_load_idx %arg7[%add3A_270, %add3A_277] : memref<64x304xf32, #tpu.memory_space<vmem>>[vector<16xi32>, vector<16xi32>], vector<16xf32>,
          %mul3A_278 = arith.constant 200 : i32
          %mul3A_279 = vector.broadcast %mul3A_278 : i32 to vector<16xi32>
          %mul3A_280 = arith.muli %and3A_7, %mul3A_279 : vector<16xi32>
          %add3A_281 = arith.addi %add3A_275, %mul3A_280 : vector<16xi32>
          tpu.vector_store_idx %arg9[%add3A_281], %gather3A : memref<32000xf32, #tpu.memory_space<vmem>>[vector<16xi32>], vector<16xf32>,
          %add3A_282 = vector.broadcast %mul3A_243 : i32 to vector<16xi32>
          %add3A_283 = arith.addi %add3A_282, %and3A_13 : vector<16xi32>
          %gather3A_284 = tpu.vector_load_idx %arg7[%add3A_270, %add3A_283] : memref<64x304xf32, #tpu.memory_space<vmem>>[vector<16xi32>, vector<16xi32>], vector<16xf32>,
          %mul3A_285 = arith.constant 200 : i32
          %mul3A_286 = vector.broadcast %mul3A_285 : i32 to vector<16xi32>
          %mul3A_287 = arith.muli %and3A_13, %mul3A_286 : vector<16xi32>
          %add3A_288 = arith.addi %add3A_275, %mul3A_287 : vector<16xi32>
          tpu.vector_store_idx %arg9[%add3A_288], %gather3A_284 : memref<32000xf32, #tpu.memory_space<vmem>>[vector<16xi32>], vector<16xf32>,
          %add3A_289 = vector.broadcast %mul3A_243 : i32 to vector<16xi32>
          %add3A_290 = arith.addi %add3A_289, %and3A_19 : vector<16xi32>
          %gather3A_291 = tpu.vector_load_idx %arg7[%add3A_270, %add3A_290] : memref<64x304xf32, #tpu.memory_space<vmem>>[vector<16xi32>, vector<16xi32>], vector<16xf32>,
          %mul3A_292 = arith.constant 200 : i32
          %mul3A_293 = vector.broadcast %mul3A_292 : i32 to vector<16xi32>
          %mul3A_294 = arith.muli %and3A_19, %mul3A_293 : vector<16xi32>
          %add3A_295 = arith.addi %add3A_275, %mul3A_294 : vector<16xi32>
          tpu.vector_store_idx %arg9[%add3A_295], %gather3A_291 : memref<32000xf32, #tpu.memory_space<vmem>>[vector<16xi32>], vector<16xf32>,
          %add3A_296 = vector.broadcast %mul3A_243 : i32 to vector<16xi32>
          %add3A_297 = arith.addi %add3A_296, %and3A_25 : vector<16xi32>
          %gather3A_298 = tpu.vector_load_idx %arg7[%add3A_270, %add3A_297] : memref<64x304xf32, #tpu.memory_space<vmem>>[vector<16xi32>, vector<16xi32>], vector<16xf32>,
          %mul3A_299 = arith.constant 200 : i32
          %mul3A_300 = vector.broadcast %mul3A_299 : i32 to vector<16xi32>
          %mul3A_301 = arith.muli %and3A_25, %mul3A_300 : vector<16xi32>
          %add3A_302 = arith.addi %add3A_275, %mul3A_301 : vector<16xi32>
          tpu.vector_store_idx %arg9[%add3A_302], %gather3A_298 : memref<32000xf32, #tpu.memory_space<vmem>>[vector<16xi32>], vector<16xf32>,
          %add3A_303 = vector.broadcast %mul3A_243 : i32 to vector<16xi32>
          %add3A_304 = arith.addi %add3A_303, %and3A_31 : vector<16xi32>
          %gather3A_305 = tpu.vector_load_idx %arg7[%add3A_270, %add3A_304] : memref<64x304xf32, #tpu.memory_space<vmem>>[vector<16xi32>, vector<16xi32>], vector<16xf32>,
          %mul3A_306 = arith.constant 200 : i32
          %mul3A_307 = vector.broadcast %mul3A_306 : i32 to vector<16xi32>
          %mul3A_308 = arith.muli %and3A_31, %mul3A_307 : vector<16xi32>
          %add3A_309 = arith.addi %add3A_275, %mul3A_308 : vector<16xi32>
          tpu.vector_store_idx %arg9[%add3A_309], %gather3A_305 : memref<32000xf32, #tpu.memory_space<vmem>>[vector<16xi32>], vector<16xf32>,
          %add3A_310 = vector.broadcast %mul3A_243 : i32 to vector<16xi32>
          %add3A_311 = arith.addi %add3A_310, %and3A_37 : vector<16xi32>
          %gather3A_312 = tpu.vector_load_idx %arg7[%add3A_270, %add3A_311] : memref<64x304xf32, #tpu.memory_space<vmem>>[vector<16xi32>, vector<16xi32>], vector<16xf32>,
          %mul3A_313 = arith.constant 200 : i32
          %mul3A_314 = vector.broadcast %mul3A_313 : i32 to vector<16xi32>
          %mul3A_315 = arith.muli %and3A_37, %mul3A_314 : vector<16xi32>
          %add3A_316 = arith.addi %add3A_275, %mul3A_315 : vector<16xi32>
          tpu.vector_store_idx %arg9[%add3A_316], %gather3A_312 : memref<32000xf32, #tpu.memory_space<vmem>>[vector<16xi32>], vector<16xf32>,
          %add3A_317 = vector.broadcast %mul3A_243 : i32 to vector<16xi32>
          %add3A_318 = arith.addi %add3A_317, %and3A_43 : vector<16xi32>
          %gather3A_319 = tpu.vector_load_idx %arg7[%add3A_270, %add3A_318] : memref<64x304xf32, #tpu.memory_space<vmem>>[vector<16xi32>, vector<16xi32>], vector<16xf32>,
          %mul3A_320 = arith.constant 200 : i32
          %mul3A_321 = vector.broadcast %mul3A_320 : i32 to vector<16xi32>
          %mul3A_322 = arith.muli %and3A_43, %mul3A_321 : vector<16xi32>
          %add3A_323 = arith.addi %add3A_275, %mul3A_322 : vector<16xi32>
          tpu.vector_store_idx %arg9[%add3A_323], %gather3A_319 : memref<32000xf32, #tpu.memory_space<vmem>>[vector<16xi32>], vector<16xf32>,
          %add3A_324 = vector.broadcast %mul3A_243 : i32 to vector<16xi32>
          %add3A_325 = arith.addi %add3A_324, %and3A_49 : vector<16xi32>
          %gather3A_326 = tpu.vector_load_idx %arg7[%add3A_270, %add3A_325] : memref<64x304xf32, #tpu.memory_space<vmem>>[vector<16xi32>, vector<16xi32>], vector<16xf32>,
          %mul3A_327 = arith.constant 200 : i32
          %mul3A_328 = vector.broadcast %mul3A_327 : i32 to vector<16xi32>
          %mul3A_329 = arith.muli %and3A_49, %mul3A_328 : vector<16xi32>
          %add3A_330 = arith.addi %add3A_275, %mul3A_329 : vector<16xi32>
          tpu.vector_store_idx %arg9[%add3A_330], %gather3A_326 : memref<32000xf32, #tpu.memory_space<vmem>>[vector<16xi32>], vector<16xf32>,
          %add3A_331 = vector.broadcast %mul3A_243 : i32 to vector<16xi32>
          %add3A_332 = arith.addi %add3A_331, %and3A_55 : vector<16xi32>
          %gather3A_333 = tpu.vector_load_idx %arg7[%add3A_270, %add3A_332] : memref<64x304xf32, #tpu.memory_space<vmem>>[vector<16xi32>, vector<16xi32>], vector<16xf32>,
          %mul3A_334 = arith.constant 200 : i32
          %mul3A_335 = vector.broadcast %mul3A_334 : i32 to vector<16xi32>
          %mul3A_336 = arith.muli %and3A_55, %mul3A_335 : vector<16xi32>
          %add3A_337 = arith.addi %add3A_275, %mul3A_336 : vector<16xi32>
          tpu.vector_store_idx %arg9[%add3A_337], %gather3A_333 : memref<32000xf32, #tpu.memory_space<vmem>>[vector<16xi32>], vector<16xf32>,
          %add3A_338 = vector.broadcast %mul3A_243 : i32 to vector<16xi32>
          %add3A_339 = arith.addi %add3A_338, %and3A_61 : vector<16xi32>
          %gather3A_340 = tpu.vector_load_idx %arg7[%add3A_270, %add3A_339] : memref<64x304xf32, #tpu.memory_space<vmem>>[vector<16xi32>, vector<16xi32>], vector<16xf32>,
          %mul3A_341 = arith.constant 200 : i32
          %mul3A_342 = vector.broadcast %mul3A_341 : i32 to vector<16xi32>
          %mul3A_343 = arith.muli %and3A_61, %mul3A_342 : vector<16xi32>
          %add3A_344 = arith.addi %add3A_275, %mul3A_343 : vector<16xi32>
          tpu.vector_store_idx %arg9[%add3A_344], %gather3A_340 : memref<32000xf32, #tpu.memory_space<vmem>>[vector<16xi32>], vector<16xf32>,
          %add3A_345 = vector.broadcast %mul3A_243 : i32 to vector<16xi32>
          %add3A_346 = arith.addi %add3A_345, %and3A_67 : vector<16xi32>
          %gather3A_347 = tpu.vector_load_idx %arg7[%add3A_270, %add3A_346] : memref<64x304xf32, #tpu.memory_space<vmem>>[vector<16xi32>, vector<16xi32>], vector<16xf32>,
          %mul3A_348 = arith.constant 200 : i32
          %mul3A_349 = vector.broadcast %mul3A_348 : i32 to vector<16xi32>
          %mul3A_350 = arith.muli %and3A_67, %mul3A_349 : vector<16xi32>
          %add3A_351 = arith.addi %add3A_275, %mul3A_350 : vector<16xi32>
          tpu.vector_store_idx %arg9[%add3A_351], %gather3A_347 : memref<32000xf32, #tpu.memory_space<vmem>>[vector<16xi32>], vector<16xf32>,
          %add3A_352 = vector.broadcast %mul3A_243 : i32 to vector<16xi32>
          %add3A_353 = arith.addi %add3A_352, %and3A_73 : vector<16xi32>
          %gather3A_354 = tpu.vector_load_idx %arg7[%add3A_270, %add3A_353] : memref<64x304xf32, #tpu.memory_space<vmem>>[vector<16xi32>, vector<16xi32>], vector<16xf32>,
          %mul3A_355 = arith.constant 200 : i32
          %mul3A_356 = vector.broadcast %mul3A_355 : i32 to vector<16xi32>
          %mul3A_357 = arith.muli %and3A_73, %mul3A_356 : vector<16xi32>
          %add3A_358 = arith.addi %add3A_275, %mul3A_357 : vector<16xi32>
          tpu.vector_store_idx %arg9[%add3A_358], %gather3A_354 : memref<32000xf32, #tpu.memory_space<vmem>>[vector<16xi32>], vector<16xf32>,
          %add3A_359 = vector.broadcast %mul3A_243 : i32 to vector<16xi32>
          %add3A_360 = arith.addi %add3A_359, %and3A_79 : vector<16xi32>
          %gather3A_361 = tpu.vector_load_idx %arg7[%add3A_270, %add3A_360] : memref<64x304xf32, #tpu.memory_space<vmem>>[vector<16xi32>, vector<16xi32>], vector<16xf32>,
          %mul3A_362 = arith.constant 200 : i32
          %mul3A_363 = vector.broadcast %mul3A_362 : i32 to vector<16xi32>
          %mul3A_364 = arith.muli %and3A_79, %mul3A_363 : vector<16xi32>
          %add3A_365 = arith.addi %add3A_275, %mul3A_364 : vector<16xi32>
          tpu.vector_store_idx %arg9[%add3A_365], %gather3A_361 : memref<32000xf32, #tpu.memory_space<vmem>>[vector<16xi32>], vector<16xf32>,
          %add3A_366 = vector.broadcast %mul3A_243 : i32 to vector<16xi32>
          %add3A_367 = arith.addi %add3A_366, %and3A_85 : vector<16xi32>
          %gather3A_368 = tpu.vector_load_idx %arg7[%add3A_270, %add3A_367] : memref<64x304xf32, #tpu.memory_space<vmem>>[vector<16xi32>, vector<16xi32>], vector<16xf32>,
          %mul3A_369 = arith.constant 200 : i32
          %mul3A_370 = vector.broadcast %mul3A_369 : i32 to vector<16xi32>
          %mul3A_371 = arith.muli %and3A_85, %mul3A_370 : vector<16xi32>
          %add3A_372 = arith.addi %add3A_275, %mul3A_371 : vector<16xi32>
          tpu.vector_store_idx %arg9[%add3A_372], %gather3A_368 : memref<32000xf32, #tpu.memory_space<vmem>>[vector<16xi32>], vector<16xf32>,
          %add3A_373 = vector.broadcast %mul3A_243 : i32 to vector<16xi32>
          %add3A_374 = arith.addi %add3A_373, %and3A_91 : vector<16xi32>
          %gather3A_375 = tpu.vector_load_idx %arg7[%add3A_270, %add3A_374] : memref<64x304xf32, #tpu.memory_space<vmem>>[vector<16xi32>, vector<16xi32>], vector<16xf32>,
          %mul3A_376 = arith.constant 200 : i32
          %mul3A_377 = vector.broadcast %mul3A_376 : i32 to vector<16xi32>
          %mul3A_378 = arith.muli %and3A_91, %mul3A_377 : vector<16xi32>
          %add3A_379 = arith.addi %add3A_275, %mul3A_378 : vector<16xi32>
          tpu.vector_store_idx %arg9[%add3A_379], %gather3A_375 : memref<32000xf32, #tpu.memory_space<vmem>>[vector<16xi32>], vector<16xf32>,
          %add3A_380 = vector.broadcast %mul3A_243 : i32 to vector<16xi32>
          %add3A_381 = arith.addi %add3A_380, %and3A_97 : vector<16xi32>
          %gather3A_382 = tpu.vector_load_idx %arg7[%add3A_270, %add3A_381] : memref<64x304xf32, #tpu.memory_space<vmem>>[vector<16xi32>, vector<16xi32>], vector<16xf32>,
          %mul3A_383 = arith.constant 200 : i32
          %mul3A_384 = vector.broadcast %mul3A_383 : i32 to vector<16xi32>
          %mul3A_385 = arith.muli %and3A_97, %mul3A_384 : vector<16xi32>
          %add3A_386 = arith.addi %add3A_275, %mul3A_385 : vector<16xi32>
          tpu.vector_store_idx %arg9[%add3A_386], %gather3A_382 : memref<32000xf32, #tpu.memory_space<vmem>>[vector<16xi32>], vector<16xf32>,
        }
        %scan3A_258 = arith.constant 4 : i32
        %scan3A_259 = arith.constant 0 : i32
        %scan3A_260 = arith.constant 0 : i32
        %scan3A_261 = arith.constant 4 : i32
        %scan3A_262 = arith.addi %scan3A_260, %scan3A_261 : i32
        %scan3A_263 = arith.constant 1 : i32
        scf.for %scan3A_265 = %scan3A_260 to %scan3A_262 step %scan3A_263  : i32 {
          %mul3A_266 = arith.constant 16 : i32
          %mul3A_267 = arith.muli %scan3A_265, %mul3A_266 : i32
          %min3A = arith.constant 48 : i32
          %min3A_268 = arith.minsi %mul3A_267, %min3A : i32
          %add3A_269 = vector.broadcast %min3A_268 : i32 to vector<16xi32>
          %add3A_270 = arith.addi %iota3A, %add3A_269 : vector<16xi32>
          %add3A_271 = arith.constant 136 : i32
          %add3A_272 = arith.addi %mul3A_246, %add3A_271 : i32
          %add3A_273 = arith.addi %add3A_272, %min3A_268 : i32
          %add3A_274 = vector.broadcast %add3A_273 : i32 to vector<16xi32>
          %add3A_275 = arith.addi %add3A_274, %iota3A : vector<16xi32>
          %add3A_276 = vector.broadcast %mul3A_243 : i32 to vector<16xi32>
          %add3A_277 = arith.addi %add3A_276, %and3A_7 : vector<16xi32>
          %gather3A = tpu.vector_load_idx %arg8[%add3A_270, %add3A_277] : memref<64x304xf32, #tpu.memory_space<vmem>>[vector<16xi32>, vector<16xi32>], vector<16xf32>,
          %mul3A_278 = arith.constant 200 : i32
          %mul3A_279 = vector.broadcast %mul3A_278 : i32 to vector<16xi32>
          %mul3A_280 = arith.muli %and3A_7, %mul3A_279 : vector<16xi32>
          %add3A_281 = arith.addi %add3A_275, %mul3A_280 : vector<16xi32>
          tpu.vector_store_idx %arg9[%add3A_281], %gather3A : memref<32000xf32, #tpu.memory_space<vmem>>[vector<16xi32>], vector<16xf32>,
          %add3A_282 = vector.broadcast %mul3A_243 : i32 to vector<16xi32>
          %add3A_283 = arith.addi %add3A_282, %and3A_13 : vector<16xi32>
          %gather3A_284 = tpu.vector_load_idx %arg8[%add3A_270, %add3A_283] : memref<64x304xf32, #tpu.memory_space<vmem>>[vector<16xi32>, vector<16xi32>], vector<16xf32>,
          %mul3A_285 = arith.constant 200 : i32
          %mul3A_286 = vector.broadcast %mul3A_285 : i32 to vector<16xi32>
          %mul3A_287 = arith.muli %and3A_13, %mul3A_286 : vector<16xi32>
          %add3A_288 = arith.addi %add3A_275, %mul3A_287 : vector<16xi32>
          tpu.vector_store_idx %arg9[%add3A_288], %gather3A_284 : memref<32000xf32, #tpu.memory_space<vmem>>[vector<16xi32>], vector<16xf32>,
          %add3A_289 = vector.broadcast %mul3A_243 : i32 to vector<16xi32>
          %add3A_290 = arith.addi %add3A_289, %and3A_19 : vector<16xi32>
          %gather3A_291 = tpu.vector_load_idx %arg8[%add3A_270, %add3A_290] : memref<64x304xf32, #tpu.memory_space<vmem>>[vector<16xi32>, vector<16xi32>], vector<16xf32>,
          %mul3A_292 = arith.constant 200 : i32
          %mul3A_293 = vector.broadcast %mul3A_292 : i32 to vector<16xi32>
          %mul3A_294 = arith.muli %and3A_19, %mul3A_293 : vector<16xi32>
          %add3A_295 = arith.addi %add3A_275, %mul3A_294 : vector<16xi32>
          tpu.vector_store_idx %arg9[%add3A_295], %gather3A_291 : memref<32000xf32, #tpu.memory_space<vmem>>[vector<16xi32>], vector<16xf32>,
          %add3A_296 = vector.broadcast %mul3A_243 : i32 to vector<16xi32>
          %add3A_297 = arith.addi %add3A_296, %and3A_25 : vector<16xi32>
          %gather3A_298 = tpu.vector_load_idx %arg8[%add3A_270, %add3A_297] : memref<64x304xf32, #tpu.memory_space<vmem>>[vector<16xi32>, vector<16xi32>], vector<16xf32>,
          %mul3A_299 = arith.constant 200 : i32
          %mul3A_300 = vector.broadcast %mul3A_299 : i32 to vector<16xi32>
          %mul3A_301 = arith.muli %and3A_25, %mul3A_300 : vector<16xi32>
          %add3A_302 = arith.addi %add3A_275, %mul3A_301 : vector<16xi32>
          tpu.vector_store_idx %arg9[%add3A_302], %gather3A_298 : memref<32000xf32, #tpu.memory_space<vmem>>[vector<16xi32>], vector<16xf32>,
          %add3A_303 = vector.broadcast %mul3A_243 : i32 to vector<16xi32>
          %add3A_304 = arith.addi %add3A_303, %and3A_31 : vector<16xi32>
          %gather3A_305 = tpu.vector_load_idx %arg8[%add3A_270, %add3A_304] : memref<64x304xf32, #tpu.memory_space<vmem>>[vector<16xi32>, vector<16xi32>], vector<16xf32>,
          %mul3A_306 = arith.constant 200 : i32
          %mul3A_307 = vector.broadcast %mul3A_306 : i32 to vector<16xi32>
          %mul3A_308 = arith.muli %and3A_31, %mul3A_307 : vector<16xi32>
          %add3A_309 = arith.addi %add3A_275, %mul3A_308 : vector<16xi32>
          tpu.vector_store_idx %arg9[%add3A_309], %gather3A_305 : memref<32000xf32, #tpu.memory_space<vmem>>[vector<16xi32>], vector<16xf32>,
          %add3A_310 = vector.broadcast %mul3A_243 : i32 to vector<16xi32>
          %add3A_311 = arith.addi %add3A_310, %and3A_37 : vector<16xi32>
          %gather3A_312 = tpu.vector_load_idx %arg8[%add3A_270, %add3A_311] : memref<64x304xf32, #tpu.memory_space<vmem>>[vector<16xi32>, vector<16xi32>], vector<16xf32>,
          %mul3A_313 = arith.constant 200 : i32
          %mul3A_314 = vector.broadcast %mul3A_313 : i32 to vector<16xi32>
          %mul3A_315 = arith.muli %and3A_37, %mul3A_314 : vector<16xi32>
          %add3A_316 = arith.addi %add3A_275, %mul3A_315 : vector<16xi32>
          tpu.vector_store_idx %arg9[%add3A_316], %gather3A_312 : memref<32000xf32, #tpu.memory_space<vmem>>[vector<16xi32>], vector<16xf32>,
          %add3A_317 = vector.broadcast %mul3A_243 : i32 to vector<16xi32>
          %add3A_318 = arith.addi %add3A_317, %and3A_43 : vector<16xi32>
          %gather3A_319 = tpu.vector_load_idx %arg8[%add3A_270, %add3A_318] : memref<64x304xf32, #tpu.memory_space<vmem>>[vector<16xi32>, vector<16xi32>], vector<16xf32>,
          %mul3A_320 = arith.constant 200 : i32
          %mul3A_321 = vector.broadcast %mul3A_320 : i32 to vector<16xi32>
          %mul3A_322 = arith.muli %and3A_43, %mul3A_321 : vector<16xi32>
          %add3A_323 = arith.addi %add3A_275, %mul3A_322 : vector<16xi32>
          tpu.vector_store_idx %arg9[%add3A_323], %gather3A_319 : memref<32000xf32, #tpu.memory_space<vmem>>[vector<16xi32>], vector<16xf32>,
          %add3A_324 = vector.broadcast %mul3A_243 : i32 to vector<16xi32>
          %add3A_325 = arith.addi %add3A_324, %and3A_49 : vector<16xi32>
          %gather3A_326 = tpu.vector_load_idx %arg8[%add3A_270, %add3A_325] : memref<64x304xf32, #tpu.memory_space<vmem>>[vector<16xi32>, vector<16xi32>], vector<16xf32>,
          %mul3A_327 = arith.constant 200 : i32
          %mul3A_328 = vector.broadcast %mul3A_327 : i32 to vector<16xi32>
          %mul3A_329 = arith.muli %and3A_49, %mul3A_328 : vector<16xi32>
          %add3A_330 = arith.addi %add3A_275, %mul3A_329 : vector<16xi32>
          tpu.vector_store_idx %arg9[%add3A_330], %gather3A_326 : memref<32000xf32, #tpu.memory_space<vmem>>[vector<16xi32>], vector<16xf32>,
          %add3A_331 = vector.broadcast %mul3A_243 : i32 to vector<16xi32>
          %add3A_332 = arith.addi %add3A_331, %and3A_55 : vector<16xi32>
          %gather3A_333 = tpu.vector_load_idx %arg8[%add3A_270, %add3A_332] : memref<64x304xf32, #tpu.memory_space<vmem>>[vector<16xi32>, vector<16xi32>], vector<16xf32>,
          %mul3A_334 = arith.constant 200 : i32
          %mul3A_335 = vector.broadcast %mul3A_334 : i32 to vector<16xi32>
          %mul3A_336 = arith.muli %and3A_55, %mul3A_335 : vector<16xi32>
          %add3A_337 = arith.addi %add3A_275, %mul3A_336 : vector<16xi32>
          tpu.vector_store_idx %arg9[%add3A_337], %gather3A_333 : memref<32000xf32, #tpu.memory_space<vmem>>[vector<16xi32>], vector<16xf32>,
          %add3A_338 = vector.broadcast %mul3A_243 : i32 to vector<16xi32>
          %add3A_339 = arith.addi %add3A_338, %and3A_61 : vector<16xi32>
          %gather3A_340 = tpu.vector_load_idx %arg8[%add3A_270, %add3A_339] : memref<64x304xf32, #tpu.memory_space<vmem>>[vector<16xi32>, vector<16xi32>], vector<16xf32>,
          %mul3A_341 = arith.constant 200 : i32
          %mul3A_342 = vector.broadcast %mul3A_341 : i32 to vector<16xi32>
          %mul3A_343 = arith.muli %and3A_61, %mul3A_342 : vector<16xi32>
          %add3A_344 = arith.addi %add3A_275, %mul3A_343 : vector<16xi32>
          tpu.vector_store_idx %arg9[%add3A_344], %gather3A_340 : memref<32000xf32, #tpu.memory_space<vmem>>[vector<16xi32>], vector<16xf32>,
          %add3A_345 = vector.broadcast %mul3A_243 : i32 to vector<16xi32>
          %add3A_346 = arith.addi %add3A_345, %and3A_67 : vector<16xi32>
          %gather3A_347 = tpu.vector_load_idx %arg8[%add3A_270, %add3A_346] : memref<64x304xf32, #tpu.memory_space<vmem>>[vector<16xi32>, vector<16xi32>], vector<16xf32>,
          %mul3A_348 = arith.constant 200 : i32
          %mul3A_349 = vector.broadcast %mul3A_348 : i32 to vector<16xi32>
          %mul3A_350 = arith.muli %and3A_67, %mul3A_349 : vector<16xi32>
          %add3A_351 = arith.addi %add3A_275, %mul3A_350 : vector<16xi32>
          tpu.vector_store_idx %arg9[%add3A_351], %gather3A_347 : memref<32000xf32, #tpu.memory_space<vmem>>[vector<16xi32>], vector<16xf32>,
          %add3A_352 = vector.broadcast %mul3A_243 : i32 to vector<16xi32>
          %add3A_353 = arith.addi %add3A_352, %and3A_73 : vector<16xi32>
          %gather3A_354 = tpu.vector_load_idx %arg8[%add3A_270, %add3A_353] : memref<64x304xf32, #tpu.memory_space<vmem>>[vector<16xi32>, vector<16xi32>], vector<16xf32>,
          %mul3A_355 = arith.constant 200 : i32
          %mul3A_356 = vector.broadcast %mul3A_355 : i32 to vector<16xi32>
          %mul3A_357 = arith.muli %and3A_73, %mul3A_356 : vector<16xi32>
          %add3A_358 = arith.addi %add3A_275, %mul3A_357 : vector<16xi32>
          tpu.vector_store_idx %arg9[%add3A_358], %gather3A_354 : memref<32000xf32, #tpu.memory_space<vmem>>[vector<16xi32>], vector<16xf32>,
          %add3A_359 = vector.broadcast %mul3A_243 : i32 to vector<16xi32>
          %add3A_360 = arith.addi %add3A_359, %and3A_79 : vector<16xi32>
          %gather3A_361 = tpu.vector_load_idx %arg8[%add3A_270, %add3A_360] : memref<64x304xf32, #tpu.memory_space<vmem>>[vector<16xi32>, vector<16xi32>], vector<16xf32>,
          %mul3A_362 = arith.constant 200 : i32
          %mul3A_363 = vector.broadcast %mul3A_362 : i32 to vector<16xi32>
          %mul3A_364 = arith.muli %and3A_79, %mul3A_363 : vector<16xi32>
          %add3A_365 = arith.addi %add3A_275, %mul3A_364 : vector<16xi32>
          tpu.vector_store_idx %arg9[%add3A_365], %gather3A_361 : memref<32000xf32, #tpu.memory_space<vmem>>[vector<16xi32>], vector<16xf32>,
          %add3A_366 = vector.broadcast %mul3A_243 : i32 to vector<16xi32>
          %add3A_367 = arith.addi %add3A_366, %and3A_85 : vector<16xi32>
          %gather3A_368 = tpu.vector_load_idx %arg8[%add3A_270, %add3A_367] : memref<64x304xf32, #tpu.memory_space<vmem>>[vector<16xi32>, vector<16xi32>], vector<16xf32>,
          %mul3A_369 = arith.constant 200 : i32
          %mul3A_370 = vector.broadcast %mul3A_369 : i32 to vector<16xi32>
          %mul3A_371 = arith.muli %and3A_85, %mul3A_370 : vector<16xi32>
          %add3A_372 = arith.addi %add3A_275, %mul3A_371 : vector<16xi32>
          tpu.vector_store_idx %arg9[%add3A_372], %gather3A_368 : memref<32000xf32, #tpu.memory_space<vmem>>[vector<16xi32>], vector<16xf32>,
          %add3A_373 = vector.broadcast %mul3A_243 : i32 to vector<16xi32>
          %add3A_374 = arith.addi %add3A_373, %and3A_91 : vector<16xi32>
          %gather3A_375 = tpu.vector_load_idx %arg8[%add3A_270, %add3A_374] : memref<64x304xf32, #tpu.memory_space<vmem>>[vector<16xi32>, vector<16xi32>], vector<16xf32>,
          %mul3A_376 = arith.constant 200 : i32
          %mul3A_377 = vector.broadcast %mul3A_376 : i32 to vector<16xi32>
          %mul3A_378 = arith.muli %and3A_91, %mul3A_377 : vector<16xi32>
          %add3A_379 = arith.addi %add3A_275, %mul3A_378 : vector<16xi32>
          tpu.vector_store_idx %arg9[%add3A_379], %gather3A_375 : memref<32000xf32, #tpu.memory_space<vmem>>[vector<16xi32>], vector<16xf32>,
          %add3A_380 = vector.broadcast %mul3A_243 : i32 to vector<16xi32>
          %add3A_381 = arith.addi %add3A_380, %and3A_97 : vector<16xi32>
          %gather3A_382 = tpu.vector_load_idx %arg8[%add3A_270, %add3A_381] : memref<64x304xf32, #tpu.memory_space<vmem>>[vector<16xi32>, vector<16xi32>], vector<16xf32>,
          %mul3A_383 = arith.constant 200 : i32
          %mul3A_384 = vector.broadcast %mul3A_383 : i32 to vector<16xi32>
          %mul3A_385 = arith.muli %and3A_97, %mul3A_384 : vector<16xi32>
          %add3A_386 = arith.addi %add3A_275, %mul3A_385 : vector<16xi32>
          tpu.vector_store_idx %arg9[%add3A_386], %gather3A_382 : memref<32000xf32, #tpu.memory_space<vmem>>[vector<16xi32>], vector<16xf32>,
        }
        %scan3A_264 = arith.constant 4 : i32
      }
      %scan3A_176 = arith.constant 10 : i32
      %add3A_177 = arith.addi %mul3A_2, %scan3A_138 : i32
      %mul3A_178 = arith.constant 60000 : i32
      %mul3A_179 = arith.muli %add3A_177, %mul3A_178 : i32
      %dma_start3A_180 = tpu.memref_slice %arg4[%mul3A_179] : memref<245760000xf32, #tpu.memory_space<hbm>> -> memref<32000xf32, #tpu.memory_space<hbm>>
      %dma_start3A_181 = tpu.memref_slice %arg4[%mul3A_179] : memref<245760000xf32, #tpu.memory_space<hbm>> -> memref<32000xf32, #tpu.memory_space<hbm>>
      tpu.enqueue_dma source(%arg9 : memref<32000xf32, #tpu.memory_space<vmem>>) target(%dma_start3A_181 : memref<32000xf32, #tpu.memory_space<hbm>>) target_semaphore(%arg12 : memref<!tpu.dma_semaphore, #tpu.memory_space<semaphore_mem>>)
      %gt3A_182 = arith.constant 0 : i32
      %gt3A_183 = arith.cmpi sgt, %scan3A_138, %gt3A_182 : i32
      %convert_element_type3A_184 = arith.extui %gt3A_183 : i1 to i32
      %cond3A_185 = arith.constant 0 : i32
      %cond3A_186 = arith.cmpi ne, %convert_element_type3A_184, %cond3A_185 : i32
      scf.if %cond3A_186 {
        %sub3A = arith.constant 1 : i32
        %sub3A_239 = arith.subi %scan3A_138, %sub3A : i32
        %add3A_240 = arith.addi %mul3A_2, %sub3A_239 : i32
        %mul3A_241 = arith.constant 60000 : i32
        %mul3A_242 = arith.muli %add3A_240, %mul3A_241 : i32
        %add3A_243 = arith.constant 32000 : i32
        %add3A_244 = arith.addi %mul3A_242, %add3A_243 : i32
        %dma_wait3A_245 = arith.constant 0 : i32
        %dma_wait3A_246 = tpu.memref_slice %arg10[%dma_wait3A_245] : memref<28800xf32, #tpu.memory_space<vmem>> -> memref<28000xf32, #tpu.memory_space<vmem>>
        %dma_wait3A_247 = tpu.memref_slice %arg4[%add3A_244] : memref<245760000xf32, #tpu.memory_space<hbm>> -> memref<28000xf32, #tpu.memory_space<hbm>>
        %dma_wait3A_248 = tpu.memref_slice %arg4[%add3A_244] : memref<245760000xf32, #tpu.memory_space<hbm>> -> memref<28000xf32, #tpu.memory_space<hbm>>
        %dma_wait3A_249 = arith.constant 0 : i32
        %dma_wait3A_250 = tpu.memref_slice %arg10[%dma_wait3A_249] : memref<28800xf32, #tpu.memory_space<vmem>> -> memref<28000xf32, #tpu.memory_space<vmem>>
        tpu.wait_dma2 semaphore(%arg13 : memref<!tpu.dma_semaphore, #tpu.memory_space<semaphore_mem>>) src(%dma_wait3A_250 : memref<28000xf32, #tpu.memory_space<vmem>>) dst(%dma_wait3A_248 : memref<28000xf32, #tpu.memory_space<hbm>>)
      } else {
      }
      %scan3A_187 = arith.constant 0 : i32
      %scan3A_188 = arith.constant 0 : i32
      %scan3A_189 = arith.constant 9 : i32
      %scan3A_190 = arith.addi %scan3A_188, %scan3A_189 : i32
      %scan3A_191 = arith.constant 1 : i32
      scf.for %scan3A_239 = %scan3A_188 to %scan3A_190 step %scan3A_191  : i32 {
        %add3A_240 = arith.constant 10 : i32
        %add3A_241 = arith.addi %add3A_240, %scan3A_239 : i32
        %mul3A_242 = arith.constant 16 : i32
        %mul3A_243 = arith.muli %add3A_241, %mul3A_242 : i32
        %sub3A = arith.constant 160 : i32
        %sub3A_244 = arith.subi %mul3A_243, %sub3A : i32
        %mul3A_245 = arith.constant 200 : i32
        %mul3A_246 = arith.muli %sub3A_244, %mul3A_245 : i32
        %scan3A_247 = arith.constant 0 : i32
        %scan3A_248 = arith.constant 0 : i32
        %scan3A_249 = arith.constant 5 : i32
        %scan3A_250 = arith.addi %scan3A_248, %scan3A_249 : i32
        %scan3A_251 = arith.constant 1 : i32
        scf.for %scan3A_265 = %scan3A_248 to %scan3A_250 step %scan3A_251  : i32 {
          %mul3A_266 = arith.constant 16 : i32
          %mul3A_267 = arith.muli %scan3A_265, %mul3A_266 : i32
          %min3A = arith.constant 56 : i32
          %min3A_268 = arith.minsi %mul3A_267, %min3A : i32
          %add3A_269 = vector.broadcast %min3A_268 : i32 to vector<16xi32>
          %add3A_270 = arith.addi %iota3A, %add3A_269 : vector<16xi32>
          %add3A_271 = arith.constant 0 : i32
          %add3A_272 = arith.addi %mul3A_246, %add3A_271 : i32
          %add3A_273 = arith.addi %add3A_272, %min3A_268 : i32
          %add3A_274 = vector.broadcast %add3A_273 : i32 to vector<16xi32>
          %add3A_275 = arith.addi %add3A_274, %iota3A : vector<16xi32>
          %add3A_276 = vector.broadcast %mul3A_243 : i32 to vector<16xi32>
          %add3A_277 = arith.addi %add3A_276, %and3A_7 : vector<16xi32>
          %gather3A = tpu.vector_load_idx %arg6[%add3A_270, %add3A_277] : memref<72x304xf32, #tpu.memory_space<vmem>>[vector<16xi32>, vector<16xi32>], vector<16xf32>,
          %mul3A_278 = arith.constant 200 : i32
          %mul3A_279 = vector.broadcast %mul3A_278 : i32 to vector<16xi32>
          %mul3A_280 = arith.muli %and3A_7, %mul3A_279 : vector<16xi32>
          %add3A_281 = arith.addi %add3A_275, %mul3A_280 : vector<16xi32>
          tpu.vector_store_idx %arg10[%add3A_281], %gather3A : memref<28800xf32, #tpu.memory_space<vmem>>[vector<16xi32>], vector<16xf32>,
          %add3A_282 = vector.broadcast %mul3A_243 : i32 to vector<16xi32>
          %add3A_283 = arith.addi %add3A_282, %and3A_13 : vector<16xi32>
          %gather3A_284 = tpu.vector_load_idx %arg6[%add3A_270, %add3A_283] : memref<72x304xf32, #tpu.memory_space<vmem>>[vector<16xi32>, vector<16xi32>], vector<16xf32>,
          %mul3A_285 = arith.constant 200 : i32
          %mul3A_286 = vector.broadcast %mul3A_285 : i32 to vector<16xi32>
          %mul3A_287 = arith.muli %and3A_13, %mul3A_286 : vector<16xi32>
          %add3A_288 = arith.addi %add3A_275, %mul3A_287 : vector<16xi32>
          tpu.vector_store_idx %arg10[%add3A_288], %gather3A_284 : memref<28800xf32, #tpu.memory_space<vmem>>[vector<16xi32>], vector<16xf32>,
          %add3A_289 = vector.broadcast %mul3A_243 : i32 to vector<16xi32>
          %add3A_290 = arith.addi %add3A_289, %and3A_19 : vector<16xi32>
          %gather3A_291 = tpu.vector_load_idx %arg6[%add3A_270, %add3A_290] : memref<72x304xf32, #tpu.memory_space<vmem>>[vector<16xi32>, vector<16xi32>], vector<16xf32>,
          %mul3A_292 = arith.constant 200 : i32
          %mul3A_293 = vector.broadcast %mul3A_292 : i32 to vector<16xi32>
          %mul3A_294 = arith.muli %and3A_19, %mul3A_293 : vector<16xi32>
          %add3A_295 = arith.addi %add3A_275, %mul3A_294 : vector<16xi32>
          tpu.vector_store_idx %arg10[%add3A_295], %gather3A_291 : memref<28800xf32, #tpu.memory_space<vmem>>[vector<16xi32>], vector<16xf32>,
          %add3A_296 = vector.broadcast %mul3A_243 : i32 to vector<16xi32>
          %add3A_297 = arith.addi %add3A_296, %and3A_25 : vector<16xi32>
          %gather3A_298 = tpu.vector_load_idx %arg6[%add3A_270, %add3A_297] : memref<72x304xf32, #tpu.memory_space<vmem>>[vector<16xi32>, vector<16xi32>], vector<16xf32>,
          %mul3A_299 = arith.constant 200 : i32
          %mul3A_300 = vector.broadcast %mul3A_299 : i32 to vector<16xi32>
          %mul3A_301 = arith.muli %and3A_25, %mul3A_300 : vector<16xi32>
          %add3A_302 = arith.addi %add3A_275, %mul3A_301 : vector<16xi32>
          tpu.vector_store_idx %arg10[%add3A_302], %gather3A_298 : memref<28800xf32, #tpu.memory_space<vmem>>[vector<16xi32>], vector<16xf32>,
          %add3A_303 = vector.broadcast %mul3A_243 : i32 to vector<16xi32>
          %add3A_304 = arith.addi %add3A_303, %and3A_31 : vector<16xi32>
          %gather3A_305 = tpu.vector_load_idx %arg6[%add3A_270, %add3A_304] : memref<72x304xf32, #tpu.memory_space<vmem>>[vector<16xi32>, vector<16xi32>], vector<16xf32>,
          %mul3A_306 = arith.constant 200 : i32
          %mul3A_307 = vector.broadcast %mul3A_306 : i32 to vector<16xi32>
          %mul3A_308 = arith.muli %and3A_31, %mul3A_307 : vector<16xi32>
          %add3A_309 = arith.addi %add3A_275, %mul3A_308 : vector<16xi32>
          tpu.vector_store_idx %arg10[%add3A_309], %gather3A_305 : memref<28800xf32, #tpu.memory_space<vmem>>[vector<16xi32>], vector<16xf32>,
          %add3A_310 = vector.broadcast %mul3A_243 : i32 to vector<16xi32>
          %add3A_311 = arith.addi %add3A_310, %and3A_37 : vector<16xi32>
          %gather3A_312 = tpu.vector_load_idx %arg6[%add3A_270, %add3A_311] : memref<72x304xf32, #tpu.memory_space<vmem>>[vector<16xi32>, vector<16xi32>], vector<16xf32>,
          %mul3A_313 = arith.constant 200 : i32
          %mul3A_314 = vector.broadcast %mul3A_313 : i32 to vector<16xi32>
          %mul3A_315 = arith.muli %and3A_37, %mul3A_314 : vector<16xi32>
          %add3A_316 = arith.addi %add3A_275, %mul3A_315 : vector<16xi32>
          tpu.vector_store_idx %arg10[%add3A_316], %gather3A_312 : memref<28800xf32, #tpu.memory_space<vmem>>[vector<16xi32>], vector<16xf32>,
          %add3A_317 = vector.broadcast %mul3A_243 : i32 to vector<16xi32>
          %add3A_318 = arith.addi %add3A_317, %and3A_43 : vector<16xi32>
          %gather3A_319 = tpu.vector_load_idx %arg6[%add3A_270, %add3A_318] : memref<72x304xf32, #tpu.memory_space<vmem>>[vector<16xi32>, vector<16xi32>], vector<16xf32>,
          %mul3A_320 = arith.constant 200 : i32
          %mul3A_321 = vector.broadcast %mul3A_320 : i32 to vector<16xi32>
          %mul3A_322 = arith.muli %and3A_43, %mul3A_321 : vector<16xi32>
          %add3A_323 = arith.addi %add3A_275, %mul3A_322 : vector<16xi32>
          tpu.vector_store_idx %arg10[%add3A_323], %gather3A_319 : memref<28800xf32, #tpu.memory_space<vmem>>[vector<16xi32>], vector<16xf32>,
          %add3A_324 = vector.broadcast %mul3A_243 : i32 to vector<16xi32>
          %add3A_325 = arith.addi %add3A_324, %and3A_49 : vector<16xi32>
          %gather3A_326 = tpu.vector_load_idx %arg6[%add3A_270, %add3A_325] : memref<72x304xf32, #tpu.memory_space<vmem>>[vector<16xi32>, vector<16xi32>], vector<16xf32>,
          %mul3A_327 = arith.constant 200 : i32
          %mul3A_328 = vector.broadcast %mul3A_327 : i32 to vector<16xi32>
          %mul3A_329 = arith.muli %and3A_49, %mul3A_328 : vector<16xi32>
          %add3A_330 = arith.addi %add3A_275, %mul3A_329 : vector<16xi32>
          tpu.vector_store_idx %arg10[%add3A_330], %gather3A_326 : memref<28800xf32, #tpu.memory_space<vmem>>[vector<16xi32>], vector<16xf32>,
          %add3A_331 = vector.broadcast %mul3A_243 : i32 to vector<16xi32>
          %add3A_332 = arith.addi %add3A_331, %and3A_55 : vector<16xi32>
          %gather3A_333 = tpu.vector_load_idx %arg6[%add3A_270, %add3A_332] : memref<72x304xf32, #tpu.memory_space<vmem>>[vector<16xi32>, vector<16xi32>], vector<16xf32>,
          %mul3A_334 = arith.constant 200 : i32
          %mul3A_335 = vector.broadcast %mul3A_334 : i32 to vector<16xi32>
          %mul3A_336 = arith.muli %and3A_55, %mul3A_335 : vector<16xi32>
          %add3A_337 = arith.addi %add3A_275, %mul3A_336 : vector<16xi32>
          tpu.vector_store_idx %arg10[%add3A_337], %gather3A_333 : memref<28800xf32, #tpu.memory_space<vmem>>[vector<16xi32>], vector<16xf32>,
          %add3A_338 = vector.broadcast %mul3A_243 : i32 to vector<16xi32>
          %add3A_339 = arith.addi %add3A_338, %and3A_61 : vector<16xi32>
          %gather3A_340 = tpu.vector_load_idx %arg6[%add3A_270, %add3A_339] : memref<72x304xf32, #tpu.memory_space<vmem>>[vector<16xi32>, vector<16xi32>], vector<16xf32>,
          %mul3A_341 = arith.constant 200 : i32
          %mul3A_342 = vector.broadcast %mul3A_341 : i32 to vector<16xi32>
          %mul3A_343 = arith.muli %and3A_61, %mul3A_342 : vector<16xi32>
          %add3A_344 = arith.addi %add3A_275, %mul3A_343 : vector<16xi32>
          tpu.vector_store_idx %arg10[%add3A_344], %gather3A_340 : memref<28800xf32, #tpu.memory_space<vmem>>[vector<16xi32>], vector<16xf32>,
          %add3A_345 = vector.broadcast %mul3A_243 : i32 to vector<16xi32>
          %add3A_346 = arith.addi %add3A_345, %and3A_67 : vector<16xi32>
          %gather3A_347 = tpu.vector_load_idx %arg6[%add3A_270, %add3A_346] : memref<72x304xf32, #tpu.memory_space<vmem>>[vector<16xi32>, vector<16xi32>], vector<16xf32>,
          %mul3A_348 = arith.constant 200 : i32
          %mul3A_349 = vector.broadcast %mul3A_348 : i32 to vector<16xi32>
          %mul3A_350 = arith.muli %and3A_67, %mul3A_349 : vector<16xi32>
          %add3A_351 = arith.addi %add3A_275, %mul3A_350 : vector<16xi32>
          tpu.vector_store_idx %arg10[%add3A_351], %gather3A_347 : memref<28800xf32, #tpu.memory_space<vmem>>[vector<16xi32>], vector<16xf32>,
          %add3A_352 = vector.broadcast %mul3A_243 : i32 to vector<16xi32>
          %add3A_353 = arith.addi %add3A_352, %and3A_73 : vector<16xi32>
          %gather3A_354 = tpu.vector_load_idx %arg6[%add3A_270, %add3A_353] : memref<72x304xf32, #tpu.memory_space<vmem>>[vector<16xi32>, vector<16xi32>], vector<16xf32>,
          %mul3A_355 = arith.constant 200 : i32
          %mul3A_356 = vector.broadcast %mul3A_355 : i32 to vector<16xi32>
          %mul3A_357 = arith.muli %and3A_73, %mul3A_356 : vector<16xi32>
          %add3A_358 = arith.addi %add3A_275, %mul3A_357 : vector<16xi32>
          tpu.vector_store_idx %arg10[%add3A_358], %gather3A_354 : memref<28800xf32, #tpu.memory_space<vmem>>[vector<16xi32>], vector<16xf32>,
          %add3A_359 = vector.broadcast %mul3A_243 : i32 to vector<16xi32>
          %add3A_360 = arith.addi %add3A_359, %and3A_79 : vector<16xi32>
          %gather3A_361 = tpu.vector_load_idx %arg6[%add3A_270, %add3A_360] : memref<72x304xf32, #tpu.memory_space<vmem>>[vector<16xi32>, vector<16xi32>], vector<16xf32>,
          %mul3A_362 = arith.constant 200 : i32
          %mul3A_363 = vector.broadcast %mul3A_362 : i32 to vector<16xi32>
          %mul3A_364 = arith.muli %and3A_79, %mul3A_363 : vector<16xi32>
          %add3A_365 = arith.addi %add3A_275, %mul3A_364 : vector<16xi32>
          tpu.vector_store_idx %arg10[%add3A_365], %gather3A_361 : memref<28800xf32, #tpu.memory_space<vmem>>[vector<16xi32>], vector<16xf32>,
          %add3A_366 = vector.broadcast %mul3A_243 : i32 to vector<16xi32>
          %add3A_367 = arith.addi %add3A_366, %and3A_85 : vector<16xi32>
          %gather3A_368 = tpu.vector_load_idx %arg6[%add3A_270, %add3A_367] : memref<72x304xf32, #tpu.memory_space<vmem>>[vector<16xi32>, vector<16xi32>], vector<16xf32>,
          %mul3A_369 = arith.constant 200 : i32
          %mul3A_370 = vector.broadcast %mul3A_369 : i32 to vector<16xi32>
          %mul3A_371 = arith.muli %and3A_85, %mul3A_370 : vector<16xi32>
          %add3A_372 = arith.addi %add3A_275, %mul3A_371 : vector<16xi32>
          tpu.vector_store_idx %arg10[%add3A_372], %gather3A_368 : memref<28800xf32, #tpu.memory_space<vmem>>[vector<16xi32>], vector<16xf32>,
          %add3A_373 = vector.broadcast %mul3A_243 : i32 to vector<16xi32>
          %add3A_374 = arith.addi %add3A_373, %and3A_91 : vector<16xi32>
          %gather3A_375 = tpu.vector_load_idx %arg6[%add3A_270, %add3A_374] : memref<72x304xf32, #tpu.memory_space<vmem>>[vector<16xi32>, vector<16xi32>], vector<16xf32>,
          %mul3A_376 = arith.constant 200 : i32
          %mul3A_377 = vector.broadcast %mul3A_376 : i32 to vector<16xi32>
          %mul3A_378 = arith.muli %and3A_91, %mul3A_377 : vector<16xi32>
          %add3A_379 = arith.addi %add3A_275, %mul3A_378 : vector<16xi32>
          tpu.vector_store_idx %arg10[%add3A_379], %gather3A_375 : memref<28800xf32, #tpu.memory_space<vmem>>[vector<16xi32>], vector<16xf32>,
          %add3A_380 = vector.broadcast %mul3A_243 : i32 to vector<16xi32>
          %add3A_381 = arith.addi %add3A_380, %and3A_97 : vector<16xi32>
          %gather3A_382 = tpu.vector_load_idx %arg6[%add3A_270, %add3A_381] : memref<72x304xf32, #tpu.memory_space<vmem>>[vector<16xi32>, vector<16xi32>], vector<16xf32>,
          %mul3A_383 = arith.constant 200 : i32
          %mul3A_384 = vector.broadcast %mul3A_383 : i32 to vector<16xi32>
          %mul3A_385 = arith.muli %and3A_97, %mul3A_384 : vector<16xi32>
          %add3A_386 = arith.addi %add3A_275, %mul3A_385 : vector<16xi32>
          tpu.vector_store_idx %arg10[%add3A_386], %gather3A_382 : memref<28800xf32, #tpu.memory_space<vmem>>[vector<16xi32>], vector<16xf32>,
        }
        %scan3A_252 = arith.constant 5 : i32
        %scan3A_253 = arith.constant 0 : i32
        %scan3A_254 = arith.constant 0 : i32
        %scan3A_255 = arith.constant 4 : i32
        %scan3A_256 = arith.addi %scan3A_254, %scan3A_255 : i32
        %scan3A_257 = arith.constant 1 : i32
        scf.for %scan3A_265 = %scan3A_254 to %scan3A_256 step %scan3A_257  : i32 {
          %mul3A_266 = arith.constant 16 : i32
          %mul3A_267 = arith.muli %scan3A_265, %mul3A_266 : i32
          %min3A = arith.constant 48 : i32
          %min3A_268 = arith.minsi %mul3A_267, %min3A : i32
          %add3A_269 = vector.broadcast %min3A_268 : i32 to vector<16xi32>
          %add3A_270 = arith.addi %iota3A, %add3A_269 : vector<16xi32>
          %add3A_271 = arith.constant 72 : i32
          %add3A_272 = arith.addi %mul3A_246, %add3A_271 : i32
          %add3A_273 = arith.addi %add3A_272, %min3A_268 : i32
          %add3A_274 = vector.broadcast %add3A_273 : i32 to vector<16xi32>
          %add3A_275 = arith.addi %add3A_274, %iota3A : vector<16xi32>
          %add3A_276 = vector.broadcast %mul3A_243 : i32 to vector<16xi32>
          %add3A_277 = arith.addi %add3A_276, %and3A_7 : vector<16xi32>
          %gather3A = tpu.vector_load_idx %arg7[%add3A_270, %add3A_277] : memref<64x304xf32, #tpu.memory_space<vmem>>[vector<16xi32>, vector<16xi32>], vector<16xf32>,
          %mul3A_278 = arith.constant 200 : i32
          %mul3A_279 = vector.broadcast %mul3A_278 : i32 to vector<16xi32>
          %mul3A_280 = arith.muli %and3A_7, %mul3A_279 : vector<16xi32>
          %add3A_281 = arith.addi %add3A_275, %mul3A_280 : vector<16xi32>
          tpu.vector_store_idx %arg10[%add3A_281], %gather3A : memref<28800xf32, #tpu.memory_space<vmem>>[vector<16xi32>], vector<16xf32>,
          %add3A_282 = vector.broadcast %mul3A_243 : i32 to vector<16xi32>
          %add3A_283 = arith.addi %add3A_282, %and3A_13 : vector<16xi32>
          %gather3A_284 = tpu.vector_load_idx %arg7[%add3A_270, %add3A_283] : memref<64x304xf32, #tpu.memory_space<vmem>>[vector<16xi32>, vector<16xi32>], vector<16xf32>,
          %mul3A_285 = arith.constant 200 : i32
          %mul3A_286 = vector.broadcast %mul3A_285 : i32 to vector<16xi32>
          %mul3A_287 = arith.muli %and3A_13, %mul3A_286 : vector<16xi32>
          %add3A_288 = arith.addi %add3A_275, %mul3A_287 : vector<16xi32>
          tpu.vector_store_idx %arg10[%add3A_288], %gather3A_284 : memref<28800xf32, #tpu.memory_space<vmem>>[vector<16xi32>], vector<16xf32>,
          %add3A_289 = vector.broadcast %mul3A_243 : i32 to vector<16xi32>
          %add3A_290 = arith.addi %add3A_289, %and3A_19 : vector<16xi32>
          %gather3A_291 = tpu.vector_load_idx %arg7[%add3A_270, %add3A_290] : memref<64x304xf32, #tpu.memory_space<vmem>>[vector<16xi32>, vector<16xi32>], vector<16xf32>,
          %mul3A_292 = arith.constant 200 : i32
          %mul3A_293 = vector.broadcast %mul3A_292 : i32 to vector<16xi32>
          %mul3A_294 = arith.muli %and3A_19, %mul3A_293 : vector<16xi32>
          %add3A_295 = arith.addi %add3A_275, %mul3A_294 : vector<16xi32>
          tpu.vector_store_idx %arg10[%add3A_295], %gather3A_291 : memref<28800xf32, #tpu.memory_space<vmem>>[vector<16xi32>], vector<16xf32>,
          %add3A_296 = vector.broadcast %mul3A_243 : i32 to vector<16xi32>
          %add3A_297 = arith.addi %add3A_296, %and3A_25 : vector<16xi32>
          %gather3A_298 = tpu.vector_load_idx %arg7[%add3A_270, %add3A_297] : memref<64x304xf32, #tpu.memory_space<vmem>>[vector<16xi32>, vector<16xi32>], vector<16xf32>,
          %mul3A_299 = arith.constant 200 : i32
          %mul3A_300 = vector.broadcast %mul3A_299 : i32 to vector<16xi32>
          %mul3A_301 = arith.muli %and3A_25, %mul3A_300 : vector<16xi32>
          %add3A_302 = arith.addi %add3A_275, %mul3A_301 : vector<16xi32>
          tpu.vector_store_idx %arg10[%add3A_302], %gather3A_298 : memref<28800xf32, #tpu.memory_space<vmem>>[vector<16xi32>], vector<16xf32>,
          %add3A_303 = vector.broadcast %mul3A_243 : i32 to vector<16xi32>
          %add3A_304 = arith.addi %add3A_303, %and3A_31 : vector<16xi32>
          %gather3A_305 = tpu.vector_load_idx %arg7[%add3A_270, %add3A_304] : memref<64x304xf32, #tpu.memory_space<vmem>>[vector<16xi32>, vector<16xi32>], vector<16xf32>,
          %mul3A_306 = arith.constant 200 : i32
          %mul3A_307 = vector.broadcast %mul3A_306 : i32 to vector<16xi32>
          %mul3A_308 = arith.muli %and3A_31, %mul3A_307 : vector<16xi32>
          %add3A_309 = arith.addi %add3A_275, %mul3A_308 : vector<16xi32>
          tpu.vector_store_idx %arg10[%add3A_309], %gather3A_305 : memref<28800xf32, #tpu.memory_space<vmem>>[vector<16xi32>], vector<16xf32>,
          %add3A_310 = vector.broadcast %mul3A_243 : i32 to vector<16xi32>
          %add3A_311 = arith.addi %add3A_310, %and3A_37 : vector<16xi32>
          %gather3A_312 = tpu.vector_load_idx %arg7[%add3A_270, %add3A_311] : memref<64x304xf32, #tpu.memory_space<vmem>>[vector<16xi32>, vector<16xi32>], vector<16xf32>,
          %mul3A_313 = arith.constant 200 : i32
          %mul3A_314 = vector.broadcast %mul3A_313 : i32 to vector<16xi32>
          %mul3A_315 = arith.muli %and3A_37, %mul3A_314 : vector<16xi32>
          %add3A_316 = arith.addi %add3A_275, %mul3A_315 : vector<16xi32>
          tpu.vector_store_idx %arg10[%add3A_316], %gather3A_312 : memref<28800xf32, #tpu.memory_space<vmem>>[vector<16xi32>], vector<16xf32>,
          %add3A_317 = vector.broadcast %mul3A_243 : i32 to vector<16xi32>
          %add3A_318 = arith.addi %add3A_317, %and3A_43 : vector<16xi32>
          %gather3A_319 = tpu.vector_load_idx %arg7[%add3A_270, %add3A_318] : memref<64x304xf32, #tpu.memory_space<vmem>>[vector<16xi32>, vector<16xi32>], vector<16xf32>,
          %mul3A_320 = arith.constant 200 : i32
          %mul3A_321 = vector.broadcast %mul3A_320 : i32 to vector<16xi32>
          %mul3A_322 = arith.muli %and3A_43, %mul3A_321 : vector<16xi32>
          %add3A_323 = arith.addi %add3A_275, %mul3A_322 : vector<16xi32>
          tpu.vector_store_idx %arg10[%add3A_323], %gather3A_319 : memref<28800xf32, #tpu.memory_space<vmem>>[vector<16xi32>], vector<16xf32>,
          %add3A_324 = vector.broadcast %mul3A_243 : i32 to vector<16xi32>
          %add3A_325 = arith.addi %add3A_324, %and3A_49 : vector<16xi32>
          %gather3A_326 = tpu.vector_load_idx %arg7[%add3A_270, %add3A_325] : memref<64x304xf32, #tpu.memory_space<vmem>>[vector<16xi32>, vector<16xi32>], vector<16xf32>,
          %mul3A_327 = arith.constant 200 : i32
          %mul3A_328 = vector.broadcast %mul3A_327 : i32 to vector<16xi32>
          %mul3A_329 = arith.muli %and3A_49, %mul3A_328 : vector<16xi32>
          %add3A_330 = arith.addi %add3A_275, %mul3A_329 : vector<16xi32>
          tpu.vector_store_idx %arg10[%add3A_330], %gather3A_326 : memref<28800xf32, #tpu.memory_space<vmem>>[vector<16xi32>], vector<16xf32>,
          %add3A_331 = vector.broadcast %mul3A_243 : i32 to vector<16xi32>
          %add3A_332 = arith.addi %add3A_331, %and3A_55 : vector<16xi32>
          %gather3A_333 = tpu.vector_load_idx %arg7[%add3A_270, %add3A_332] : memref<64x304xf32, #tpu.memory_space<vmem>>[vector<16xi32>, vector<16xi32>], vector<16xf32>,
          %mul3A_334 = arith.constant 200 : i32
          %mul3A_335 = vector.broadcast %mul3A_334 : i32 to vector<16xi32>
          %mul3A_336 = arith.muli %and3A_55, %mul3A_335 : vector<16xi32>
          %add3A_337 = arith.addi %add3A_275, %mul3A_336 : vector<16xi32>
          tpu.vector_store_idx %arg10[%add3A_337], %gather3A_333 : memref<28800xf32, #tpu.memory_space<vmem>>[vector<16xi32>], vector<16xf32>,
          %add3A_338 = vector.broadcast %mul3A_243 : i32 to vector<16xi32>
          %add3A_339 = arith.addi %add3A_338, %and3A_61 : vector<16xi32>
          %gather3A_340 = tpu.vector_load_idx %arg7[%add3A_270, %add3A_339] : memref<64x304xf32, #tpu.memory_space<vmem>>[vector<16xi32>, vector<16xi32>], vector<16xf32>,
          %mul3A_341 = arith.constant 200 : i32
          %mul3A_342 = vector.broadcast %mul3A_341 : i32 to vector<16xi32>
          %mul3A_343 = arith.muli %and3A_61, %mul3A_342 : vector<16xi32>
          %add3A_344 = arith.addi %add3A_275, %mul3A_343 : vector<16xi32>
          tpu.vector_store_idx %arg10[%add3A_344], %gather3A_340 : memref<28800xf32, #tpu.memory_space<vmem>>[vector<16xi32>], vector<16xf32>,
          %add3A_345 = vector.broadcast %mul3A_243 : i32 to vector<16xi32>
          %add3A_346 = arith.addi %add3A_345, %and3A_67 : vector<16xi32>
          %gather3A_347 = tpu.vector_load_idx %arg7[%add3A_270, %add3A_346] : memref<64x304xf32, #tpu.memory_space<vmem>>[vector<16xi32>, vector<16xi32>], vector<16xf32>,
          %mul3A_348 = arith.constant 200 : i32
          %mul3A_349 = vector.broadcast %mul3A_348 : i32 to vector<16xi32>
          %mul3A_350 = arith.muli %and3A_67, %mul3A_349 : vector<16xi32>
          %add3A_351 = arith.addi %add3A_275, %mul3A_350 : vector<16xi32>
          tpu.vector_store_idx %arg10[%add3A_351], %gather3A_347 : memref<28800xf32, #tpu.memory_space<vmem>>[vector<16xi32>], vector<16xf32>,
          %add3A_352 = vector.broadcast %mul3A_243 : i32 to vector<16xi32>
          %add3A_353 = arith.addi %add3A_352, %and3A_73 : vector<16xi32>
          %gather3A_354 = tpu.vector_load_idx %arg7[%add3A_270, %add3A_353] : memref<64x304xf32, #tpu.memory_space<vmem>>[vector<16xi32>, vector<16xi32>], vector<16xf32>,
          %mul3A_355 = arith.constant 200 : i32
          %mul3A_356 = vector.broadcast %mul3A_355 : i32 to vector<16xi32>
          %mul3A_357 = arith.muli %and3A_73, %mul3A_356 : vector<16xi32>
          %add3A_358 = arith.addi %add3A_275, %mul3A_357 : vector<16xi32>
          tpu.vector_store_idx %arg10[%add3A_358], %gather3A_354 : memref<28800xf32, #tpu.memory_space<vmem>>[vector<16xi32>], vector<16xf32>,
          %add3A_359 = vector.broadcast %mul3A_243 : i32 to vector<16xi32>
          %add3A_360 = arith.addi %add3A_359, %and3A_79 : vector<16xi32>
          %gather3A_361 = tpu.vector_load_idx %arg7[%add3A_270, %add3A_360] : memref<64x304xf32, #tpu.memory_space<vmem>>[vector<16xi32>, vector<16xi32>], vector<16xf32>,
          %mul3A_362 = arith.constant 200 : i32
          %mul3A_363 = vector.broadcast %mul3A_362 : i32 to vector<16xi32>
          %mul3A_364 = arith.muli %and3A_79, %mul3A_363 : vector<16xi32>
          %add3A_365 = arith.addi %add3A_275, %mul3A_364 : vector<16xi32>
          tpu.vector_store_idx %arg10[%add3A_365], %gather3A_361 : memref<28800xf32, #tpu.memory_space<vmem>>[vector<16xi32>], vector<16xf32>,
          %add3A_366 = vector.broadcast %mul3A_243 : i32 to vector<16xi32>
          %add3A_367 = arith.addi %add3A_366, %and3A_85 : vector<16xi32>
          %gather3A_368 = tpu.vector_load_idx %arg7[%add3A_270, %add3A_367] : memref<64x304xf32, #tpu.memory_space<vmem>>[vector<16xi32>, vector<16xi32>], vector<16xf32>,
          %mul3A_369 = arith.constant 200 : i32
          %mul3A_370 = vector.broadcast %mul3A_369 : i32 to vector<16xi32>
          %mul3A_371 = arith.muli %and3A_85, %mul3A_370 : vector<16xi32>
          %add3A_372 = arith.addi %add3A_275, %mul3A_371 : vector<16xi32>
          tpu.vector_store_idx %arg10[%add3A_372], %gather3A_368 : memref<28800xf32, #tpu.memory_space<vmem>>[vector<16xi32>], vector<16xf32>,
          %add3A_373 = vector.broadcast %mul3A_243 : i32 to vector<16xi32>
          %add3A_374 = arith.addi %add3A_373, %and3A_91 : vector<16xi32>
          %gather3A_375 = tpu.vector_load_idx %arg7[%add3A_270, %add3A_374] : memref<64x304xf32, #tpu.memory_space<vmem>>[vector<16xi32>, vector<16xi32>], vector<16xf32>,
          %mul3A_376 = arith.constant 200 : i32
          %mul3A_377 = vector.broadcast %mul3A_376 : i32 to vector<16xi32>
          %mul3A_378 = arith.muli %and3A_91, %mul3A_377 : vector<16xi32>
          %add3A_379 = arith.addi %add3A_275, %mul3A_378 : vector<16xi32>
          tpu.vector_store_idx %arg10[%add3A_379], %gather3A_375 : memref<28800xf32, #tpu.memory_space<vmem>>[vector<16xi32>], vector<16xf32>,
          %add3A_380 = vector.broadcast %mul3A_243 : i32 to vector<16xi32>
          %add3A_381 = arith.addi %add3A_380, %and3A_97 : vector<16xi32>
          %gather3A_382 = tpu.vector_load_idx %arg7[%add3A_270, %add3A_381] : memref<64x304xf32, #tpu.memory_space<vmem>>[vector<16xi32>, vector<16xi32>], vector<16xf32>,
          %mul3A_383 = arith.constant 200 : i32
          %mul3A_384 = vector.broadcast %mul3A_383 : i32 to vector<16xi32>
          %mul3A_385 = arith.muli %and3A_97, %mul3A_384 : vector<16xi32>
          %add3A_386 = arith.addi %add3A_275, %mul3A_385 : vector<16xi32>
          tpu.vector_store_idx %arg10[%add3A_386], %gather3A_382 : memref<28800xf32, #tpu.memory_space<vmem>>[vector<16xi32>], vector<16xf32>,
        }
        %scan3A_258 = arith.constant 4 : i32
        %scan3A_259 = arith.constant 0 : i32
        %scan3A_260 = arith.constant 0 : i32
        %scan3A_261 = arith.constant 4 : i32
        %scan3A_262 = arith.addi %scan3A_260, %scan3A_261 : i32
        %scan3A_263 = arith.constant 1 : i32
        scf.for %scan3A_265 = %scan3A_260 to %scan3A_262 step %scan3A_263  : i32 {
          %mul3A_266 = arith.constant 16 : i32
          %mul3A_267 = arith.muli %scan3A_265, %mul3A_266 : i32
          %min3A = arith.constant 48 : i32
          %min3A_268 = arith.minsi %mul3A_267, %min3A : i32
          %add3A_269 = vector.broadcast %min3A_268 : i32 to vector<16xi32>
          %add3A_270 = arith.addi %iota3A, %add3A_269 : vector<16xi32>
          %add3A_271 = arith.constant 136 : i32
          %add3A_272 = arith.addi %mul3A_246, %add3A_271 : i32
          %add3A_273 = arith.addi %add3A_272, %min3A_268 : i32
          %add3A_274 = vector.broadcast %add3A_273 : i32 to vector<16xi32>
          %add3A_275 = arith.addi %add3A_274, %iota3A : vector<16xi32>
          %add3A_276 = vector.broadcast %mul3A_243 : i32 to vector<16xi32>
          %add3A_277 = arith.addi %add3A_276, %and3A_7 : vector<16xi32>
          %gather3A = tpu.vector_load_idx %arg8[%add3A_270, %add3A_277] : memref<64x304xf32, #tpu.memory_space<vmem>>[vector<16xi32>, vector<16xi32>], vector<16xf32>,
          %mul3A_278 = arith.constant 200 : i32
          %mul3A_279 = vector.broadcast %mul3A_278 : i32 to vector<16xi32>
          %mul3A_280 = arith.muli %and3A_7, %mul3A_279 : vector<16xi32>
          %add3A_281 = arith.addi %add3A_275, %mul3A_280 : vector<16xi32>
          tpu.vector_store_idx %arg10[%add3A_281], %gather3A : memref<28800xf32, #tpu.memory_space<vmem>>[vector<16xi32>], vector<16xf32>,
          %add3A_282 = vector.broadcast %mul3A_243 : i32 to vector<16xi32>
          %add3A_283 = arith.addi %add3A_282, %and3A_13 : vector<16xi32>
          %gather3A_284 = tpu.vector_load_idx %arg8[%add3A_270, %add3A_283] : memref<64x304xf32, #tpu.memory_space<vmem>>[vector<16xi32>, vector<16xi32>], vector<16xf32>,
          %mul3A_285 = arith.constant 200 : i32
          %mul3A_286 = vector.broadcast %mul3A_285 : i32 to vector<16xi32>
          %mul3A_287 = arith.muli %and3A_13, %mul3A_286 : vector<16xi32>
          %add3A_288 = arith.addi %add3A_275, %mul3A_287 : vector<16xi32>
          tpu.vector_store_idx %arg10[%add3A_288], %gather3A_284 : memref<28800xf32, #tpu.memory_space<vmem>>[vector<16xi32>], vector<16xf32>,
          %add3A_289 = vector.broadcast %mul3A_243 : i32 to vector<16xi32>
          %add3A_290 = arith.addi %add3A_289, %and3A_19 : vector<16xi32>
          %gather3A_291 = tpu.vector_load_idx %arg8[%add3A_270, %add3A_290] : memref<64x304xf32, #tpu.memory_space<vmem>>[vector<16xi32>, vector<16xi32>], vector<16xf32>,
          %mul3A_292 = arith.constant 200 : i32
          %mul3A_293 = vector.broadcast %mul3A_292 : i32 to vector<16xi32>
          %mul3A_294 = arith.muli %and3A_19, %mul3A_293 : vector<16xi32>
          %add3A_295 = arith.addi %add3A_275, %mul3A_294 : vector<16xi32>
          tpu.vector_store_idx %arg10[%add3A_295], %gather3A_291 : memref<28800xf32, #tpu.memory_space<vmem>>[vector<16xi32>], vector<16xf32>,
          %add3A_296 = vector.broadcast %mul3A_243 : i32 to vector<16xi32>
          %add3A_297 = arith.addi %add3A_296, %and3A_25 : vector<16xi32>
          %gather3A_298 = tpu.vector_load_idx %arg8[%add3A_270, %add3A_297] : memref<64x304xf32, #tpu.memory_space<vmem>>[vector<16xi32>, vector<16xi32>], vector<16xf32>,
          %mul3A_299 = arith.constant 200 : i32
          %mul3A_300 = vector.broadcast %mul3A_299 : i32 to vector<16xi32>
          %mul3A_301 = arith.muli %and3A_25, %mul3A_300 : vector<16xi32>
          %add3A_302 = arith.addi %add3A_275, %mul3A_301 : vector<16xi32>
          tpu.vector_store_idx %arg10[%add3A_302], %gather3A_298 : memref<28800xf32, #tpu.memory_space<vmem>>[vector<16xi32>], vector<16xf32>,
          %add3A_303 = vector.broadcast %mul3A_243 : i32 to vector<16xi32>
          %add3A_304 = arith.addi %add3A_303, %and3A_31 : vector<16xi32>
          %gather3A_305 = tpu.vector_load_idx %arg8[%add3A_270, %add3A_304] : memref<64x304xf32, #tpu.memory_space<vmem>>[vector<16xi32>, vector<16xi32>], vector<16xf32>,
          %mul3A_306 = arith.constant 200 : i32
          %mul3A_307 = vector.broadcast %mul3A_306 : i32 to vector<16xi32>
          %mul3A_308 = arith.muli %and3A_31, %mul3A_307 : vector<16xi32>
          %add3A_309 = arith.addi %add3A_275, %mul3A_308 : vector<16xi32>
          tpu.vector_store_idx %arg10[%add3A_309], %gather3A_305 : memref<28800xf32, #tpu.memory_space<vmem>>[vector<16xi32>], vector<16xf32>,
          %add3A_310 = vector.broadcast %mul3A_243 : i32 to vector<16xi32>
          %add3A_311 = arith.addi %add3A_310, %and3A_37 : vector<16xi32>
          %gather3A_312 = tpu.vector_load_idx %arg8[%add3A_270, %add3A_311] : memref<64x304xf32, #tpu.memory_space<vmem>>[vector<16xi32>, vector<16xi32>], vector<16xf32>,
          %mul3A_313 = arith.constant 200 : i32
          %mul3A_314 = vector.broadcast %mul3A_313 : i32 to vector<16xi32>
          %mul3A_315 = arith.muli %and3A_37, %mul3A_314 : vector<16xi32>
          %add3A_316 = arith.addi %add3A_275, %mul3A_315 : vector<16xi32>
          tpu.vector_store_idx %arg10[%add3A_316], %gather3A_312 : memref<28800xf32, #tpu.memory_space<vmem>>[vector<16xi32>], vector<16xf32>,
          %add3A_317 = vector.broadcast %mul3A_243 : i32 to vector<16xi32>
          %add3A_318 = arith.addi %add3A_317, %and3A_43 : vector<16xi32>
          %gather3A_319 = tpu.vector_load_idx %arg8[%add3A_270, %add3A_318] : memref<64x304xf32, #tpu.memory_space<vmem>>[vector<16xi32>, vector<16xi32>], vector<16xf32>,
          %mul3A_320 = arith.constant 200 : i32
          %mul3A_321 = vector.broadcast %mul3A_320 : i32 to vector<16xi32>
          %mul3A_322 = arith.muli %and3A_43, %mul3A_321 : vector<16xi32>
          %add3A_323 = arith.addi %add3A_275, %mul3A_322 : vector<16xi32>
          tpu.vector_store_idx %arg10[%add3A_323], %gather3A_319 : memref<28800xf32, #tpu.memory_space<vmem>>[vector<16xi32>], vector<16xf32>,
          %add3A_324 = vector.broadcast %mul3A_243 : i32 to vector<16xi32>
          %add3A_325 = arith.addi %add3A_324, %and3A_49 : vector<16xi32>
          %gather3A_326 = tpu.vector_load_idx %arg8[%add3A_270, %add3A_325] : memref<64x304xf32, #tpu.memory_space<vmem>>[vector<16xi32>, vector<16xi32>], vector<16xf32>,
          %mul3A_327 = arith.constant 200 : i32
          %mul3A_328 = vector.broadcast %mul3A_327 : i32 to vector<16xi32>
          %mul3A_329 = arith.muli %and3A_49, %mul3A_328 : vector<16xi32>
          %add3A_330 = arith.addi %add3A_275, %mul3A_329 : vector<16xi32>
          tpu.vector_store_idx %arg10[%add3A_330], %gather3A_326 : memref<28800xf32, #tpu.memory_space<vmem>>[vector<16xi32>], vector<16xf32>,
          %add3A_331 = vector.broadcast %mul3A_243 : i32 to vector<16xi32>
          %add3A_332 = arith.addi %add3A_331, %and3A_55 : vector<16xi32>
          %gather3A_333 = tpu.vector_load_idx %arg8[%add3A_270, %add3A_332] : memref<64x304xf32, #tpu.memory_space<vmem>>[vector<16xi32>, vector<16xi32>], vector<16xf32>,
          %mul3A_334 = arith.constant 200 : i32
          %mul3A_335 = vector.broadcast %mul3A_334 : i32 to vector<16xi32>
          %mul3A_336 = arith.muli %and3A_55, %mul3A_335 : vector<16xi32>
          %add3A_337 = arith.addi %add3A_275, %mul3A_336 : vector<16xi32>
          tpu.vector_store_idx %arg10[%add3A_337], %gather3A_333 : memref<28800xf32, #tpu.memory_space<vmem>>[vector<16xi32>], vector<16xf32>,
          %add3A_338 = vector.broadcast %mul3A_243 : i32 to vector<16xi32>
          %add3A_339 = arith.addi %add3A_338, %and3A_61 : vector<16xi32>
          %gather3A_340 = tpu.vector_load_idx %arg8[%add3A_270, %add3A_339] : memref<64x304xf32, #tpu.memory_space<vmem>>[vector<16xi32>, vector<16xi32>], vector<16xf32>,
          %mul3A_341 = arith.constant 200 : i32
          %mul3A_342 = vector.broadcast %mul3A_341 : i32 to vector<16xi32>
          %mul3A_343 = arith.muli %and3A_61, %mul3A_342 : vector<16xi32>
          %add3A_344 = arith.addi %add3A_275, %mul3A_343 : vector<16xi32>
          tpu.vector_store_idx %arg10[%add3A_344], %gather3A_340 : memref<28800xf32, #tpu.memory_space<vmem>>[vector<16xi32>], vector<16xf32>,
          %add3A_345 = vector.broadcast %mul3A_243 : i32 to vector<16xi32>
          %add3A_346 = arith.addi %add3A_345, %and3A_67 : vector<16xi32>
          %gather3A_347 = tpu.vector_load_idx %arg8[%add3A_270, %add3A_346] : memref<64x304xf32, #tpu.memory_space<vmem>>[vector<16xi32>, vector<16xi32>], vector<16xf32>,
          %mul3A_348 = arith.constant 200 : i32
          %mul3A_349 = vector.broadcast %mul3A_348 : i32 to vector<16xi32>
          %mul3A_350 = arith.muli %and3A_67, %mul3A_349 : vector<16xi32>
          %add3A_351 = arith.addi %add3A_275, %mul3A_350 : vector<16xi32>
          tpu.vector_store_idx %arg10[%add3A_351], %gather3A_347 : memref<28800xf32, #tpu.memory_space<vmem>>[vector<16xi32>], vector<16xf32>,
          %add3A_352 = vector.broadcast %mul3A_243 : i32 to vector<16xi32>
          %add3A_353 = arith.addi %add3A_352, %and3A_73 : vector<16xi32>
          %gather3A_354 = tpu.vector_load_idx %arg8[%add3A_270, %add3A_353] : memref<64x304xf32, #tpu.memory_space<vmem>>[vector<16xi32>, vector<16xi32>], vector<16xf32>,
          %mul3A_355 = arith.constant 200 : i32
          %mul3A_356 = vector.broadcast %mul3A_355 : i32 to vector<16xi32>
          %mul3A_357 = arith.muli %and3A_73, %mul3A_356 : vector<16xi32>
          %add3A_358 = arith.addi %add3A_275, %mul3A_357 : vector<16xi32>
          tpu.vector_store_idx %arg10[%add3A_358], %gather3A_354 : memref<28800xf32, #tpu.memory_space<vmem>>[vector<16xi32>], vector<16xf32>,
          %add3A_359 = vector.broadcast %mul3A_243 : i32 to vector<16xi32>
          %add3A_360 = arith.addi %add3A_359, %and3A_79 : vector<16xi32>
          %gather3A_361 = tpu.vector_load_idx %arg8[%add3A_270, %add3A_360] : memref<64x304xf32, #tpu.memory_space<vmem>>[vector<16xi32>, vector<16xi32>], vector<16xf32>,
          %mul3A_362 = arith.constant 200 : i32
          %mul3A_363 = vector.broadcast %mul3A_362 : i32 to vector<16xi32>
          %mul3A_364 = arith.muli %and3A_79, %mul3A_363 : vector<16xi32>
          %add3A_365 = arith.addi %add3A_275, %mul3A_364 : vector<16xi32>
          tpu.vector_store_idx %arg10[%add3A_365], %gather3A_361 : memref<28800xf32, #tpu.memory_space<vmem>>[vector<16xi32>], vector<16xf32>,
          %add3A_366 = vector.broadcast %mul3A_243 : i32 to vector<16xi32>
          %add3A_367 = arith.addi %add3A_366, %and3A_85 : vector<16xi32>
          %gather3A_368 = tpu.vector_load_idx %arg8[%add3A_270, %add3A_367] : memref<64x304xf32, #tpu.memory_space<vmem>>[vector<16xi32>, vector<16xi32>], vector<16xf32>,
          %mul3A_369 = arith.constant 200 : i32
          %mul3A_370 = vector.broadcast %mul3A_369 : i32 to vector<16xi32>
          %mul3A_371 = arith.muli %and3A_85, %mul3A_370 : vector<16xi32>
          %add3A_372 = arith.addi %add3A_275, %mul3A_371 : vector<16xi32>
          tpu.vector_store_idx %arg10[%add3A_372], %gather3A_368 : memref<28800xf32, #tpu.memory_space<vmem>>[vector<16xi32>], vector<16xf32>,
          %add3A_373 = vector.broadcast %mul3A_243 : i32 to vector<16xi32>
          %add3A_374 = arith.addi %add3A_373, %and3A_91 : vector<16xi32>
          %gather3A_375 = tpu.vector_load_idx %arg8[%add3A_270, %add3A_374] : memref<64x304xf32, #tpu.memory_space<vmem>>[vector<16xi32>, vector<16xi32>], vector<16xf32>,
          %mul3A_376 = arith.constant 200 : i32
          %mul3A_377 = vector.broadcast %mul3A_376 : i32 to vector<16xi32>
          %mul3A_378 = arith.muli %and3A_91, %mul3A_377 : vector<16xi32>
          %add3A_379 = arith.addi %add3A_275, %mul3A_378 : vector<16xi32>
          tpu.vector_store_idx %arg10[%add3A_379], %gather3A_375 : memref<28800xf32, #tpu.memory_space<vmem>>[vector<16xi32>], vector<16xf32>,
          %add3A_380 = vector.broadcast %mul3A_243 : i32 to vector<16xi32>
          %add3A_381 = arith.addi %add3A_380, %and3A_97 : vector<16xi32>
          %gather3A_382 = tpu.vector_load_idx %arg8[%add3A_270, %add3A_381] : memref<64x304xf32, #tpu.memory_space<vmem>>[vector<16xi32>, vector<16xi32>], vector<16xf32>,
          %mul3A_383 = arith.constant 200 : i32
          %mul3A_384 = vector.broadcast %mul3A_383 : i32 to vector<16xi32>
          %mul3A_385 = arith.muli %and3A_97, %mul3A_384 : vector<16xi32>
          %add3A_386 = arith.addi %add3A_275, %mul3A_385 : vector<16xi32>
          tpu.vector_store_idx %arg10[%add3A_386], %gather3A_382 : memref<28800xf32, #tpu.memory_space<vmem>>[vector<16xi32>], vector<16xf32>,
        }
        %scan3A_264 = arith.constant 4 : i32
      }
      %scan3A_192 = arith.constant 9 : i32
      %add3A_193 = arith.constant 1 : i32
      %add3A_194 = arith.addi %scan3A_138, %add3A_193 : i32
      %jit3A_195 = arith.constant 4 : i32
      %eq3A_196 = arith.constant 0 : i32
      %eq3A_197 = arith.cmpi eq, %jit3A_195, %eq3A_196 : i32
      %jit3A_198 = arith.constant 1 : i32
      %select_n3A_199 = arith.select %eq3A_197, %jit3A_198, %jit3A_195 : i32
      %rem3A_200 = arith.remsi %add3A_194, %select_n3A_199 : i32
      %ne3A_201 = arith.constant 0 : i32
      %ne3A_202 = arith.cmpi ne, %rem3A_200, %ne3A_201 : i32
      %lt3A_203 = arith.constant 0 : i32
      %lt3A_204 = arith.cmpi slt, %rem3A_200, %lt3A_203 : i32
      %lt3A_205 = arith.constant 0 : i32
      %lt3A_206 = arith.cmpi slt, %select_n3A_199, %lt3A_205 : i32
      %ne3A_207 = arith.xori %lt3A_204, %lt3A_206 : i1
      %and3A_208 = arith.andi %ne3A_207, %ne3A_202 : i1
      %add3A_209 = arith.addi %rem3A_200, %select_n3A_199 : i32
      %select_n3A_210 = arith.select %and3A_208, %add3A_209, %rem3A_200 : i32
      %eq3A_211 = arith.constant 0 : i32
      %eq3A_212 = arith.cmpi eq, %select_n3A_210, %eq3A_211 : i32
      %add3A_213 = arith.constant 1 : i32
      %add3A_214 = arith.addi %scan3A_138, %add3A_213 : i32
      %lt3A_215 = arith.constant 128 : i32
      %lt3A_216 = arith.cmpi slt, %add3A_214, %lt3A_215 : i32
      %and3A_217 = arith.andi %eq3A_212, %lt3A_216 : i1
      %convert_element_type3A_218 = arith.extui %and3A_217 : i1 to i32
      %cond3A_219 = arith.constant 0 : i32
      %cond3A_220 = arith.cmpi ne, %convert_element_type3A_218, %cond3A_219 : i32
      scf.if %cond3A_220 {
        %add3A_239 = arith.constant 1 : i32
        %add3A_240 = arith.addi %scan3A_138, %add3A_239 : i32
        %add3A_241 = arith.addi %mul3A_2, %add3A_240 : i32
        %mul3A_242 = arith.constant 200 : i32
        %mul3A_243 = arith.muli %add3A_241, %mul3A_242 : i32
        "tpu.region"() ({
          %run_scoped3A = tpu.sem_alloc : memref<!tpu.dma_semaphore, #tpu.memory_space<semaphore_mem>>
          %dma_start3A_244 = tpu.memref_slice %arg2[%mul3A_243] : memref<819200xi32, #tpu.memory_space<hbm>> -> memref<800xi32, #tpu.memory_space<hbm>>
          %dma_start3A_245 = tpu.memref_slice %arg2[%mul3A_243] : memref<819200xi32, #tpu.memory_space<hbm>> -> memref<800xi32, #tpu.memory_space<hbm>>
          tpu.enqueue_dma source(%dma_start3A_245 : memref<800xi32, #tpu.memory_space<hbm>>) target(%arg5 : memref<800xi32, #tpu.memory_space<vmem>>) target_semaphore(%run_scoped3A : memref<!tpu.dma_semaphore, #tpu.memory_space<semaphore_mem>>)
          %dma_wait3A_246 = tpu.memref_slice %arg2[%mul3A_243] : memref<819200xi32, #tpu.memory_space<hbm>> -> memref<800xi32, #tpu.memory_space<hbm>>
          %dma_wait3A_247 = tpu.memref_slice %arg2[%mul3A_243] : memref<819200xi32, #tpu.memory_space<hbm>> -> memref<800xi32, #tpu.memory_space<hbm>>
          tpu.wait_dma2 semaphore(%run_scoped3A : memref<!tpu.dma_semaphore, #tpu.memory_space<semaphore_mem>>) src(%dma_wait3A_247 : memref<800xi32, #tpu.memory_space<hbm>>) dst(%arg5 : memref<800xi32, #tpu.memory_space<vmem>>)
          tpu.yield
        }) : () -> ()
      } else {
      }
      %add3A_221 = arith.constant 1 : i32
      %add3A_222 = arith.addi %scan3A_138, %add3A_221 : i32
      %lt3A_223 = arith.constant 128 : i32
      %lt3A_224 = arith.cmpi slt, %add3A_222, %lt3A_223 : i32
      %convert_element_type3A_225 = arith.extui %lt3A_224 : i1 to i32
      %cond3A_226 = arith.constant 0 : i32
      %cond3A_227 = arith.cmpi ne, %convert_element_type3A_225, %cond3A_226 : i32
      scf.if %cond3A_227 {
        %add3A_239 = arith.constant 1 : i32
        %add3A_240 = arith.addi %scan3A_138, %add3A_239 : i32
        %jit3A_241 = arith.constant 4 : i32
        %eq3A_242 = arith.constant 0 : i32
        %eq3A_243 = arith.cmpi eq, %jit3A_241, %eq3A_242 : i32
        %jit3A_244 = arith.constant 1 : i32
        %select_n3A_245 = arith.select %eq3A_243, %jit3A_244, %jit3A_241 : i32
        %rem3A_246 = arith.remsi %add3A_240, %select_n3A_245 : i32
        %ne3A_247 = arith.constant 0 : i32
        %ne3A_248 = arith.cmpi ne, %rem3A_246, %ne3A_247 : i32
        %lt3A_249 = arith.constant 0 : i32
        %lt3A_250 = arith.cmpi slt, %rem3A_246, %lt3A_249 : i32
        %lt3A_251 = arith.constant 0 : i32
        %lt3A_252 = arith.cmpi slt, %select_n3A_245, %lt3A_251 : i32
        %ne3A_253 = arith.xori %lt3A_250, %lt3A_252 : i1
        %and3A_254 = arith.andi %ne3A_253, %ne3A_248 : i1
        %add3A_255 = arith.addi %rem3A_246, %select_n3A_245 : i32
        %select_n3A_256 = arith.select %and3A_254, %add3A_255, %rem3A_246 : i32
        %mul3A_257 = arith.constant 200 : i32
        %mul3A_258 = arith.muli %select_n3A_256, %mul3A_257 : i32
        %add3A_259 = arith.constant 0 : i32
        %add3A_260 = arith.addi %mul3A_258, %add3A_259 : i32
        %add3A_261 = arith.constant 72 : i32
        %add3A_262 = arith.addi %mul3A_258, %add3A_261 : i32
        %add3A_263 = arith.constant 136 : i32
        %add3A_264 = arith.addi %mul3A_258, %add3A_263 : i32
        %dma_start3A_265 = tpu.memref_slice %arg5[%add3A_260] : memref<800xi32, #tpu.memory_space<vmem>> -> memref<72xi32, #tpu.memory_space<vmem>>
        %dma_start3A_266 = arith.constant 0 : i32
        %dma_start3A_267 = arith.constant 0 : i32
        %dma_start3A_268 = tpu.memref_slice %arg3[%dma_start3A_266, %dma_start3A_267] : memref<100000x304xf32, #tpu.memory_space<hbm>> -> memref<100000x304xf32, #tpu.memory_space<hbm>>
        tpu.enqueue_indirect_dma source(%dma_start3A_268 : memref<100000x304xf32, #tpu.memory_space<hbm>>) target(%arg6 : memref<72x304xf32, #tpu.memory_space<vmem>>) offsets(%dma_start3A_265 : memref<72xi32, #tpu.memory_space<vmem>>) semaphore(%arg11 : memref<!tpu.dma_semaphore, #tpu.memory_space<semaphore_mem>>)
        %dma_start3A_269 = tpu.memref_slice %arg5[%add3A_262] : memref<800xi32, #tpu.memory_space<vmem>> -> memref<64xi32, #tpu.memory_space<vmem>>
        %dma_start3A_270 = arith.constant 0 : i32
        %dma_start3A_271 = arith.constant 0 : i32
        %dma_start3A_272 = tpu.memref_slice %arg3[%dma_start3A_270, %dma_start3A_271] : memref<100000x304xf32, #tpu.memory_space<hbm>> -> memref<100000x304xf32, #tpu.memory_space<hbm>>
        tpu.enqueue_indirect_dma source(%dma_start3A_272 : memref<100000x304xf32, #tpu.memory_space<hbm>>) target(%arg7 : memref<64x304xf32, #tpu.memory_space<vmem>>) offsets(%dma_start3A_269 : memref<64xi32, #tpu.memory_space<vmem>>) semaphore(%arg11 : memref<!tpu.dma_semaphore, #tpu.memory_space<semaphore_mem>>)
        %dma_start3A_273 = tpu.memref_slice %arg5[%add3A_264] : memref<800xi32, #tpu.memory_space<vmem>> -> memref<64xi32, #tpu.memory_space<vmem>>
        %dma_start3A_274 = arith.constant 0 : i32
        %dma_start3A_275 = arith.constant 0 : i32
        %dma_start3A_276 = tpu.memref_slice %arg3[%dma_start3A_274, %dma_start3A_275] : memref<100000x304xf32, #tpu.memory_space<hbm>> -> memref<100000x304xf32, #tpu.memory_space<hbm>>
        tpu.enqueue_indirect_dma source(%dma_start3A_276 : memref<100000x304xf32, #tpu.memory_space<hbm>>) target(%arg8 : memref<64x304xf32, #tpu.memory_space<vmem>>) offsets(%dma_start3A_273 : memref<64xi32, #tpu.memory_space<vmem>>) semaphore(%arg11 : memref<!tpu.dma_semaphore, #tpu.memory_space<semaphore_mem>>)
      } else {
      }
      %add3A_228 = arith.addi %mul3A_2, %scan3A_138 : i32
      %mul3A_229 = arith.constant 60000 : i32
      %mul3A_230 = arith.muli %add3A_228, %mul3A_229 : i32
      %add3A_231 = arith.constant 32000 : i32
      %add3A_232 = arith.addi %mul3A_230, %add3A_231 : i32
      %dma_start3A_233 = arith.constant 0 : i32
      %dma_start3A_234 = tpu.memref_slice %arg10[%dma_start3A_233] : memref<28800xf32, #tpu.memory_space<vmem>> -> memref<28000xf32, #tpu.memory_space<vmem>>
      %dma_start3A_235 = tpu.memref_slice %arg4[%add3A_232] : memref<245760000xf32, #tpu.memory_space<hbm>> -> memref<28000xf32, #tpu.memory_space<hbm>>
      %dma_start3A_236 = tpu.memref_slice %arg4[%add3A_232] : memref<245760000xf32, #tpu.memory_space<hbm>> -> memref<28000xf32, #tpu.memory_space<hbm>>
      %dma_start3A_237 = arith.constant 0 : i32
      %dma_start3A_238 = tpu.memref_slice %arg10[%dma_start3A_237] : memref<28800xf32, #tpu.memory_space<vmem>> -> memref<28000xf32, #tpu.memory_space<vmem>>
      tpu.enqueue_dma source(%dma_start3A_238 : memref<28000xf32, #tpu.memory_space<vmem>>) target(%dma_start3A_236 : memref<28000xf32, #tpu.memory_space<hbm>>) target_semaphore(%arg13 : memref<!tpu.dma_semaphore, #tpu.memory_space<semaphore_mem>>)
    }
    %scan3A_120 = arith.constant 128 : i32
    %add3A_121 = arith.constant 127 : i32
    %add3A_122 = arith.addi %mul3A_2, %add3A_121 : i32
    %mul3A_123 = arith.constant 60000 : i32
    %mul3A_124 = arith.muli %add3A_122, %mul3A_123 : i32
    %dma_wait3A = tpu.memref_slice %arg4[%mul3A_124] : memref<245760000xf32, #tpu.memory_space<hbm>> -> memref<32000xf32, #tpu.memory_space<hbm>>
    %dma_wait3A_125 = tpu.memref_slice %arg4[%mul3A_124] : memref<245760000xf32, #tpu.memory_space<hbm>> -> memref<32000xf32, #tpu.memory_space<hbm>>
    tpu.wait_dma2 semaphore(%arg12 : memref<!tpu.dma_semaphore, #tpu.memory_space<semaphore_mem>>) src(%arg9 : memref<32000xf32, #tpu.memory_space<vmem>>) dst(%dma_wait3A_125 : memref<32000xf32, #tpu.memory_space<hbm>>)
    %add3A_126 = arith.constant 127 : i32
    %add3A_127 = arith.addi %mul3A_2, %add3A_126 : i32
    %mul3A_128 = arith.constant 60000 : i32
    %mul3A_129 = arith.muli %add3A_127, %mul3A_128 : i32
    %add3A_130 = arith.constant 32000 : i32
    %add3A_131 = arith.addi %mul3A_129, %add3A_130 : i32
    %dma_wait3A_132 = arith.constant 0 : i32
    %dma_wait3A_133 = tpu.memref_slice %arg10[%dma_wait3A_132] : memref<28800xf32, #tpu.memory_space<vmem>> -> memref<28000xf32, #tpu.memory_space<vmem>>
    %dma_wait3A_134 = tpu.memref_slice %arg4[%add3A_131] : memref<245760000xf32, #tpu.memory_space<hbm>> -> memref<28000xf32, #tpu.memory_space<hbm>>
    %dma_wait3A_135 = tpu.memref_slice %arg4[%add3A_131] : memref<245760000xf32, #tpu.memory_space<hbm>> -> memref<28000xf32, #tpu.memory_space<hbm>>
    %dma_wait3A_136 = arith.constant 0 : i32
    %dma_wait3A_137 = tpu.memref_slice %arg10[%dma_wait3A_136] : memref<28800xf32, #tpu.memory_space<vmem>> -> memref<28000xf32, #tpu.memory_space<vmem>>
    tpu.wait_dma2 semaphore(%arg13 : memref<!tpu.dma_semaphore, #tpu.memory_space<semaphore_mem>>) src(%dma_wait3A_137 : memref<28000xf32, #tpu.memory_space<vmem>>) dst(%dma_wait3A_135 : memref<28000xf32, #tpu.memory_space<hbm>>)
    return
  }
}

</mosaic_0001>

<sc_bundles>
// kernel: kernel.3.cloned.1.call-start
scs
__scs_entry_jumppad:
0x0: {  	(pc) =	sbr.rel $0x88, $3  }
0x1: {  	(tag) =	ssettag $0x0;
	lr =	simm.s32 $0x1  }
0x2: {  	[smem:$0x3F9F] =	sst lr;
	_ =	strace $0xD0000000  }
0x3: {  	_ = 	snop  }
0x4: {  	_ = 	snop  }
0x5: {  	_ = 	snop  }
0x6: {  	_ = 	snop  }
0x7: {  	_ = 	snop  }
__scs_overlays_trampoline_lowered:
0x8: {  	[smem:$0x3FAE] =	sst s0  }
0x9: {  	[smem:$0x3FAF] =	sst s1  }
0xa: {  	[smem:$0x3FB0] =	sst s2  }
0xb: {  	[smem:$0x3FB1] =	sst s3  }
0xc: {  	[smem:$0x3FB2] =	sst s4  }
0xd: {  	[smem:$0x3FB3] =	sst s5  }
0xe: {  	[smem:$0x3FB4] =	sst s6  }
0xf: {  	[smem:$0x3FB5] =	sst s7  }
0x10: {  	[smem:$0x3FB6] =	sst s8  }
0x11: {  	[smem:$0x3FB7] =	sst s9;
	s0 =	simm.s32 @!p0 $0x0  }
0x12: {  	s1 =	sld [smem:$0x3F9D];
	s0 =	simm.s32 @p0 $0x1  }
0x13: {  	[smem:$0x3FB8] =	sst s0;
	s0 =	simm.s32 @!p1 $0x0  }
0x14: {  	s2 =	sld [smem:$0x3F9C];
	s0 =	simm.s32 @p1 $0x1  }
0x15: {  	[smem:$0x3FB9] =	sst s0;
	s0 =	simm.s32 @!p2 $0x0  }
0x16: {  	s3 =	sld [smem:$0x3FDB];
	s0 =	simm.s32 @p2 $0x1  }
0x17: {  	s4 =	simm.s32 $0x1BF5;
	[smem:$0x3FBB] =	sst s0  }
0x18: {  	s0 =	sld [smem:$0x3F9E];
	_ =	swait.ge [sflag:s4], $0x0  }
0x19: {  	s7 =	sld [smem:$0x3F9F]  }
0x1a: {  	s8 =	sadd.s32 $0xFFFFE003, lr  }
0x1b: {  	s9 =	sadd.s32 $0xFFFFFEF7, lr;
	s5 =	simm.s32 $0xFFFFFFFF;
	p2 =	slt.u32 s8, $0xFFFFF086  }
0x1c: {  	p1 =	slt.u32 s9, $0xF7A;
	s5 =	simm.s32 @!p2 $0x0  }
0x1d: {  	s5 =	simm.s32 @p1 $0x1;
	p0 =	seq.s32 s7, s2  }
0x1e: {  	s7 =	smul.u32 @!p0 $0xF7A, s2;
	p2 =	seq.s32 @!p0 s5, $0x0  }
0x1f: {  	s9 =	smul.u32 $0xF7A, s1;
	s8 =	simm.s32 @!p0 $0x1BF5;
	p2 =	por !p2, p0  }
0x20: {  	[sflag:s8] =	ssyncset.s32 @!p0 $0xFFFFF086;
	s6 =	sadd.s32 @!p0 s3, s7;
	s7 =	simm.s32 @!p0 $0x108  }
0x21: {  	s3 =	sadd.s32 s3, s9;
	s6 =	sadd.s32 @!p0 $0x88, s6;
	s7 =	simm.s32 @p2 $0x1082  }
0x22: {  	[simem:s7], [sflag:s8] =	dma.local @!p0 [hbm:s6], $0xF7A  }
0x23: {  	s9 =	sor.u32 $0xD0000000, s2;
	s6 =	simm.s32 $0x108;
	_ =	swait.ge @!p0 [sflag:s8], $0x0  }
0x24: {  	s3 =	sadd.s32 $0x88, s3;
	s6 =	simm.s32 @!p1 $0x1082;
	[sflag:s4] =	ssyncset.s32 $0xFFFFF086  }
0x25: {  	[simem:s6], [sflag:s4] =	dma.local [hbm:s3], $0xF7A  }
0x26: {  	[smem:$0x3F9F] =	sst s1;
	(tag) =	ssettag s2;
	_ =	strace s9  }
0x27: {  	s1 =	sld [smem:$0x3FAF]  }
0x28: {  	s2 =	sld [smem:$0x3FB0]  }
0x29: {  	s4 =	sld [smem:$0x3FB2]  }
0x2a: {  	p0 =	seq.s32 s5, $0x0;
	s5 =	sld [smem:$0x3FB3]  }
0x2b: {  	s6 =	sld [smem:$0x3FB4]  }
0x2c: {  	s7 =	sld [smem:$0x3FB5]  }
0x2d: {  	s3 =	simm.s32 $0x108;
	s8 =	sld [smem:$0x3FB6]  }
0x2e: {  	s3 =	simm.s32 @!p0 $0x1082;
	s9 =	sld [smem:$0x3FB7]  }
0x2f: {  	lr =	sadd.s32 s0, s3;
	s0 =	sld [smem:$0x3FAE]  }
0x30: {  	s3 =	sld [smem:$0x3FB1]  }
0x31: {  	[smem:$0x3FBA] =	sst s10  }
0x32: {  	s10 =	sld [smem:$0x3FB8];
	_ =	sdelay $0x3  }
0x33: {  	p0 =	seq.s32 s10, $0x1;
	s10 =	sld [smem:$0x3FBA];
	_ =	sdelay $0x3  }
0x34: {  	[smem:$0x3FBA] =	sst s10  }
0x35: {  	s10 =	sld [smem:$0x3FB9];
	_ =	sdelay $0x3  }
0x36: {  	p1 =	seq.s32 s10, $0x1;
	s10 =	sld [smem:$0x3FBA];
	_ =	sdelay $0x3  }
0x37: {  	[smem:$0x3FBA] =	sst s10  }
0x38: {  	s10 =	sld [smem:$0x3FBB]  }
0x39: {  	_ = 	snop;
	(pc) =	sbr.ind lr, $3  }
0x3a: {  	_ = 	snop  }
0x3b: {  	_ = 	snop  }
0x3c: {  	p2 =	seq.s32 s10, $0x1;
	s10 =	sld [smem:$0x3FBA]  }
0x3d: {  	_ =	shalt  }
0x3e: {  	_ =	shalt  }
0x3f: {  	_ =	shalt  }
0x40: {  	_ =	shalt  }
0x41: {  	_ =	shalt  }
0x42: {  	_ =	shalt  }
0x43: {  	_ =	shalt  }
0x44: {  	_ =	shalt  }
0x45: {  	_ =	shalt  }
0x46: {  	_ =	shalt  }
0x47: {  	_ =	shalt  }
0x48: {  	_ =	shalt  }
0x49: {  	_ =	shalt  }
0x4a: {  	_ =	shalt  }
0x4b: {  	_ =	shalt  }
0x4c: {  	_ =	shalt  }
0x4d: {  	_ =	shalt  }
0x4e: {  	_ =	shalt  }
0x4f: {  	_ =	shalt  }
0x50: {  	_ =	shalt  }
0x51: {  	_ =	shalt  }
0x52: {  	_ =	shalt  }
0x53: {  	_ =	shalt  }
0x54: {  	_ =	shalt  }
0x55: {  	_ =	shalt  }
0x56: {  	_ =	shalt  }
0x57: {  	_ =	shalt  }
0x58: {  	_ =	shalt  }
0x59: {  	_ =	shalt  }
0x5a: {  	_ =	shalt  }
0x5b: {  	_ =	shalt  }
0x5c: {  	_ =	shalt  }
0x5d: {  	_ =	shalt  }
0x5e: {  	_ =	shalt  }
0x5f: {  	_ =	shalt  }
0x60: {  	_ =	shalt  }
0x61: {  	_ =	shalt  }
0x62: {  	_ =	shalt  }
0x63: {  	_ =	shalt  }
0x64: {  	_ =	shalt  }
0x65: {  	_ =	shalt  }
0x66: {  	_ =	shalt  }
0x67: {  	_ =	shalt  }
0x68: {  	_ =	shalt  }
0x69: {  	_ =	shalt  }
0x6a: {  	_ =	shalt  }
0x6b: {  	_ =	shalt  }
0x6c: {  	_ =	shalt  }
0x6d: {  	_ =	shalt  }
0x6e: {  	_ =	shalt  }
0x6f: {  	_ =	shalt  }
0x70: {  	_ =	shalt  }
0x71: {  	_ =	shalt  }
0x72: {  	_ =	shalt  }
0x73: {  	_ =	shalt  }
0x74: {  	_ =	shalt  }
0x75: {  	_ =	shalt  }
0x76: {  	_ =	shalt  }
0x77: {  	_ =	shalt  }
0x78: {  	_ =	shalt  }
0x79: {  	_ =	shalt  }
0x7a: {  	_ =	shalt  }
0x7b: {  	_ =	shalt  }
0x7c: {  	_ =	shalt  }
0x7d: {  	_ =	shalt  }
0x7e: {  	_ =	shalt  }
0x7f: {  	_ =	shalt  }
0x80: {  	_ =	shalt  }
0x81: {  	_ =	shalt  }
0x82: {  	_ =	shalt  }
0x83: {  	_ =	shalt  }
0x84: {  	_ =	shalt  }
0x85: {  	_ =	shalt  }
0x86: {  	_ =	shalt  }
0x87: {  	_ =	shalt  }
.Lfunc_end0:
.L_simem_size_0:
called_computation.1_lowered:
.L_overlay_start_0:
0x88: {  	s2 =	sld [smem:$0x3FD9]  }
0x89: {  	s3 =	sld [smem:$0x3FFE];
	_ =	sdelay $0x1  }
0x8a: {  	s1 =	srdreg.scid  }
0x8b: {  	s0 =	sand.u32 $0x1, s1  }
0x8c: {  	s17 =	sshll.u32 s0, $0xA;
	s2 =	sadd.s32 s3, s2  }
0x8d: {  	s2 =	sadd.s32 s2, s17  }
0x8e: {  	[smem:$0x3FC6] =	sst s2  }
0x8f: {  	_ = 	snop  }
0x90: {  	s2 =	sld [smem:$0x3FD0];
	(tm) =	ssettm $0x1  }
0x91: {  	s18 =	sld [smem:$0x3FFB];
	_ =	sdelay $0x3  }
0x92: {  	_ =	strace s18  }
0x93: {  	s3 =	sld [smem:$0x3FFC];
	_ =	sdelay $0x3  }
0x94: {  	_ =	strace s3  }
0x95: {  	s3 =	sld [smem:$0x3FFD];
	_ =	sdelay $0x3  }
0x96: {  	_ =	strace s3  }
0x97: {  	_ =	strace $0x8FFFFFFF  }
0x98: {  	s19 =	sld [smem:$0x3FDB];
	_ =	sdelay $0x1  }
0x99: {  	s4 =	simm.s32 $_scs_section_size  }
0x9a: {  	s5 =	simm.s32 $_size__tile_overlayer_lowered;
	s6 =	simm.s32 $_tile_overlayer_lowered  }
0x9b: {  	s22 =	simm.s32 $0x1BFF;
	s21 =	sshll.u32 s6, $0x1;
	s3 =	sadd.s32 s4, s19  }
0x9c: {  	s7 =	simm.s32 $0x0;
	s20 =	sshll.u32 s5, $0x1;
	s5 =	sadd.s32 s21, s3  }
0x9d: {  	[timem:s7], [sflag:s22] =	dma.local [hbm:s5], s20  }
0x9e: {  	_ =	swait.ge [sflag:s22], s20  }
0x9f: {  	s4 =	ssub.s32 $0x0, s20;
	[sflag:s22] =	ssyncset.done $0x0  }
0xa0: {  	[sflag:s22] =	ssyncadd.s32 s4;
	_ =	sdelay $0x1  }
0xa1: {  	s23 =	simm.s32 $0x1B8B  }
0xa2: {  	_ =	swait.ge [sflag:s23], $0x1  }
0xa3: {  	[sflag:s23] =	ssyncset.done $0x0  }
0xa4: {  	s25 =	simm.s32 $0x1B8E;
	s24 =	sld [smem:$0x3FFE];
	[sflag:s23] =	ssyncadd.s32 $0xFFFFFFFF  }
0xa5: {  	s26 =	simm.s32 $execute0_lowered;
	[smem:$0x3FD2] =	sst s25  }
0xa6: {  	s5 =	sshll.u32 s26, $0x1;
	_ =	strace $0x80000046;
	[dreg:$0x1] =	wrdreg $0xFFFFFFFF  }
0xa7: {  	s28 =	simm.s32 $_size_execute0_lowered;
	s3 =	sadd.s32 s3, s5;
	[dreg:$0x0] =	wrdreg $0x0  }
0xa8: {  	s5 =	sshll.u32 s28, $0x1;
	[dreg:$0x2] =	wrdreg s3  }
0xa9: {  	[dreg:$0x3] =	wrdreg s5  }
0xaa: {  	[dreg:$0x4] =	wrdreg $0xC0  }
0xab: {  	_ =	task [dreg:s7], $0x5FFFF  }
0xac: {  	[dreg:$0x1] =	wrdreg $0xFFFFFFFF  }
0xad: {  	[dreg:$0x0] =	wrdreg $0x60  }
0xae: {  	[dreg:$0x2] =	wrdreg s24  }
0xaf: {  	[dreg:$0x3] =	wrdreg s2  }
0xb0: {  	[dreg:$0x4] =	wrdreg $0x9  }
0xb1: {  	_ =	task.clear_ibuf [dreg:s7], $0x5FFFF;
	_ =	strace $0x90000046  }
0xb2: {  	s29 =	simm.s32 $0x9;
	_ =	strace $0x80000048  }
0xb3: {  	_ =	swait.ge [sflag:s29], $0x1  }
0xb4: {  	[sflag:s29] =	ssyncadd.s32 $0xFFFFFFFF  }
0xb5: {  	_ =	strace $0x90000048  }
0xb6: {  	_ =	sfence  }
0xb7: {  	s30 =	sld [smem:$0x0];
	_ =	sdelay $0x2  }
0xb8: {  	s31 =	sshll.u32 s1, $0xD;
	s1 =	sshrl.u32 s1, $0x2  }
0xb9: {  	s3 =	sand.u32 $0x4000, s31;
	s1 =	sadd.s32 s1, s30  }
0xba: {  	s0 =	sor.u32 s3, s0;
	s1 =	sshll.u32 s1, $0x11  }
0xbb: {  	s0 =	sor.u32 s1, s0  }
0xbc: {  	s0 =	sadd.s32 $0x8F2B, s0  }
0xbd: {  	[sflag:s0] =	ssyncadd.remote.s32 $0x1  }
0xbe: {  	_ =	sfence.sel $0xFFFF  }
0xbf: {  	[dreg:$0x0] =	wrdreg $0xFFFFFFFF;
	(pc) =	sbr.abs _section_cstart, $3  }
0xc0: {  	[dreg:$0x1] =	wrdreg $0xFFFFFFFF  }
0xc1: {  	_ =	task.clear_ibuf [dreg:s7], $0x2FFFF;
	_ =	strace $0x9FFFFFFF  }
0xc2: {  	(tm) =	ssettm $0x7FFFFFFF  }
0xc3: {  	_ =	shalt  }
tec
execute0_lowered:
.L_overlay_start_1:
0x0: {  	(tag) =	ssettag $0x1  }
0x1: {  	v0 =	vimm.s32 $0xFEDCBA9  }
0x2: {  	v1 =	vimm.s32 $0x87654321;
	v2 =	vimm.s32 $0x10FEDCBA;
	v3 =	vimm.s32 $0x98765432  }
0x3: {  	v4 =	vimm.s32 $0x210FEDCB;
	v5 =	vimm.s32 $0xA9876543;
	v20 =	vlaneseq.u32  }
0x4: {  	v8 =	vimm.s32 $0xBA987654;
	v9 =	vimm.s32 $0x43210FED;
	v10 =	vimm.s32 $0xCBA98765  }
0x5: {  	v47 =	vimm.s32 $0xF;
	vm13 =	vcmask $0x300;
	vm14 =	vcmask $0x704  }
0x6: {  	vm12 =	vcmask $0xB08;
	vm11 =	vcmask $0xF0C;
	vm10 =	vcmask $0x1310  }
0x7: {  	vm9 =	vcmask $0x1714;
	vm7 =	vcmask $0x1B18;
	vm0 =	vcmask $0x1F1C  }
0x8: {  	v50 =	vimm.s32 $0xD7;
	v51 =	vimm.s32 $0x19F;
	vm1 =	vcmask $0x2320  }
0x9: {  	vm2 =	vcmask $0x2724;
	vm3 =	vcmask $0x2B28;
	vm4 =	vcmask $0x2F2C  }
0xa: {  	vm5 =	vcmask $0x3330;
	vm6 =	vcmask $0x3734;
	vm8 =	vcmask $0x3B38  }
0xb: {  	v52 =	vimm.s32 $0x267;
	v53 =	vimm.s32 $0x32F;
	v54 =	vimm.s32 $0x3F7  }
0xc: {  	v55 =	vimm.s32 $0x4BF;
	v56 =	vimm.s32 $0x587;
	v57 =	vimm.s32 $0x64F  }
0xd: {  	v58 =	vimm.s32 $0x717;
	v59 =	vimm.s32 $0x7DF;
	v60 =	vimm.s32 $0x8A7  }
0xe: {  	v61 =	vimm.s32 $0x96F;
	v62 =	vimm.s32 $0xA37;
	v63 =	vimm.s32 $0xAFF  }
0xf: {  	v0 =	vunpack.c.l.s4.s8 v0;
	v1 =	vunpack.c.l.s4.s8 v1;
	v2 =	vunpack.c.l.s4.s8 v2  }
0x10: {  	v3 =	vunpack.c.l.s4.s8 v3;
	v4 =	vunpack.c.l.s4.s8 v4;
	v5 =	vunpack.c.l.s4.s8 v5  }
0x11: {  	v8 =	vunpack.c.l.s4.s8 v8;
	v9 =	vunpack.c.l.s4.s8 v9;
	v0 =	vunpack.c.0.s8.s32 v0  }
0x12: {  	v1 =	vunpack.c.0.s8.s32 v1;
	v2 =	vunpack.c.0.s8.s32 v2;
	v3 =	vunpack.c.0.s8.s32 v3  }
0x13: {  	v4 =	vunpack.c.0.s8.s32 v4;
	v12 =	vunpack.c.0.s8.s32 v9;
	v9 =	vimm.s32 $0xEDCBA987  }
0x14: {  	v5 =	vunpack.c.0.s8.s32 v5;
	v9 =	vunpack.c.l.s4.s8 v9;
	v6 =	vcombine.low v1, v0  }
0x15: {  	v7 =	vcombine.low v3, v2;
	v0 =	vcombine.low v0, v1;
	v1 =	vsel vm13, $0x190, v50  }
0x16: {  	v2 =	vcombine.low v2, v3;
	v1 =	vsel vm14, $0x259, v1;
	v6 =	vand.u32 $0xF, v6  }
0x17: {  	v1 =	vsel vm12, $0x322, v1;
	[tilespmem:$0x1FFA0] =	vst v6;
	v6 =	vand.u32 $0xF, v7;
	v7 =	vimm.s32 $0x3210FEDC  }
0x18: {  	v1 =	vsel vm11, $0x3EB, v1;
	[tilespmem:$0x1FFB0] =	vst v6;
	v6 =	vcombine.low v5, v4;
	v7 =	vunpack.c.l.s4.s8 v7  }
0x19: {  	v44 =	vcombine.low v4, v5;
	v19 =	vunpack.c.0.s8.s32 v9;
	v1 =	vsel vm10, $0x4B4, v1  }
0x1a: {  	v1 =	vsel vm9, $0x57D, v1;
	v6 =	vand.u32 $0xF, v6;
	v11 =	vunpack.c.0.s8.s32 v7  }
0x1b: {  	v7 =	vimm.s32 $0x543210FE;
	v1 =	vsel vm7, $0x646, v1;
	[tilespmem:$0x1FFC0] =	vst v6;
	v6 =	vunpack.c.l.s4.s8 v10  }
0x1c: {  	v10 =	vunpack.c.0.s8.s32 v8;
	v8 =	vimm.s32 $0x6543210F;
	v1 =	vsel vm0, $0x70F, v1  }
0x1d: {  	v8 =	vunpack.c.l.s4.s8 v8;
	v1 =	vsel vm1, $0x7D8, v1;
	v13 =	vunpack.c.0.s8.s32 v6  }
0x1e: {  	v6 =	vunpack.c.l.s4.s8 v7;
	v7 =	vimm.s32 $0xDCBA9876;
	v14 =	vcombine.low v10, v11  }
0x1f: {  	v45 =	vcombine.low v11, v10;
	v10 =	vand.u32 $0xF, v2;
	v11 =	vand.u32 $0xF, v44  }
0x20: {  	v2 =	vsel vm13, $0x258, v51;
	v1 =	vsel vm2, $0x8A1, v1;
	v7 =	vunpack.c.l.s4.s8 v7  }
0x21: {  	v18 =	vunpack.c.0.s8.s32 v8;
	v8 =	vimm.s32 $0x76543210;
	v2 =	vsel vm14, $0x321, v2  }
0x22: {  	v1 =	vsel vm3, $0x96A, v1;
	v15 =	vcombine.low v13, v12;
	v16 =	vunpack.c.0.s8.s32 v6  }
0x23: {  	v6 =	vimm.s32 $0xFEDCBA98;
	v8 =	vunpack.c.l.s4.s8 v8;
	v46 =	vcombine.low v12, v13  }
0x24: {  	v12 =	vand.u32 $0xF, v45;
	v2 =	vsel vm12, $0x3EA, v2;
	v1 =	vsel vm4, $0xA33, v1  }
0x25: {  	v17 =	vunpack.c.0.s8.s32 v7;
	v9 =	vunpack.c.l.s4.s8 v6;
	v6 =	vand.u32 $0xF, v14  }
0x26: {  	v14 =	vcombine.low v19, v18;
	v49 =	vcombine.low v18, v19;
	v18 =	vand.u32 $0x7, v20  }
0x27: {  	v2 =	vsel vm11, $0x4B3, v2;
	v1 =	vsel vm5, $0xAFC, v1;
	[tilespmem:$0x1FFD0] =	vst v6;
	v6 =	vand.u32 $0xF, v15  }
0x28: {  	v8 =	vunpack.c.0.s8.s32 v8;
	v13 =	vand.u32 $0xF, v46;
	v2 =	vsel vm10, $0x57C, v2  }
0x29: {  	v1 =	vsel vm6, $0xBC5, v1;
	v7 =	vcombine.low v17, v16;
	v9 =	vunpack.c.0.s8.s32 v9  }
0x2a: {  	v48 =	vcombine.low v16, v17;
	v15 =	vand.u32 $0xF, v49;
	v16 =	vmul.u32 $0x130, v20  }
0x2b: {  	v43 =	vand.u32 $0xF, v9;
	v9 =	vand.u32 $0xF, v0;
	v0 =	vsel vm13, $0xC8, v47  }
0x2c: {  	v17 =	vmul.u32 $0xC9, v20;
	v2 =	vsel vm9, $0x645, v2;
	v0 =	vsel vm14, $0x191, v0  }
0x2d: {  	v20 =	vsel vm8, $0xE, v1;
	v1 =	vsel vm13, $0x3E8, v53;
	v0 =	vsel vm12, $0x25A, v0  }
0x2e: {  	v2 =	vsel vm7, $0x70E, v2;
	v1 =	vsel vm14, $0x4B1, v1;
	v0 =	vsel vm11, $0x323, v0  }
0x2f: {  	[tilespmem:$0x1FFE0] =	vst v6;
	v6 =	vand.u32 $0xF, v7;
	v7 =	vand.u32 $0xF, v14;
	v0 =	vsel vm10, $0x3EC, v0  }
0x30: {  	v14 =	vand.u32 $0xF, v48;
	v2 =	vsel vm0, $0x7D7, v2;
	v0 =	vsel vm9, $0x4B5, v0  }
0x31: {  	v1 =	vsel vm12, $0x57A, v1;
	v8 =	vcombine.low v43, v8;
	v0 =	vsel vm7, $0x57E, v0  }
0x32: {  	v2 =	vsel vm1, $0x8A0, v2;
	v1 =	vsel vm11, $0x643, v1;
	v0 =	vsel vm0, $0x647, v0  }
0x33: {  	v2 =	vsel vm2, $0x969, v2;
	v1 =	vsel vm10, $0x70C, v1;
	v0 =	vsel vm1, $0x710, v0  }
0x34: {  	v2 =	vsel vm3, $0xA32, v2;
	v1 =	vsel vm9, $0x7D5, v1;
	v0 =	vsel vm2, $0x7D9, v0  }
0x35: {  	v2 =	vsel vm4, $0xAFB, v2;
	v1 =	vsel vm7, $0x89E, v1;
	v0 =	vsel vm3, $0x8A2, v0  }
0x36: {  	v2 =	vsel vm5, $0xBC4, v2;
	v1 =	vsel vm0, $0x967, v1;
	v0 =	vsel vm4, $0x96B, v0  }
0x37: {  	v2 =	vsel vm6, $0xD, v2;
	v1 =	vsel vm1, $0xA30, v1;
	v0 =	vsel vm5, $0xA34, v0  }
0x38: {  	v21 =	vsel vm8, $0xD6, v2;
	v2 =	vsel vm13, $0x4B0, v54;
	v0 =	vsel vm6, $0xAFD, v0  }
0x39: {  	v2 =	vsel vm14, $0x579, v2;
	v19 =	vsel vm8, $0xBC6, v0;
	v0 =	vsel vm13, $0x320, v52  }
0x3a: {  	v1 =	vsel vm2, $0xAF9, v1;
	v2 =	vsel vm12, $0x642, v2;
	v0 =	vsel vm14, $0x3E9, v0  }
0x3b: {  	v1 =	vsel vm3, $0xBC2, v1;
	v2 =	vsel vm11, $0x70B, v2;
	v0 =	vsel vm12, $0x4B2, v0  }
0x3c: {  	v1 =	vsel vm4, $0xB, v1;
	v2 =	vsel vm10, $0x7D4, v2;
	v0 =	vsel vm11, $0x57B, v0  }
0x3d: {  	v1 =	vsel vm5, $0xD4, v1;
	v2 =	vsel vm9, $0x89D, v2;
	v0 =	vsel vm10, $0x644, v0  }
0x3e: {  	v1 =	vsel vm6, $0x19D, v1;
	v2 =	vsel vm7, $0x966, v2;
	v0 =	vsel vm9, $0x70D, v0  }
0x3f: {  	v23 =	vsel vm8, $0x266, v1;
	v2 =	vsel vm0, $0xA2F, v2;
	v0 =	vsel vm7, $0x7D6, v0  }
0x40: {  	v1 =	vsel vm13, $0x640, v56;
	v2 =	vsel vm1, $0xAF8, v2;
	v0 =	vsel vm0, $0x89F, v0  }
0x41: {  	v1 =	vsel vm14, $0x709, v1;
	v2 =	vsel vm2, $0xBC1, v2;
	v0 =	vsel vm1, $0x968, v0  }
0x42: {  	v1 =	vsel vm12, $0x7D2, v1;
	v2 =	vsel vm3, $0xA, v2;
	v0 =	vsel vm2, $0xA31, v0  }
0x43: {  	v1 =	vsel vm11, $0x89B, v1;
	v2 =	vsel vm4, $0xD3, v2;
	v0 =	vsel vm3, $0xAFA, v0  }
0x44: {  	v1 =	vsel vm10, $0x964, v1;
	v2 =	vsel vm5, $0x19C, v2;
	v0 =	vsel vm4, $0xBC3, v0  }
0x45: {  	v1 =	vsel vm9, $0xA2D, v1;
	v2 =	vsel vm6, $0x265, v2;
	v0 =	vsel vm5, $0xC, v0  }
0x46: {  	v24 =	vsel vm8, $0x32E, v2;
	v2 =	vsel vm13, $0x708, v57;
	v0 =	vsel vm6, $0xD5, v0  }
0x47: {  	v2 =	vsel vm14, $0x7D1, v2;
	v22 =	vsel vm8, $0x19E, v0;
	v0 =	vsel vm13, $0x578, v55  }
0x48: {  	v1 =	vsel vm7, $0xAF6, v1;
	v2 =	vsel vm12, $0x89A, v2;
	v0 =	vsel vm14, $0x641, v0  }
0x49: {  	v1 =	vsel vm0, $0xBBF, v1;
	v2 =	vsel vm11, $0x963, v2;
	v0 =	vsel vm12, $0x70A, v0  }
0x4a: {  	v1 =	vsel vm1, $0x8, v1;
	v2 =	vsel vm10, $0xA2C, v2;
	v0 =	vsel vm11, $0x7D3, v0  }
0x4b: {  	v1 =	vsel vm2, $0xD1, v1;
	v2 =	vsel vm9, $0xAF5, v2;
	v0 =	vsel vm10, $0x89C, v0  }
0x4c: {  	v1 =	vsel vm3, $0x19A, v1;
	v2 =	vsel vm7, $0xBBE, v2;
	v0 =	vsel vm9, $0x965, v0  }
0x4d: {  	v1 =	vsel vm4, $0x263, v1;
	v2 =	vsel vm0, $0x7, v2;
	v0 =	vsel vm7, $0xA2E, v0  }
0x4e: {  	v1 =	vsel vm5, $0x32C, v1;
	v2 =	vsel vm1, $0xD0, v2;
	v0 =	vsel vm0, $0xAF7, v0  }
0x4f: {  	v1 =	vsel vm6, $0x3F5, v1;
	v2 =	vsel vm2, $0x199, v2;
	v0 =	vsel vm1, $0xBC0, v0  }
0x50: {  	v26 =	vsel vm8, $0x4BE, v1;
	v2 =	vsel vm3, $0x262, v2;
	v0 =	vsel vm2, $0x9, v0  }
0x51: {  	v1 =	vsel vm13, $0x898, v59;
	v2 =	vsel vm4, $0x32B, v2;
	v0 =	vsel vm3, $0xD2, v0  }
0x52: {  	v1 =	vsel vm14, $0x961, v1;
	v2 =	vsel vm5, $0x3F4, v2;
	v0 =	vsel vm4, $0x19B, v0  }
0x53: {  	v1 =	vsel vm12, $0xA2A, v1;
	v2 =	vsel vm6, $0x4BD, v2;
	v0 =	vsel vm5, $0x264, v0  }
0x54: {  	v27 =	vsel vm8, $0x586, v2;
	v2 =	vsel vm13, $0x960, v60;
	v0 =	vsel vm6, $0x32D, v0  }
0x55: {  	v2 =	vsel vm14, $0xA29, v2;
	v25 =	vsel vm8, $0x3F6, v0;
	v0 =	vsel vm13, $0x7D0, v58  }
0x56: {  	v1 =	vsel vm11, $0xAF3, v1;
	v2 =	vsel vm12, $0xAF2, v2;
	v0 =	vsel vm14, $0x899, v0  }
0x57: {  	v1 =	vsel vm10, $0xBBC, v1;
	v2 =	vsel vm11, $0xBBB, v2;
	v0 =	vsel vm12, $0x962, v0  }
0x58: {  	v1 =	vsel vm9, $0x5, v1;
	v2 =	vsel vm10, $0x4, v2;
	v0 =	vsel vm11, $0xA2B, v0  }
0x59: {  	v1 =	vsel vm7, $0xCE, v1;
	v2 =	vsel vm9, $0xCD, v2;
	v0 =	vsel vm10, $0xAF4, v0  }
0x5a: {  	v1 =	vsel vm0, $0x197, v1;
	v2 =	vsel vm7, $0x196, v2;
	v0 =	vsel vm9, $0xBBD, v0  }
0x5b: {  	v1 =	vsel vm1, $0x260, v1;
	v2 =	vsel vm0, $0x25F, v2;
	v0 =	vsel vm7, $0x6, v0  }
0x5c: {  	v1 =	vsel vm2, $0x329, v1;
	v2 =	vsel vm1, $0x328, v2;
	v0 =	vsel vm0, $0xCF, v0  }
0x5d: {  	v1 =	vsel vm3, $0x3F2, v1;
	v2 =	vsel vm2, $0x3F1, v2;
	v0 =	vsel vm1, $0x198, v0  }
0x5e: {  	v1 =	vsel vm4, $0x4BB, v1;
	v2 =	vsel vm3, $0x4BA, v2;
	v0 =	vsel vm2, $0x261, v0  }
0x5f: {  	v1 =	vsel vm5, $0x584, v1;
	v2 =	vsel vm4, $0x583, v2;
	v0 =	vsel vm3, $0x32A, v0  }
0x60: {  	v1 =	vsel vm6, $0x64D, v1;
	v2 =	vsel vm5, $0x64C, v2;
	v0 =	vsel vm4, $0x3F3, v0  }
0x61: {  	v29 =	vsel vm8, $0x716, v1;
	v2 =	vsel vm6, $0x715, v2;
	v0 =	vsel vm5, $0x4BC, v0  }
0x62: {  	v1 =	vsel vm13, $0xAF0, v62;
	v30 =	vsel vm8, $0x7DE, v2;
	v0 =	vsel vm6, $0x585, v0  }
0x63: {  	v2 =	vsel vm13, $0xBB8, v63;
	v28 =	vsel vm8, $0x64E, v0;
	v0 =	vsel vm13, $0xA28, v61  }
0x64: {  	v1 =	vsel vm14, $0xBB9, v1;
	v2 =	vsel vm14, $0x1, v2;
	v0 =	vsel vm14, $0xAF1, v0  }
0x65: {  	v1 =	vsel vm12, $0x2, v1;
	v2 =	vsel vm12, $0xCA, v2;
	v0 =	vsel vm12, $0xBBA, v0  }
0x66: {  	s0 =	rddreg [dreg:$0x0];
	v1 =	vsel vm11, $0xCB, v1;
	v2 =	vsel vm11, $0x193, v2;
	v0 =	vsel vm11, $0x3, v0  }
0x67: {  	s1 =	rddreg [dreg:$0x1];
	s3 =	simm.s32 $0x0;
	v1 =	vsel vm10, $0x194, v1;
	v2 =	vsel vm10, $0x25C, v2;
	v0 =	vsel vm10, $0xCC, v0  }
0x68: {  	s4 =	srdreg.scid;
	s2 =	stileid.u32;
	s10 =	simm.s32 $0x48;
	v1 =	vsel vm9, $0x25D, v1;
	v2 =	vsel vm9, $0x325, v2;
	v0 =	vsel vm9, $0x195, v0  }
0x69: {  	s11 =	simm.s32 $0x320;
	s12 =	simm.s32 $0x40;
	s13 =	simm.s32 $0x58A0;
	v1 =	vsel vm7, $0x326, v1;
	v2 =	vsel vm7, $0x3EE, v2;
	v0 =	vsel vm7, $0x25E, v0  }
0x6a: {  	s14 =	simm.s32 $0x88;
	s15 =	simm.s32 $0xA4A0;
	s16 =	simm.s32 $0x1;
	v1 =	vsel vm0, $0x3EF, v1;
	v2 =	vsel vm0, $0x4B7, v2;
	v0 =	vsel vm0, $0x327, v0  }
0x6b: {  	s17 =	simm.s32 $0xF0A0;
	s18 =	simm.s32 $0x16DA0;
	s19 =	simm.s32 $0x2;
	v1 =	vsel vm1, $0x4B8, v1;
	v2 =	vsel vm1, $0x580, v2;
	v0 =	vsel vm1, $0x3F0, v0  }
0x6c: {  	s20 =	simm.s32 $0x3;
	s4 =	sand.u32 $0x1, s4;
	s5 =	sshll.u32 s2, $0x1;
	v1 =	vsel vm2, $0x581, v1;
	v2 =	vsel vm2, $0x649, v2;
	v0 =	vsel vm2, $0x4B9, v0  }
.Ltmp0:
0x6d: {  	s21 =	simm.s32 $0x0;
	s7 =	sor.u32 s4, s5;
	v1 =	vsel vm3, $0x64A, v1;
	v2 =	vsel vm3, $0x712, v2;
	v0 =	vsel vm3, $0x582, v0;
	(pc) =	sbr.rel .LBB2_1-.Ltmp0, $4  }
0x6e: {  	[smem:$0x7FF] =	sst s3;
	s6 =	ssub.s32 $0x2, s4;
	s9 =	smul.u32 $0xC80, s7;
	v1 =	vsel vm4, $0x713, v1;
	v2 =	vsel vm4, $0x7DB, v2;
	v0 =	vsel vm4, $0x64B, v0  }
0x6f: {  	s4 =	sadd.s32 $0x800, s0;
	s5 =	sadd.s32 $0x4AD600, s0;
	s8 =	sshrl.u32 s6, $0x1;
	v1 =	vsel vm5, $0x7DC, v1;
	v2 =	vsel vm5, $0x8A4, v2;
	v0 =	vsel vm5, $0x714, v0  }
0x70: {  	s31 =	ssub.s32 s6, s8;
	s6 =	sshll.u32 s7, $0x7;
	s7 =	sadd.s32 s4, s9;
	[tilespmem:$0x1FFF0] =	vst v6;
	v1 =	vsel vm6, $0x8A5, v1;
	v2 =	vsel vm6, $0x96D, v2;
	v0 =	vsel vm6, $0x7DD, v0  }
0x71: {  	s8 =	smax.u32 s31, $0x1;
	s9 =	simm.s32 $0x4;
	_ =	strace $0x80000047;
	v32 =	vsel vm8, $0x96E, v1;
	v33 =	vsel vm8, $0xA36, v2;
	v31 =	vsel vm8, $0x8A6, v0  }
.LBB2_23:
0x72: {  	s21 =	sadd.s32 $0x1, s21  }
0x73: {  	_ =	swait.ge [sflag:s19], $0x7D00;
	p0 =	sne.s32 s21, s8  }
.Ltmp1:
0x74: {  	[sflag:s19] =	ssyncset.done $0x0;
	(pc) =	sbr.rel @!p0 .LBB2_24-.Ltmp1, $4  }
0x75: {  	[sflag:s19] =	ssyncadd.s32 $0xFFFF8300  }
0x76: {  	_ =	swait.ge [sflag:s20], $0x6D60  }
0x77: {  	[sflag:s20] =	ssyncset.done $0x0  }
0x78: {  	[sflag:s20] =	ssyncadd.s32 $0xFFFF92A0  }
.LBB2_1:
0x79: {  	[tilespmem:s3], [sflag:$0x4] =	stream.linear.gather [hbm4b:s7+s3], $0x320, $0x38;
	[tilespmem:$0x1DE20] =	vst v63  }
0x7a: {  	_ =	swait.ge [sflag:s9], $0x320  }
0x7b: {  	[sflag:s9] =	ssyncset.done $0x0  }
0x7c: {  	[sflag:s9] =	ssyncadd.s32 $0xFFFFFCE0  }
0x7d: {  	[tilespmem:s11], [sflag:$0x1] =	stream.indirect.gather [hbm4b:s5+s10], $0x130, s3, s10, $0xb8;
	[tilespmem:$0x1DE20] =	vst v63  }
.Ltmp2:
0x7e: {  	_ = 	snop;
	(pc) =	sbr.rel .LBB2_2-.Ltmp2, $4  }
0x7f: {  	_ = 	snop  }
0x80: {  	[tilespmem:s13], [sflag:$0x1] =	stream.indirect.gather [hbm4b:s5+s12], $0x130, s10, s12, $0xb8;
	[tilespmem:$0x1DE20] =	vst v63  }
0x81: {  	s0 =	simm.s32 $0x0  }
0x82: {  	[tilespmem:s15], [sflag:$0x1] =	stream.indirect.gather [hbm4b:s5+s12], $0x130, s14, s12, $0xb8;
	[tilespmem:$0x1DE20] =	vst v63  }
.LBB2_19:
0x83: {  	s22 =	sadd.s32 s6, s0  }
0x84: {  	s22 =	smul.u32 $0x19, s22;
	_ =	sdelay $0x1  }
0x85: {  	s22 =	sadd.s32 s4, s22  }
0x86: {  	[tilespmem:s3], [sflag:$0x4] =	stream.linear.gather [hbm4b:s22+s3], $0x320, $0x38;
	[tilespmem:$0x1DE20] =	vst v63  }
0x87: {  	_ =	swait.ge [sflag:s9], $0x320  }
0x88: {  	[sflag:s9] =	ssyncset.done $0x0  }
0x89: {  	[sflag:s9] =	ssyncadd.s32 $0xFFFFFCE0  }
.LBB2_21:
0x8a: {  	s22 =	smul.u32 $0x320, s24;
	_ =	sdelay $0x1  }
0x8b: {  	s22 =	sshrl.u32 s22, $0x2  }
0x8c: {  	[tilespmem:s11], [sflag:$0x1] =	stream.indirect.gather [hbm4b:s5+s10], $0x130, s22, s10, $0xb8;
	[tilespmem:$0x1DE20] =	vst v63  }
0x8d: {  	s31 =	sadd.s32 $0x48, s22  }
0x8e: {  	[tilespmem:s13], [sflag:$0x1] =	stream.indirect.gather [hbm4b:s5+s12], $0x130, s31, s12, $0xb8;
	[tilespmem:$0x1DE20] =	vst v63  }
0x8f: {  	s22 =	sadd.s32 $0x88, s22  }
0x90: {  	[tilespmem:s15], [sflag:$0x1] =	stream.indirect.gather [hbm4b:s5+s12], $0x130, s22, s12, $0xb8;
	[tilespmem:$0x1DE20] =	vst v63  }
.LBB2_22:
0x91: {  	p0 =	sne.s32 s0, $0x80  }
.Ltmp3:
0x92: {  	_ = 	snop;
	(pc) =	sbr.rel @!p0 .LBB2_23-.Ltmp3, $3  }
0x93: {  	_ =	sdelay $0x1  }
0x94: {  	s22 =	sadd.s32 $0xFA0, s23  }
0x95: {  	[hbm4b:s22+s3] =	stream.linear.scatter [tilespmem:s18], [sflag:$0x3], $0x6D60, $0x38;
	[tilespmem:$0x1DE20] =	vst v63  }
.LBB2_2:
0x96: {  	_ =	swait.ge [sflag:s16], $0x5580  }
0x97: {  	[sflag:s16] =	ssyncset.done $0x0  }
0x98: {  	[sflag:s16] =	ssyncadd.s32 $0xFFFFAA80  }
0x99: {  	_ =	swait.ge [sflag:s16], $0x4C00  }
0x9a: {  	[sflag:s16] =	ssyncset.done $0x0  }
0x9b: {  	[sflag:s16] =	ssyncadd.s32 $0xFFFFB400  }
0x9c: {  	_ =	swait.ge [sflag:s16], $0x4C00  }
0x9d: {  	p0 =	seq.s32 s0, $0x0;
	[sflag:s16] =	ssyncset.done $0x0  }
0x9e: {  	s22 =	smov.u32 s0;
	s0 =	simm.s32 @!p0 $0x2;
	[sflag:s16] =	ssyncadd.s32 $0xFFFFB400  }
0x9f: {  	_ =	swait.ge @!p0 [sflag:s0], $0x7D00  }
0xa0: {  	s23 =	simm.s32 $0x0;
	s24 =	simm.s32 $0x48;
	[sflag:s0] =	ssyncset.done @!p0 $0x0  }
0xa1: {  	s25 =	simm.s32 $0x88;
	s26 =	simm.s32 $0x0;
	[sflag:s0] =	ssyncadd.s32 @!p0 $0xFFFF8300  }
.LBB2_3:
0xa2: {  	s29 =	smin.u32 s23, $0x38  }
0xa3: {  	v0 =	vmov s29  }
0xa4: {  	v0 =	vmul.u32 $0x130, v0;
	_ =	sdelay $0x1  }
0xa5: {  	v0 =	vbroadcast v0, $0x0  }
0xa6: {  	s0 =	sshll.u32 s26, $0x4;
	v1 =	vlaneseq.u32  }
0xa7: {  	v34 =	vor.u32 s0, v1;
	v0 =	vadd.s32 v16, v0  }
0xa8: {  	s28 =	smul.u32 $0xC80, s26;
	v1 =	vadd.s32 v0, v34;
	_ =	sdelay $0x1  }
0xa9: {  	s29 =	sor.u32 s28, s29  }
0xaa: {  	v2 =	vadd.s32 s29, v17  }
0xab: {  	v3 =	vld [tilespmem:$0x1FFA0];
	v2 =	vand.u32 $0x1FFF8, v2  }
0xac: {  	v2 =	vor.u32 v18, v2;
	v1 =	vld.idx.msk [tilespmem:v1+s11+$0x0], $0xffff;
	_ =	sdelay $0x3  }
0xad: {  	v35 =	vor.u32 s0, v3  }
0xae: {  	v3 =	vadd.s32 v0, v35;
	[tilespmem:v2+s17+$0x0] =	vst.idx.msk $0xffff, v1;
	v2 =	vld [tilespmem:$0x1FFB0];
	_ =	sdelay $0x2  }
0xaf: {  	v4 =	vadd.s32 s29, v19  }
0xb0: {  	v1 =	vand.u32 $0x1FFF8, v4  }
0xb1: {  	v1 =	vor.u32 v18, v1;
	v36 =	vor.u32 s0, v2;
	v2 =	vld.idx.msk [tilespmem:v3+s11+$0x0], $0xffff;
	_ =	sdelay $0x4  }
0xb2: {  	v3 =	vadd.s32 v0, v36;
	[tilespmem:v1+s17+$0x0] =	vst.idx.msk $0xffff, v2;
	v2 =	vld [tilespmem:$0x1FFC0];
	_ =	sdelay $0x2  }
0xb3: {  	v4 =	vadd.s32 s29, v20  }
0xb4: {  	v1 =	vand.u32 $0x1FFF8, v4  }
0xb5: {  	v1 =	vor.u32 v18, v1;
	v37 =	vor.u32 s0, v2;
	v2 =	vld.idx.msk [tilespmem:v3+s11+$0x0], $0xffff;
	_ =	sdelay $0x4  }
0xb6: {  	v3 =	vadd.s32 v0, v37;
	[tilespmem:v1+s17+$0x0] =	vst.idx.msk $0xffff, v2;
	v2 =	vld [tilespmem:$0x1FFD0];
	_ =	sdelay $0x2  }
0xb7: {  	v4 =	vadd.s32 s29, v21  }
0xb8: {  	v1 =	vand.u32 $0x1FFF8, v4  }
0xb9: {  	v1 =	vor.u32 v18, v1;
	v38 =	vor.u32 s0, v2;
	v2 =	vld.idx.msk [tilespmem:v3+s11+$0x0], $0xffff;
	_ =	sdelay $0x4  }
0xba: {  	v3 =	vadd.s32 v0, v38;
	[tilespmem:v1+s17+$0x0] =	vst.idx.msk $0xffff, v2;
	v2 =	vld [tilespmem:$0x1FFE0];
	_ =	sdelay $0x2  }
0xbb: {  	v4 =	vadd.s32 s29, v22  }
0xbc: {  	v1 =	vand.u32 $0x1FFF8, v4  }
0xbd: {  	v1 =	vor.u32 v18, v1;
	v39 =	vor.u32 s0, v2;
	v2 =	vld.idx.msk [tilespmem:v3+s11+$0x0], $0xffff;
	_ =	sdelay $0x4  }
0xbe: {  	v3 =	vadd.s32 v0, v39;
	[tilespmem:v1+s17+$0x0] =	vst.idx.msk $0xffff, v2;
	v2 =	vld [tilespmem:$0x1FFF0];
	_ =	sdelay $0x2  }
0xbf: {  	v4 =	vadd.s32 s29, v23  }
0xc0: {  	v1 =	vand.u32 $0x1FFF8, v4  }
0xc1: {  	v1 =	vor.u32 v18, v1;
	v40 =	vor.u32 s0, v2;
	v2 =	vld.idx.msk [tilespmem:v3+s11+$0x0], $0xffff  }
0xc2: {  	v3 =	vadd.s32 v0, v40;
	_ =	sdelay $0x2  }
0xc3: {  	v4 =	vadd.s32 s29, v24  }
0xc4: {  	[tilespmem:v1+s17+$0x0] =	vst.idx.msk $0xffff, v2;
	v1 =	vand.u32 $0x1FFF8, v4  }
0xc5: {  	v41 =	vor.u32 s0, v7;
	v2 =	vld.idx.msk [tilespmem:v3+s11+$0x0], $0xffff;
	v1 =	vor.u32 v18, v1  }
0xc6: {  	v3 =	vadd.s32 v0, v41;
	_ =	sdelay $0x2  }
0xc7: {  	v4 =	vadd.s32 s29, v25  }
0xc8: {  	[tilespmem:v1+s17+$0x0] =	vst.idx.msk $0xffff, v2;
	v1 =	vand.u32 $0x1FFF8, v4  }
0xc9: {  	v42 =	vor.u32 s0, v8;
	v2 =	vld.idx.msk [tilespmem:v3+s11+$0x0], $0xffff;
	v1 =	vor.u32 v18, v1  }
0xca: {  	v3 =	vadd.s32 v0, v42;
	_ =	sdelay $0x2  }
0xcb: {  	v4 =	vadd.s32 s29, v26  }
0xcc: {  	[tilespmem:v1+s17+$0x0] =	vst.idx.msk $0xffff, v2;
	v1 =	vand.u32 $0x1FFF8, v4  }
0xcd: {  	v43 =	vor.u32 s0, v9;
	v2 =	vld.idx.msk [tilespmem:v3+s11+$0x0], $0xffff;
	v1 =	vor.u32 v18, v1  }
0xce: {  	v3 =	vadd.s32 v0, v43;
	_ =	sdelay $0x2  }
0xcf: {  	v4 =	vadd.s32 s29, v27  }
0xd0: {  	[tilespmem:v1+s17+$0x0] =	vst.idx.msk $0xffff, v2;
	v1 =	vand.u32 $0x1FFF8, v4  }
0xd1: {  	v44 =	vor.u32 s0, v10;
	v2 =	vld.idx.msk [tilespmem:v3+s11+$0x0], $0xffff;
	v1 =	vor.u32 v18, v1  }
0xd2: {  	v3 =	vadd.s32 v0, v44;
	_ =	sdelay $0x2  }
0xd3: {  	v4 =	vadd.s32 s29, v28  }
0xd4: {  	[tilespmem:v1+s17+$0x0] =	vst.idx.msk $0xffff, v2;
	v1 =	vand.u32 $0x1FFF8, v4  }
0xd5: {  	v45 =	vor.u32 s0, v11;
	v2 =	vld.idx.msk [tilespmem:v3+s11+$0x0], $0xffff;
	v1 =	vor.u32 v18, v1  }
0xd6: {  	v3 =	vadd.s32 v0, v45;
	_ =	sdelay $0x2  }
0xd7: {  	v4 =	vadd.s32 s29, v29  }
0xd8: {  	[tilespmem:v1+s17+$0x0] =	vst.idx.msk $0xffff, v2;
	v1 =	vand.u32 $0x1FFF8, v4  }
0xd9: {  	v46 =	vor.u32 s0, v12;
	v2 =	vld.idx.msk [tilespmem:v3+s11+$0x0], $0xffff;
	v1 =	vor.u32 v18, v1  }
0xda: {  	v3 =	vadd.s32 v0, v46;
	_ =	sdelay $0x2  }
0xdb: {  	v4 =	vadd.s32 s29, v30  }
0xdc: {  	[tilespmem:v1+s17+$0x0] =	vst.idx.msk $0xffff, v2;
	v1 =	vand.u32 $0x1FFF8, v4  }
0xdd: {  	v47 =	vor.u32 s0, v13;
	v2 =	vld.idx.msk [tilespmem:v3+s11+$0x0], $0xffff;
	v1 =	vor.u32 v18, v1  }
0xde: {  	v3 =	vadd.s32 v0, v47;
	_ =	sdelay $0x2  }
0xdf: {  	v4 =	vadd.s32 s29, v31  }
0xe0: {  	[tilespmem:v1+s17+$0x0] =	vst.idx.msk $0xffff, v2;
	v1 =	vand.u32 $0x1FFF8, v4  }
0xe1: {  	v48 =	vor.u32 s0, v14;
	v2 =	vld.idx.msk [tilespmem:v3+s11+$0x0], $0xffff;
	v1 =	vor.u32 v18, v1  }
0xe2: {  	v3 =	vadd.s32 v0, v48;
	_ =	sdelay $0x2  }
0xe3: {  	v4 =	vadd.s32 s29, v32  }
0xe4: {  	[tilespmem:v1+s17+$0x0] =	vst.idx.msk $0xffff, v2;
	v2 =	vand.u32 $0x1FFF8, v4  }
0xe5: {  	s31 =	simm.s32 $0x10;
	v49 =	vor.u32 s0, v15;
	v1 =	vld.idx.msk [tilespmem:v3+s11+$0x0], $0xffff;
	v2 =	vor.u32 v18, v2  }
0xe6: {  	s30 =	simm.s32 $0x20;
	s0 =	smin.u32 s31, $0x38;
	v0 =	vadd.s32 v0, v49  }
.LBB2_4:
0xe7: {  	p1 =	sne.s32 s30, $0x40;
	v3 =	vmov s0  }
0xe8: {  	v3 =	vmul.u32 $0x130, v3;
	_ =	sdelay $0x1  }
0xe9: {  	v3 =	vbroadcast v3, $0x0;
	[tilespmem:v2+s17+$0x0] =	vst.idx.msk $0xffff, v1;
	v1 =	vadd.s32 s29, v33  }
0xea: {  	v2 =	vld.idx.msk [tilespmem:v0+s11+$0x0], $0xffff;
	v1 =	vand.u32 $0x1FFF8, v1  }
0xeb: {  	v0 =	vadd.s32 v16, v3;
	v1 =	vor.u32 v18, v1  }
0xec: {  	v3 =	vadd.s32 v0, v34;
	_ =	sdelay $0x2  }
0xed: {  	s29 =	sor.u32 s28, s0  }
0xee: {  	v4 =	vadd.s32 s29, v17;
	[tilespmem:v1+s17+$0x0] =	vst.idx.msk $0xffff, v2  }
0xef: {  	v2 =	vand.u32 $0x1FFF8, v4;
	v1 =	vld.idx.msk [tilespmem:v3+s11+$0x0], $0xffff  }
0xf0: {  	v2 =	vor.u32 v18, v2  }
0xf1: {  	v3 =	vadd.s32 v0, v35;
	_ =	sdelay $0x3  }
0xf2: {  	[tilespmem:v2+s17+$0x0] =	vst.idx.msk $0xffff, v1;
	v1 =	vadd.s32 s29, v19  }
0xf3: {  	v2 =	vld.idx.msk [tilespmem:v3+s11+$0x0], $0xffff;
	v1 =	vand.u32 $0x1FFF8, v1  }
0xf4: {  	v1 =	vor.u32 v18, v1  }
0xf5: {  	v3 =	vadd.s32 v0, v36;
	_ =	sdelay $0x3  }
0xf6: {  	[tilespmem:v1+s17+$0x0] =	vst.idx.msk $0xffff, v2;
	v1 =	vadd.s32 s29, v20  }
0xf7: {  	v2 =	vld.idx.msk [tilespmem:v3+s11+$0x0], $0xffff;
	v1 =	vand.u32 $0x1FFF8, v1  }
0xf8: {  	v1 =	vor.u32 v18, v1  }
0xf9: {  	v3 =	vadd.s32 v0, v37;
	_ =	sdelay $0x3  }
0xfa: {  	[tilespmem:v1+s17+$0x0] =	vst.idx.msk $0xffff, v2;
	v1 =	vadd.s32 s29, v21  }
0xfb: {  	v2 =	vld.idx.msk [tilespmem:v3+s11+$0x0], $0xffff;
	v1 =	vand.u32 $0x1FFF8, v1  }
0xfc: {  	v1 =	vor.u32 v18, v1  }
0xfd: {  	v3 =	vadd.s32 v0, v38;
	_ =	sdelay $0x3  }
0xfe: {  	[tilespmem:v1+s17+$0x0] =	vst.idx.msk $0xffff, v2;
	v1 =	vadd.s32 s29, v22  }
0xff: {  	v2 =	vld.idx.msk [tilespmem:v3+s11+$0x0], $0xffff;
	v1 =	vand.u32 $0x1FFF8, v1  }
0x100: {  	v1 =	vor.u32 v18, v1  }
0x101: {  	v3 =	vadd.s32 v0, v39;
	_ =	sdelay $0x3  }
0x102: {  	[tilespmem:v1+s17+$0x0] =	vst.idx.msk $0xffff, v2;
	v1 =	vadd.s32 s29, v23  }
0x103: {  	v2 =	vld.idx.msk [tilespmem:v3+s11+$0x0], $0xffff;
	v1 =	vand.u32 $0x1FFF8, v1  }
0x104: {  	v1 =	vor.u32 v18, v1  }
0x105: {  	v3 =	vadd.s32 v0, v40;
	_ =	sdelay $0x3  }
0x106: {  	[tilespmem:v1+s17+$0x0] =	vst.idx.msk $0xffff, v2;
	v1 =	vadd.s32 s29, v24  }
0x107: {  	v2 =	vld.idx.msk [tilespmem:v3+s11+$0x0], $0xffff;
	v1 =	vand.u32 $0x1FFF8, v1  }
0x108: {  	v1 =	vor.u32 v18, v1  }
0x109: {  	v3 =	vadd.s32 v0, v41;
	_ =	sdelay $0x3  }
0x10a: {  	[tilespmem:v1+s17+$0x0] =	vst.idx.msk $0xffff, v2;
	v1 =	vadd.s32 s29, v25  }
0x10b: {  	v2 =	vld.idx.msk [tilespmem:v3+s11+$0x0], $0xffff;
	v1 =	vand.u32 $0x1FFF8, v1  }
0x10c: {  	v1 =	vor.u32 v18, v1  }
0x10d: {  	v3 =	vadd.s32 v0, v42;
	_ =	sdelay $0x3  }
0x10e: {  	[tilespmem:v1+s17+$0x0] =	vst.idx.msk $0xffff, v2;
	v1 =	vadd.s32 s29, v26  }
0x10f: {  	v2 =	vld.idx.msk [tilespmem:v3+s11+$0x0], $0xffff;
	v1 =	vand.u32 $0x1FFF8, v1  }
0x110: {  	v1 =	vor.u32 v18, v1  }
0x111: {  	v3 =	vadd.s32 v0, v43;
	_ =	sdelay $0x3  }
0x112: {  	[tilespmem:v1+s17+$0x0] =	vst.idx.msk $0xffff, v2;
	v1 =	vadd.s32 s29, v27  }
0x113: {  	v2 =	vld.idx.msk [tilespmem:v3+s11+$0x0], $0xffff;
	v1 =	vand.u32 $0x1FFF8, v1  }
0x114: {  	v1 =	vor.u32 v18, v1  }
0x115: {  	v3 =	vadd.s32 v0, v44;
	_ =	sdelay $0x3  }
0x116: {  	[tilespmem:v1+s17+$0x0] =	vst.idx.msk $0xffff, v2;
	v1 =	vadd.s32 s29, v28  }
0x117: {  	v2 =	vld.idx.msk [tilespmem:v3+s11+$0x0], $0xffff;
	v1 =	vand.u32 $0x1FFF8, v1  }
0x118: {  	v1 =	vor.u32 v18, v1  }
0x119: {  	v3 =	vadd.s32 v0, v45;
	_ =	sdelay $0x3  }
0x11a: {  	[tilespmem:v1+s17+$0x0] =	vst.idx.msk $0xffff, v2;
	v1 =	vadd.s32 s29, v29  }
0x11b: {  	v2 =	vld.idx.msk [tilespmem:v3+s11+$0x0], $0xffff;
	v1 =	vand.u32 $0x1FFF8, v1  }
0x11c: {  	v1 =	vor.u32 v18, v1  }
0x11d: {  	v3 =	vadd.s32 v0, v46;
	_ =	sdelay $0x3  }
0x11e: {  	[tilespmem:v1+s17+$0x0] =	vst.idx.msk $0xffff, v2;
	v1 =	vadd.s32 s29, v30  }
0x11f: {  	v2 =	vld.idx.msk [tilespmem:v3+s11+$0x0], $0xffff;
	v1 =	vand.u32 $0x1FFF8, v1  }
0x120: {  	v1 =	vor.u32 v18, v1  }
0x121: {  	v3 =	vadd.s32 v0, v47;
	_ =	sdelay $0x3  }
0x122: {  	[tilespmem:v1+s17+$0x0] =	vst.idx.msk $0xffff, v2;
	v1 =	vadd.s32 s29, v31  }
0x123: {  	v2 =	vld.idx.msk [tilespmem:v3+s11+$0x0], $0xffff;
	v1 =	vand.u32 $0x1FFF8, v1  }
0x124: {  	v1 =	vor.u32 v18, v1  }
0x125: {  	v3 =	vadd.s32 v0, v48;
	_ =	sdelay $0x2  }
.Ltmp4:
0x126: {  	(pc) =	sbr.rel @p1 .LBB2_4-.Ltmp4, $4  }
0x127: {  	[tilespmem:v1+s17+$0x0] =	vst.idx.msk $0xffff, v2;
	v2 =	vadd.s32 s29, v32  }
0x128: {  	v1 =	vld.idx.msk [tilespmem:v3+s11+$0x0], $0xffff;
	v2 =	vand.u32 $0x1FFF8, v2  }
0x129: {  	v2 =	vor.u32 v18, v2  }
0x12a: {  	s0 =	smin.u32 s30, $0x38;
	s30 =	sadd.s32 $0x10, s30;
	v0 =	vadd.s32 v0, v49  }
0x12b: {  	v3 =	vmov s0  }
0x12c: {  	v3 =	vmul.u32 $0x130, v3;
	_ =	sdelay $0x1  }
0x12d: {  	v4 =	vadd.s32 s29, v33;
	v3 =	vbroadcast v3, $0x0  }
0x12e: {  	[tilespmem:v2+s17+$0x0] =	vst.idx.msk $0xffff, v1;
	v1 =	vand.u32 $0x1FFF8, v4  }
0x12f: {  	v0 =	vld.idx.msk [tilespmem:v0+s11+$0x0], $0xffff;
	v1 =	vor.u32 v18, v1;
	v2 =	vadd.s32 v16, v3  }
0x130: {  	v3 =	vadd.s32 v2, v34;
	_ =	sdelay $0x1  }
0x131: {  	s0 =	sor.u32 s28, s0  }
0x132: {  	v4 =	vadd.s32 s0, v17  }
0x133: {  	[tilespmem:v1+s17+$0x0] =	vst.idx.msk $0xffff, v0;
	v0 =	vand.u32 $0x1FFF8, v4  }
0x134: {  	v0 =	vor.u32 v18, v0;
	v1 =	vld.idx.msk [tilespmem:v3+s11+$0x0], $0xffff  }
0x135: {  	v3 =	vadd.s32 v2, v35;
	_ =	sdelay $0x2  }
0x136: {  	v4 =	vadd.s32 s0, v19  }
0x137: {  	[tilespmem:v0+s17+$0x0] =	vst.idx.msk $0xffff, v1;
	v0 =	vand.u32 $0x1FFF8, v4  }
0x138: {  	v1 =	vld.idx.msk [tilespmem:v3+s11+$0x0], $0xffff;
	v0 =	vor.u32 v18, v0  }
0x139: {  	v3 =	vadd.s32 v2, v36;
	_ =	sdelay $0x2  }
0x13a: {  	v4 =	vadd.s32 s0, v20  }
0x13b: {  	[tilespmem:v0+s17+$0x0] =	vst.idx.msk $0xffff, v1;
	v0 =	vand.u32 $0x1FFF8, v4  }
0x13c: {  	v1 =	vld.idx.msk [tilespmem:v3+s11+$0x0], $0xffff;
	v0 =	vor.u32 v18, v0  }
0x13d: {  	v3 =	vadd.s32 v2, v37;
	_ =	sdelay $0x2  }
0x13e: {  	v4 =	vadd.s32 s0, v21  }
0x13f: {  	[tilespmem:v0+s17+$0x0] =	vst.idx.msk $0xffff, v1;
	v0 =	vand.u32 $0x1FFF8, v4  }
0x140: {  	v1 =	vld.idx.msk [tilespmem:v3+s11+$0x0], $0xffff;
	v0 =	vor.u32 v18, v0  }
0x141: {  	v3 =	vadd.s32 v2, v38;
	_ =	sdelay $0x2  }
0x142: {  	v4 =	vadd.s32 s0, v22  }
0x143: {  	[tilespmem:v0+s17+$0x0] =	vst.idx.msk $0xffff, v1;
	v0 =	vand.u32 $0x1FFF8, v4  }
0x144: {  	v1 =	vld.idx.msk [tilespmem:v3+s11+$0x0], $0xffff;
	v0 =	vor.u32 v18, v0  }
0x145: {  	v3 =	vadd.s32 v2, v39;
	_ =	sdelay $0x2  }
0x146: {  	v4 =	vadd.s32 s0, v23  }
0x147: {  	[tilespmem:v0+s17+$0x0] =	vst.idx.msk $0xffff, v1;
	v0 =	vand.u32 $0x1FFF8, v4  }
0x148: {  	v1 =	vld.idx.msk [tilespmem:v3+s11+$0x0], $0xffff;
	v0 =	vor.u32 v18, v0  }
0x149: {  	v3 =	vadd.s32 v2, v40;
	_ =	sdelay $0x2  }
0x14a: {  	v4 =	vadd.s32 s0, v24  }
0x14b: {  	[tilespmem:v0+s17+$0x0] =	vst.idx.msk $0xffff, v1;
	v0 =	vand.u32 $0x1FFF8, v4  }
0x14c: {  	v1 =	vld.idx.msk [tilespmem:v3+s11+$0x0], $0xffff;
	v0 =	vor.u32 v18, v0  }
0x14d: {  	v3 =	vadd.s32 v2, v41;
	_ =	sdelay $0x2  }
0x14e: {  	v4 =	vadd.s32 s0, v25  }
0x14f: {  	[tilespmem:v0+s17+$0x0] =	vst.idx.msk $0xffff, v1;
	v0 =	vand.u32 $0x1FFF8, v4  }
0x150: {  	v1 =	vld.idx.msk [tilespmem:v3+s11+$0x0], $0xffff;
	v0 =	vor.u32 v18, v0  }
0x151: {  	v3 =	vadd.s32 v2, v42;
	_ =	sdelay $0x2  }
0x152: {  	v4 =	vadd.s32 s0, v26  }
0x153: {  	[tilespmem:v0+s17+$0x0] =	vst.idx.msk $0xffff, v1;
	v0 =	vand.u32 $0x1FFF8, v4  }
0x154: {  	v1 =	vld.idx.msk [tilespmem:v3+s11+$0x0], $0xffff;
	v0 =	vor.u32 v18, v0  }
0x155: {  	v3 =	vadd.s32 v2, v43;
	_ =	sdelay $0x2  }
0x156: {  	v4 =	vadd.s32 s0, v27  }
0x157: {  	[tilespmem:v0+s17+$0x0] =	vst.idx.msk $0xffff, v1;
	v0 =	vand.u32 $0x1FFF8, v4  }
0x158: {  	v1 =	vld.idx.msk [tilespmem:v3+s11+$0x0], $0xffff;
	v0 =	vor.u32 v18, v0  }
0x159: {  	v3 =	vadd.s32 v2, v44;
	_ =	sdelay $0x2  }
0x15a: {  	v4 =	vadd.s32 s0, v28  }
0x15b: {  	[tilespmem:v0+s17+$0x0] =	vst.idx.msk $0xffff, v1;
	v0 =	vand.u32 $0x1FFF8, v4  }
0x15c: {  	v1 =	vld.idx.msk [tilespmem:v3+s11+$0x0], $0xffff;
	v0 =	vor.u32 v18, v0  }
0x15d: {  	v3 =	vadd.s32 v2, v45;
	_ =	sdelay $0x2  }
0x15e: {  	v4 =	vadd.s32 s0, v29  }
0x15f: {  	[tilespmem:v0+s17+$0x0] =	vst.idx.msk $0xffff, v1;
	v0 =	vand.u32 $0x1FFF8, v4  }
0x160: {  	v1 =	vld.idx.msk [tilespmem:v3+s11+$0x0], $0xffff;
	v0 =	vor.u32 v18, v0  }
0x161: {  	v3 =	vadd.s32 v2, v46;
	_ =	sdelay $0x2  }
0x162: {  	v4 =	vadd.s32 s0, v30  }
0x163: {  	[tilespmem:v0+s17+$0x0] =	vst.idx.msk $0xffff, v1;
	v0 =	vand.u32 $0x1FFF8, v4  }
0x164: {  	v1 =	vld.idx.msk [tilespmem:v3+s11+$0x0], $0xffff;
	v0 =	vor.u32 v18, v0  }
0x165: {  	v3 =	vadd.s32 v2, v47;
	_ =	sdelay $0x2  }
0x166: {  	v4 =	vadd.s32 s0, v31  }
0x167: {  	[tilespmem:v0+s17+$0x0] =	vst.idx.msk $0xffff, v1;
	v0 =	vand.u32 $0x1FFF8, v4  }
0x168: {  	v1 =	vld.idx.msk [tilespmem:v3+s11+$0x0], $0xffff;
	v0 =	vor.u32 v18, v0  }
0x169: {  	v3 =	vadd.s32 v2, v48;
	_ =	sdelay $0x2  }
0x16a: {  	v4 =	vadd.s32 s0, v32  }
0x16b: {  	[tilespmem:v0+s17+$0x0] =	vst.idx.msk $0xffff, v1;
	v0 =	vand.u32 $0x1FFF8, v4  }
0x16c: {  	s28 =	simm.s32 $0x0;
	v1 =	vld.idx.msk [tilespmem:v3+s11+$0x0], $0xffff;
	v0 =	vor.u32 v18, v0  }
0x16d: {  	v2 =	vadd.s32 v2, v49;
	v3 =	vmov s28  }
0x16e: {  	v3 =	vmul.u32 $0x130, v3;
	_ =	sdelay $0x1  }
0x16f: {  	v4 =	vadd.s32 s0, v33;
	v3 =	vbroadcast v3, $0x0  }
0x170: {  	[tilespmem:v0+s17+$0x0] =	vst.idx.msk $0xffff, v1;
	v0 =	vand.u32 $0x1FFF8, v4  }
0x171: {  	v50 =	vadd.s32 v16, v3;
	v1 =	vld.idx.msk [tilespmem:v2+s11+$0x0], $0xffff;
	v0 =	vor.u32 v18, v0  }
0x172: {  	v51 =	vadd.s32 v50, v34;
	_ =	sdelay $0x1  }
0x173: {  	s29 =	sadd.s32 $0x0, s24  }
0x174: {  	v2 =	vadd.s32 s29, v17  }
0x175: {  	[tilespmem:v0+s17+$0x0] =	vst.idx.msk $0xffff, v1;
	v0 =	vand.u32 $0x7FFFFFF8, v2  }
0x176: {  	v1 =	vld.idx.msk [tilespmem:v51+s13+$0x0], $0xffff;
	v0 =	vor.u32 v18, v0  }
0x177: {  	v52 =	vadd.s32 v50, v35;
	_ =	sdelay $0x2  }
0x178: {  	v2 =	vadd.s32 s29, v19  }
0x179: {  	[tilespmem:v0+s17+$0x0] =	vst.idx.msk $0xffff, v1;
	v0 =	vand.u32 $0x7FFFFFF8, v2  }
0x17a: {  	v1 =	vld.idx.msk [tilespmem:v52+s13+$0x0], $0xffff;
	v0 =	vor.u32 v18, v0  }
0x17b: {  	v53 =	vadd.s32 v50, v36;
	_ =	sdelay $0x2  }
0x17c: {  	v2 =	vadd.s32 s29, v20  }
0x17d: {  	[tilespmem:v0+s17+$0x0] =	vst.idx.msk $0xffff, v1;
	v0 =	vand.u32 $0x7FFFFFF8, v2  }
0x17e: {  	v1 =	vld.idx.msk [tilespmem:v53+s13+$0x0], $0xffff;
	v0 =	vor.u32 v18, v0  }
0x17f: {  	v54 =	vadd.s32 v50, v37;
	_ =	sdelay $0x2  }
0x180: {  	v2 =	vadd.s32 s29, v21  }
0x181: {  	[tilespmem:v0+s17+$0x0] =	vst.idx.msk $0xffff, v1;
	v0 =	vand.u32 $0x7FFFFFF8, v2  }
0x182: {  	v1 =	vld.idx.msk [tilespmem:v54+s13+$0x0], $0xffff;
	v0 =	vor.u32 v18, v0  }
0x183: {  	v55 =	vadd.s32 v50, v38;
	_ =	sdelay $0x2  }
0x184: {  	v2 =	vadd.s32 s29, v22  }
0x185: {  	[tilespmem:v0+s17+$0x0] =	vst.idx.msk $0xffff, v1;
	v0 =	vand.u32 $0x7FFFFFF8, v2  }
0x186: {  	v1 =	vld.idx.msk [tilespmem:v55+s13+$0x0], $0xffff;
	v0 =	vor.u32 v18, v0  }
0x187: {  	v56 =	vadd.s32 v50, v39;
	_ =	sdelay $0x2  }
0x188: {  	v2 =	vadd.s32 s29, v23  }
0x189: {  	[tilespmem:v0+s17+$0x0] =	vst.idx.msk $0xffff, v1;
	v0 =	vand.u32 $0x7FFFFFF8, v2  }
0x18a: {  	v1 =	vld.idx.msk [tilespmem:v56+s13+$0x0], $0xffff;
	v0 =	vor.u32 v18, v0  }
0x18b: {  	v57 =	vadd.s32 v50, v40;
	_ =	sdelay $0x2  }
0x18c: {  	v2 =	vadd.s32 s29, v24  }
0x18d: {  	[tilespmem:v0+s17+$0x0] =	vst.idx.msk $0xffff, v1;
	v0 =	vand.u32 $0x7FFFFFF8, v2  }
0x18e: {  	v1 =	vld.idx.msk [tilespmem:v57+s13+$0x0], $0xffff;
	v0 =	vor.u32 v18, v0  }
0x18f: {  	v58 =	vadd.s32 v50, v41;
	_ =	sdelay $0x2  }
0x190: {  	v2 =	vadd.s32 s29, v25  }
0x191: {  	[tilespmem:v0+s17+$0x0] =	vst.idx.msk $0xffff, v1;
	v0 =	vand.u32 $0x7FFFFFF8, v2  }
0x192: {  	v1 =	vld.idx.msk [tilespmem:v58+s13+$0x0], $0xffff;
	v0 =	vor.u32 v18, v0  }
0x193: {  	v59 =	vadd.s32 v50, v42;
	_ =	sdelay $0x2  }
0x194: {  	v2 =	vadd.s32 s29, v26  }
0x195: {  	[tilespmem:v0+s17+$0x0] =	vst.idx.msk $0xffff, v1;
	v0 =	vand.u32 $0x7FFFFFF8, v2  }
0x196: {  	v1 =	vld.idx.msk [tilespmem:v59+s13+$0x0], $0xffff;
	v0 =	vor.u32 v18, v0  }
0x197: {  	v60 =	vadd.s32 v50, v43;
	_ =	sdelay $0x2  }
0x198: {  	v2 =	vadd.s32 s29, v27  }
0x199: {  	[tilespmem:v0+s17+$0x0] =	vst.idx.msk $0xffff, v1;
	v0 =	vand.u32 $0x7FFFFFF8, v2  }
0x19a: {  	v1 =	vld.idx.msk [tilespmem:v60+s13+$0x0], $0xffff;
	v0 =	vor.u32 v18, v0  }
0x19b: {  	v61 =	vadd.s32 v50, v44;
	_ =	sdelay $0x2  }
0x19c: {  	v2 =	vadd.s32 s29, v28  }
0x19d: {  	[tilespmem:v0+s17+$0x0] =	vst.idx.msk $0xffff, v1;
	v0 =	vand.u32 $0x7FFFFFF8, v2  }
0x19e: {  	v1 =	vld.idx.msk [tilespmem:v61+s13+$0x0], $0xffff;
	v0 =	vor.u32 v18, v0  }
0x19f: {  	v62 =	vadd.s32 v50, v45;
	_ =	sdelay $0x2  }
0x1a0: {  	v2 =	vadd.s32 s29, v29  }
0x1a1: {  	[tilespmem:v0+s17+$0x0] =	vst.idx.msk $0xffff, v1;
	v0 =	vand.u32 $0x7FFFFFF8, v2  }
0x1a2: {  	v1 =	vld.idx.msk [tilespmem:v62+s13+$0x0], $0xffff;
	v0 =	vor.u32 v18, v0  }
0x1a3: {  	v63 =	vadd.s32 v50, v46;
	_ =	sdelay $0x2  }
0x1a4: {  	v2 =	vadd.s32 s29, v30  }
0x1a5: {  	[tilespmem:v0+s17+$0x0] =	vst.idx.msk $0xffff, v1;
	v0 =	vand.u32 $0x7FFFFFF8, v2  }
0x1a6: {  	v1 =	vld.idx.msk [tilespmem:v63+s13+$0x0], $0xffff;
	v2 =	vor.u32 v18, v0  }
0x1a7: {  	v0 =	vadd.s32 v50, v47;
	_ =	sdelay $0x2  }
0x1a8: {  	v3 =	vadd.s32 s29, v31  }
0x1a9: {  	[tilespmem:v2+s17+$0x0] =	vst.idx.msk $0xffff, v1;
	v1 =	vand.u32 $0x7FFFFFF8, v3  }
0x1aa: {  	v2 =	vld.idx.msk [tilespmem:v0+s13+$0x0], $0xffff;
	v3 =	vor.u32 v18, v1  }
0x1ab: {  	v1 =	vadd.s32 v50, v48;
	_ =	sdelay $0x2  }
0x1ac: {  	v4 =	vadd.s32 s29, v32  }
0x1ad: {  	[tilespmem:v3+s17+$0x0] =	vst.idx.msk $0xffff, v2;
	v2 =	vand.u32 $0x7FFFFFF8, v4  }
0x1ae: {  	v3 =	vld.idx.msk [tilespmem:v1+s13+$0x0], $0xffff;
	v4 =	vor.u32 v18, v2  }
0x1af: {  	s28 =	simm.s32 $0x10;
	v2 =	vadd.s32 v50, v49  }
0x1b0: {  	s31 =	simm.s32 $0x20;
	s30 =	simm.s32 $0x10;
	v5 =	vmov s28  }
.LBB2_6:
0x1b1: {  	p1 =	sne.s32 s31, $0x30;
	v5 =	vmul.u32 $0x130, v5;
	_ =	sdelay $0x1  }
0x1b2: {  	v5 =	vbroadcast v5, $0x0;
	[tilespmem:v4+s17+$0x0] =	vst.idx.msk $0xffff, v3;
	v3 =	vadd.s32 s29, v33  }
0x1b3: {  	v4 =	vld.idx.msk [tilespmem:v2+s13+$0x0], $0xffff;
	v3 =	vand.u32 $0x7FFFFFF8, v3  }
0x1b4: {  	v2 =	vadd.s32 v16, v5;
	v3 =	vor.u32 v18, v3  }
0x1b5: {  	v5 =	vadd.s32 v2, v34;
	_ =	sdelay $0x2  }
0x1b6: {  	s29 =	sadd.s32 s30, s24;
	s30 =	smov.u32 s31  }
0x1b7: {  	v6 =	vadd.s32 s29, v17;
	[tilespmem:v3+s17+$0x0] =	vst.idx.msk $0xffff, v4  }
0x1b8: {  	v4 =	vand.u32 $0x7FFFFFF8, v6;
	v3 =	vld.idx.msk [tilespmem:v5+s13+$0x0], $0xffff  }
0x1b9: {  	v4 =	vor.u32 v18, v4  }
0x1ba: {  	v5 =	vadd.s32 v2, v35;
	_ =	sdelay $0x3  }
0x1bb: {  	[tilespmem:v4+s17+$0x0] =	vst.idx.msk $0xffff, v3;
	v3 =	vadd.s32 s29, v19  }
0x1bc: {  	v4 =	vld.idx.msk [tilespmem:v5+s13+$0x0], $0xffff;
	v3 =	vand.u32 $0x7FFFFFF8, v3  }
0x1bd: {  	v3 =	vor.u32 v18, v3  }
0x1be: {  	v5 =	vadd.s32 v2, v36;
	_ =	sdelay $0x3  }
0x1bf: {  	[tilespmem:v3+s17+$0x0] =	vst.idx.msk $0xffff, v4;
	v3 =	vadd.s32 s29, v20  }
0x1c0: {  	v4 =	vld.idx.msk [tilespmem:v5+s13+$0x0], $0xffff;
	v3 =	vand.u32 $0x7FFFFFF8, v3  }
0x1c1: {  	v3 =	vor.u32 v18, v3  }
0x1c2: {  	v5 =	vadd.s32 v2, v37;
	_ =	sdelay $0x3  }
0x1c3: {  	[tilespmem:v3+s17+$0x0] =	vst.idx.msk $0xffff, v4;
	v3 =	vadd.s32 s29, v21  }
0x1c4: {  	v4 =	vld.idx.msk [tilespmem:v5+s13+$0x0], $0xffff;
	v3 =	vand.u32 $0x7FFFFFF8, v3  }
0x1c5: {  	v3 =	vor.u32 v18, v3  }
0x1c6: {  	v5 =	vadd.s32 v2, v38;
	_ =	sdelay $0x3  }
0x1c7: {  	[tilespmem:v3+s17+$0x0] =	vst.idx.msk $0xffff, v4;
	v3 =	vadd.s32 s29, v22  }
0x1c8: {  	v4 =	vld.idx.msk [tilespmem:v5+s13+$0x0], $0xffff;
	v3 =	vand.u32 $0x7FFFFFF8, v3  }
0x1c9: {  	v3 =	vor.u32 v18, v3  }
0x1ca: {  	v5 =	vadd.s32 v2, v39;
	_ =	sdelay $0x3  }
0x1cb: {  	[tilespmem:v3+s17+$0x0] =	vst.idx.msk $0xffff, v4;
	v3 =	vadd.s32 s29, v23  }
0x1cc: {  	v4 =	vld.idx.msk [tilespmem:v5+s13+$0x0], $0xffff;
	v3 =	vand.u32 $0x7FFFFFF8, v3  }
0x1cd: {  	v3 =	vor.u32 v18, v3  }
0x1ce: {  	v5 =	vadd.s32 v2, v40;
	_ =	sdelay $0x3  }
0x1cf: {  	[tilespmem:v3+s17+$0x0] =	vst.idx.msk $0xffff, v4;
	v3 =	vadd.s32 s29, v24  }
0x1d0: {  	v4 =	vld.idx.msk [tilespmem:v5+s13+$0x0], $0xffff;
	v3 =	vand.u32 $0x7FFFFFF8, v3  }
0x1d1: {  	v3 =	vor.u32 v18, v3  }
0x1d2: {  	v5 =	vadd.s32 v2, v41;
	_ =	sdelay $0x3  }
0x1d3: {  	[tilespmem:v3+s17+$0x0] =	vst.idx.msk $0xffff, v4;
	v3 =	vadd.s32 s29, v25  }
0x1d4: {  	v4 =	vld.idx.msk [tilespmem:v5+s13+$0x0], $0xffff;
	v3 =	vand.u32 $0x7FFFFFF8, v3  }
0x1d5: {  	v3 =	vor.u32 v18, v3  }
0x1d6: {  	v5 =	vadd.s32 v2, v42;
	_ =	sdelay $0x3  }
0x1d7: {  	[tilespmem:v3+s17+$0x0] =	vst.idx.msk $0xffff, v4;
	v3 =	vadd.s32 s29, v26  }
0x1d8: {  	v4 =	vld.idx.msk [tilespmem:v5+s13+$0x0], $0xffff;
	v3 =	vand.u32 $0x7FFFFFF8, v3  }
0x1d9: {  	v3 =	vor.u32 v18, v3  }
0x1da: {  	v5 =	vadd.s32 v2, v43;
	_ =	sdelay $0x3  }
0x1db: {  	[tilespmem:v3+s17+$0x0] =	vst.idx.msk $0xffff, v4;
	v3 =	vadd.s32 s29, v27  }
0x1dc: {  	v4 =	vld.idx.msk [tilespmem:v5+s13+$0x0], $0xffff;
	v3 =	vand.u32 $0x7FFFFFF8, v3  }
0x1dd: {  	v3 =	vor.u32 v18, v3  }
0x1de: {  	v5 =	vadd.s32 v2, v44;
	_ =	sdelay $0x3  }
0x1df: {  	[tilespmem:v3+s17+$0x0] =	vst.idx.msk $0xffff, v4;
	v3 =	vadd.s32 s29, v28  }
0x1e0: {  	v4 =	vld.idx.msk [tilespmem:v5+s13+$0x0], $0xffff;
	v3 =	vand.u32 $0x7FFFFFF8, v3  }
0x1e1: {  	v3 =	vor.u32 v18, v3  }
0x1e2: {  	v5 =	vadd.s32 v2, v45;
	_ =	sdelay $0x3  }
0x1e3: {  	[tilespmem:v3+s17+$0x0] =	vst.idx.msk $0xffff, v4;
	v3 =	vadd.s32 s29, v29  }
0x1e4: {  	v4 =	vld.idx.msk [tilespmem:v5+s13+$0x0], $0xffff;
	v3 =	vand.u32 $0x7FFFFFF8, v3  }
0x1e5: {  	v3 =	vor.u32 v18, v3  }
0x1e6: {  	v5 =	vadd.s32 v2, v46;
	_ =	sdelay $0x3  }
0x1e7: {  	[tilespmem:v3+s17+$0x0] =	vst.idx.msk $0xffff, v4;
	v3 =	vadd.s32 s29, v30  }
0x1e8: {  	v4 =	vld.idx.msk [tilespmem:v5+s13+$0x0], $0xffff;
	v3 =	vand.u32 $0x7FFFFFF8, v3  }
0x1e9: {  	v3 =	vor.u32 v18, v3  }
0x1ea: {  	v5 =	vadd.s32 v2, v47;
	_ =	sdelay $0x3  }
0x1eb: {  	[tilespmem:v3+s17+$0x0] =	vst.idx.msk $0xffff, v4;
	v3 =	vadd.s32 s29, v31  }
0x1ec: {  	v4 =	vld.idx.msk [tilespmem:v5+s13+$0x0], $0xffff;
	v3 =	vand.u32 $0x7FFFFFF8, v3  }
0x1ed: {  	v3 =	vor.u32 v18, v3  }
0x1ee: {  	v5 =	vadd.s32 v2, v48;
	_ =	sdelay $0x3  }
.Ltmp5:
0x1ef: {  	[tilespmem:v3+s17+$0x0] =	vst.idx.msk $0xffff, v4;
	v4 =	vadd.s32 s29, v32;
	(pc) =	sbr.rel @p1 .LBB2_6-.Ltmp5, $4  }
0x1f0: {  	v3 =	vld.idx.msk [tilespmem:v5+s13+$0x0], $0xffff;
	v4 =	vand.u32 $0x7FFFFFF8, v4  }
0x1f1: {  	v4 =	vor.u32 v18, v4  }
0x1f2: {  	v2 =	vadd.s32 v2, v49  }
0x1f3: {  	s31 =	sadd.s32 $0x10, s31;
	v5 =	vmov s30  }
0x1f4: {  	_ = 	snop  }
0x1f5: {  	v5 =	vmul.u32 $0x130, v5;
	_ =	sdelay $0x1  }
0x1f6: {  	v6 =	vadd.s32 s29, v33;
	v5 =	vbroadcast v5, $0x0  }
0x1f7: {  	[tilespmem:v4+s17+$0x0] =	vst.idx.msk $0xffff, v3;
	v3 =	vand.u32 $0x7FFFFFF8, v6  }
0x1f8: {  	v2 =	vld.idx.msk [tilespmem:v2+s13+$0x0], $0xffff;
	v3 =	vor.u32 v18, v3;
	v4 =	vadd.s32 v16, v5  }
0x1f9: {  	v5 =	vadd.s32 v4, v34;
	_ =	sdelay $0x1  }
0x1fa: {  	s0 =	sadd.s32 s30, s24  }
0x1fb: {  	v6 =	vadd.s32 s0, v17  }
0x1fc: {  	[tilespmem:v3+s17+$0x0] =	vst.idx.msk $0xffff, v2;
	v2 =	vand.u32 $0x7FFFFFF8, v6  }
0x1fd: {  	v2 =	vor.u32 v18, v2;
	v3 =	vld.idx.msk [tilespmem:v5+s13+$0x0], $0xffff  }
0x1fe: {  	v5 =	vadd.s32 v4, v35;
	_ =	sdelay $0x2  }
0x1ff: {  	v6 =	vadd.s32 s0, v19  }
0x200: {  	[tilespmem:v2+s17+$0x0] =	vst.idx.msk $0xffff, v3;
	v2 =	vand.u32 $0x7FFFFFF8, v6  }
0x201: {  	v3 =	vld.idx.msk [tilespmem:v5+s13+$0x0], $0xffff;
	v2 =	vor.u32 v18, v2  }
0x202: {  	v5 =	vadd.s32 v4, v36;
	_ =	sdelay $0x2  }
0x203: {  	v6 =	vadd.s32 s0, v20  }
0x204: {  	[tilespmem:v2+s17+$0x0] =	vst.idx.msk $0xffff, v3;
	v2 =	vand.u32 $0x7FFFFFF8, v6  }
0x205: {  	v3 =	vld.idx.msk [tilespmem:v5+s13+$0x0], $0xffff;
	v2 =	vor.u32 v18, v2  }
0x206: {  	v5 =	vadd.s32 v4, v37;
	_ =	sdelay $0x2  }
0x207: {  	v6 =	vadd.s32 s0, v21  }
0x208: {  	[tilespmem:v2+s17+$0x0] =	vst.idx.msk $0xffff, v3;
	v2 =	vand.u32 $0x7FFFFFF8, v6  }
0x209: {  	v3 =	vld.idx.msk [tilespmem:v5+s13+$0x0], $0xffff;
	v2 =	vor.u32 v18, v2  }
0x20a: {  	v5 =	vadd.s32 v4, v38;
	_ =	sdelay $0x2  }
0x20b: {  	v6 =	vadd.s32 s0, v22  }
0x20c: {  	[tilespmem:v2+s17+$0x0] =	vst.idx.msk $0xffff, v3;
	v2 =	vand.u32 $0x7FFFFFF8, v6  }
0x20d: {  	v3 =	vld.idx.msk [tilespmem:v5+s13+$0x0], $0xffff;
	v2 =	vor.u32 v18, v2  }
0x20e: {  	v5 =	vadd.s32 v4, v39;
	_ =	sdelay $0x2  }
0x20f: {  	v6 =	vadd.s32 s0, v23  }
0x210: {  	[tilespmem:v2+s17+$0x0] =	vst.idx.msk $0xffff, v3;
	v2 =	vand.u32 $0x7FFFFFF8, v6  }
0x211: {  	v3 =	vld.idx.msk [tilespmem:v5+s13+$0x0], $0xffff;
	v2 =	vor.u32 v18, v2  }
0x212: {  	v5 =	vadd.s32 v4, v40;
	_ =	sdelay $0x2  }
0x213: {  	v6 =	vadd.s32 s0, v24  }
0x214: {  	[tilespmem:v2+s17+$0x0] =	vst.idx.msk $0xffff, v3;
	v2 =	vand.u32 $0x7FFFFFF8, v6  }
0x215: {  	v3 =	vld.idx.msk [tilespmem:v5+s13+$0x0], $0xffff;
	v2 =	vor.u32 v18, v2  }
0x216: {  	v5 =	vadd.s32 v4, v41;
	_ =	sdelay $0x2  }
0x217: {  	v6 =	vadd.s32 s0, v25  }
0x218: {  	[tilespmem:v2+s17+$0x0] =	vst.idx.msk $0xffff, v3;
	v2 =	vand.u32 $0x7FFFFFF8, v6  }
0x219: {  	v3 =	vld.idx.msk [tilespmem:v5+s13+$0x0], $0xffff;
	v2 =	vor.u32 v18, v2  }
0x21a: {  	v5 =	vadd.s32 v4, v42;
	_ =	sdelay $0x2  }
0x21b: {  	v6 =	vadd.s32 s0, v26  }
0x21c: {  	[tilespmem:v2+s17+$0x0] =	vst.idx.msk $0xffff, v3;
	v2 =	vand.u32 $0x7FFFFFF8, v6  }
0x21d: {  	v3 =	vld.idx.msk [tilespmem:v5+s13+$0x0], $0xffff;
	v2 =	vor.u32 v18, v2  }
0x21e: {  	v5 =	vadd.s32 v4, v43;
	_ =	sdelay $0x2  }
0x21f: {  	v6 =	vadd.s32 s0, v27  }
0x220: {  	[tilespmem:v2+s17+$0x0] =	vst.idx.msk $0xffff, v3;
	v2 =	vand.u32 $0x7FFFFFF8, v6  }
0x221: {  	v3 =	vld.idx.msk [tilespmem:v5+s13+$0x0], $0xffff;
	v2 =	vor.u32 v18, v2  }
0x222: {  	v5 =	vadd.s32 v4, v44;
	_ =	sdelay $0x2  }
0x223: {  	v6 =	vadd.s32 s0, v28  }
0x224: {  	[tilespmem:v2+s17+$0x0] =	vst.idx.msk $0xffff, v3;
	v2 =	vand.u32 $0x7FFFFFF8, v6  }
0x225: {  	v3 =	vld.idx.msk [tilespmem:v5+s13+$0x0], $0xffff;
	v2 =	vor.u32 v18, v2  }
0x226: {  	v5 =	vadd.s32 v4, v45;
	_ =	sdelay $0x2  }
0x227: {  	v6 =	vadd.s32 s0, v29  }
0x228: {  	[tilespmem:v2+s17+$0x0] =	vst.idx.msk $0xffff, v3;
	v2 =	vand.u32 $0x7FFFFFF8, v6  }
0x229: {  	v3 =	vld.idx.msk [tilespmem:v5+s13+$0x0], $0xffff;
	v2 =	vor.u32 v18, v2  }
0x22a: {  	v5 =	vadd.s32 v4, v46;
	_ =	sdelay $0x2  }
0x22b: {  	v6 =	vadd.s32 s0, v30  }
0x22c: {  	[tilespmem:v2+s17+$0x0] =	vst.idx.msk $0xffff, v3;
	v2 =	vand.u32 $0x7FFFFFF8, v6  }
0x22d: {  	v3 =	vld.idx.msk [tilespmem:v5+s13+$0x0], $0xffff;
	v2 =	vor.u32 v18, v2  }
0x22e: {  	v5 =	vadd.s32 v4, v47;
	_ =	sdelay $0x2  }
0x22f: {  	v6 =	vadd.s32 s0, v31  }
0x230: {  	[tilespmem:v2+s17+$0x0] =	vst.idx.msk $0xffff, v3;
	v2 =	vand.u32 $0x7FFFFFF8, v6  }
0x231: {  	v3 =	vld.idx.msk [tilespmem:v5+s13+$0x0], $0xffff;
	v2 =	vor.u32 v18, v2  }
0x232: {  	v5 =	vadd.s32 v4, v48;
	_ =	sdelay $0x2  }
0x233: {  	v6 =	vadd.s32 s0, v32  }
0x234: {  	[tilespmem:v2+s17+$0x0] =	vst.idx.msk $0xffff, v3;
	v2 =	vand.u32 $0x7FFFFFF8, v6  }
0x235: {  	v3 =	vld.idx.msk [tilespmem:v5+s13+$0x0], $0xffff;
	v2 =	vor.u32 v18, v2  }
0x236: {  	v4 =	vadd.s32 v4, v49;
	_ =	sdelay $0x2  }
0x237: {  	v5 =	vadd.s32 s0, v33  }
0x238: {  	[tilespmem:v2+s17+$0x0] =	vst.idx.msk $0xffff, v3;
	v2 =	vand.u32 $0x7FFFFFF8, v5  }
0x239: {  	v3 =	vld.idx.msk [tilespmem:v4+s13+$0x0], $0xffff;
	v2 =	vor.u32 v18, v2;
	_ =	sdelay $0x2  }
0x23a: {  	s29 =	sadd.s32 $0x0, s25  }
0x23b: {  	v4 =	vadd.s32 s29, v17  }
0x23c: {  	[tilespmem:v2+s17+$0x0] =	vst.idx.msk $0xffff, v3;
	v2 =	vand.u32 $0x7FFFFFF8, v4  }
0x23d: {  	v3 =	vld.idx.msk [tilespmem:v51+s15+$0x0], $0xffff;
	v2 =	vor.u32 v18, v2;
	_ =	sdelay $0x3  }
0x23e: {  	v4 =	vadd.s32 s29, v19  }
0x23f: {  	[tilespmem:v2+s17+$0x0] =	vst.idx.msk $0xffff, v3;
	v2 =	vand.u32 $0x7FFFFFF8, v4  }
0x240: {  	v3 =	vld.idx.msk [tilespmem:v52+s15+$0x0], $0xffff;
	v2 =	vor.u32 v18, v2;
	_ =	sdelay $0x3  }
0x241: {  	v4 =	vadd.s32 s29, v20  }
0x242: {  	[tilespmem:v2+s17+$0x0] =	vst.idx.msk $0xffff, v3;
	v2 =	vand.u32 $0x7FFFFFF8, v4  }
0x243: {  	v3 =	vld.idx.msk [tilespmem:v53+s15+$0x0], $0xffff;
	v2 =	vor.u32 v18, v2;
	_ =	sdelay $0x3  }
0x244: {  	v4 =	vadd.s32 s29, v21  }
0x245: {  	[tilespmem:v2+s17+$0x0] =	vst.idx.msk $0xffff, v3;
	v2 =	vand.u32 $0x7FFFFFF8, v4  }
0x246: {  	v3 =	vld.idx.msk [tilespmem:v54+s15+$0x0], $0xffff;
	v2 =	vor.u32 v18, v2;
	_ =	sdelay $0x3  }
0x247: {  	v4 =	vadd.s32 s29, v22  }
0x248: {  	[tilespmem:v2+s17+$0x0] =	vst.idx.msk $0xffff, v3;
	v2 =	vand.u32 $0x7FFFFFF8, v4  }
0x249: {  	v3 =	vld.idx.msk [tilespmem:v55+s15+$0x0], $0xffff;
	v2 =	vor.u32 v18, v2;
	_ =	sdelay $0x3  }
0x24a: {  	v4 =	vadd.s32 s29, v23  }
0x24b: {  	[tilespmem:v2+s17+$0x0] =	vst.idx.msk $0xffff, v3;
	v2 =	vand.u32 $0x7FFFFFF8, v4  }
0x24c: {  	v3 =	vld.idx.msk [tilespmem:v56+s15+$0x0], $0xffff;
	v2 =	vor.u32 v18, v2;
	_ =	sdelay $0x3  }
0x24d: {  	v4 =	vadd.s32 s29, v24  }
0x24e: {  	[tilespmem:v2+s17+$0x0] =	vst.idx.msk $0xffff, v3;
	v2 =	vand.u32 $0x7FFFFFF8, v4  }
0x24f: {  	v3 =	vld.idx.msk [tilespmem:v57+s15+$0x0], $0xffff;
	v2 =	vor.u32 v18, v2;
	_ =	sdelay $0x3  }
0x250: {  	v4 =	vadd.s32 s29, v25  }
0x251: {  	[tilespmem:v2+s17+$0x0] =	vst.idx.msk $0xffff, v3;
	v2 =	vand.u32 $0x7FFFFFF8, v4  }
0x252: {  	v3 =	vld.idx.msk [tilespmem:v58+s15+$0x0], $0xffff;
	v2 =	vor.u32 v18, v2;
	_ =	sdelay $0x3  }
0x253: {  	v4 =	vadd.s32 s29, v26  }
0x254: {  	[tilespmem:v2+s17+$0x0] =	vst.idx.msk $0xffff, v3;
	v2 =	vand.u32 $0x7FFFFFF8, v4  }
0x255: {  	v3 =	vld.idx.msk [tilespmem:v59+s15+$0x0], $0xffff;
	v2 =	vor.u32 v18, v2;
	_ =	sdelay $0x3  }
0x256: {  	v4 =	vadd.s32 s29, v27  }
0x257: {  	[tilespmem:v2+s17+$0x0] =	vst.idx.msk $0xffff, v3;
	v2 =	vand.u32 $0x7FFFFFF8, v4  }
0x258: {  	v3 =	vld.idx.msk [tilespmem:v60+s15+$0x0], $0xffff;
	v2 =	vor.u32 v18, v2;
	_ =	sdelay $0x3  }
0x259: {  	v4 =	vadd.s32 s29, v28  }
0x25a: {  	[tilespmem:v2+s17+$0x0] =	vst.idx.msk $0xffff, v3;
	v2 =	vand.u32 $0x7FFFFFF8, v4  }
0x25b: {  	v3 =	vld.idx.msk [tilespmem:v61+s15+$0x0], $0xffff;
	v2 =	vor.u32 v18, v2;
	_ =	sdelay $0x3  }
0x25c: {  	v4 =	vadd.s32 s29, v29  }
0x25d: {  	[tilespmem:v2+s17+$0x0] =	vst.idx.msk $0xffff, v3;
	v2 =	vand.u32 $0x7FFFFFF8, v4  }
0x25e: {  	v3 =	vld.idx.msk [tilespmem:v62+s15+$0x0], $0xffff;
	v2 =	vor.u32 v18, v2;
	_ =	sdelay $0x3  }
0x25f: {  	v4 =	vadd.s32 s29, v30  }
0x260: {  	[tilespmem:v2+s17+$0x0] =	vst.idx.msk $0xffff, v3;
	v2 =	vand.u32 $0x7FFFFFF8, v4  }
0x261: {  	v3 =	vld.idx.msk [tilespmem:v63+s15+$0x0], $0xffff;
	v2 =	vor.u32 v18, v2;
	_ =	sdelay $0x3  }
0x262: {  	v4 =	vadd.s32 s29, v31  }
0x263: {  	[tilespmem:v2+s17+$0x0] =	vst.idx.msk $0xffff, v3;
	v2 =	vand.u32 $0x7FFFFFF8, v4  }
0x264: {  	v0 =	vld.idx.msk [tilespmem:v0+s15+$0x0], $0xffff;
	v2 =	vor.u32 v18, v2;
	_ =	sdelay $0x3  }
0x265: {  	v3 =	vadd.s32 s29, v32  }
0x266: {  	[tilespmem:v2+s17+$0x0] =	vst.idx.msk $0xffff, v0;
	v0 =	vand.u32 $0x7FFFFFF8, v3  }
0x267: {  	v1 =	vld.idx.msk [tilespmem:v1+s15+$0x0], $0xffff;
	v2 =	vor.u32 v18, v0  }
0x268: {  	v0 =	vadd.s32 v50, v49  }
0x269: {  	s0 =	simm.s32 $0x20;
	v3 =	vmov s28  }
.LBB2_8:
0x26a: {  	p1 =	sne.s32 s0, $0x30;
	v3 =	vmul.u32 $0x130, v3;
	_ =	sdelay $0x1  }
0x26b: {  	v3 =	vbroadcast v3, $0x0;
	[tilespmem:v2+s17+$0x0] =	vst.idx.msk $0xffff, v1;
	v1 =	vadd.s32 s29, v33  }
0x26c: {  	v2 =	vld.idx.msk [tilespmem:v0+s15+$0x0], $0xffff;
	v1 =	vand.u32 $0x7FFFFFF8, v1  }
0x26d: {  	v0 =	vadd.s32 v16, v3;
	v1 =	vor.u32 v18, v1  }
0x26e: {  	v3 =	vadd.s32 v0, v34;
	_ =	sdelay $0x2  }
0x26f: {  	s29 =	sadd.s32 s28, s25;
	s28 =	smov.u32 s0  }
0x270: {  	v4 =	vadd.s32 s29, v17;
	[tilespmem:v1+s17+$0x0] =	vst.idx.msk $0xffff, v2  }
0x271: {  	v2 =	vand.u32 $0x7FFFFFF8, v4;
	v1 =	vld.idx.msk [tilespmem:v3+s15+$0x0], $0xffff  }
0x272: {  	v2 =	vor.u32 v18, v2  }
0x273: {  	v3 =	vadd.s32 v0, v35;
	_ =	sdelay $0x3  }
0x274: {  	[tilespmem:v2+s17+$0x0] =	vst.idx.msk $0xffff, v1;
	v1 =	vadd.s32 s29, v19  }
0x275: {  	v2 =	vld.idx.msk [tilespmem:v3+s15+$0x0], $0xffff;
	v1 =	vand.u32 $0x7FFFFFF8, v1  }
0x276: {  	v1 =	vor.u32 v18, v1  }
0x277: {  	v3 =	vadd.s32 v0, v36;
	_ =	sdelay $0x3  }
0x278: {  	[tilespmem:v1+s17+$0x0] =	vst.idx.msk $0xffff, v2;
	v1 =	vadd.s32 s29, v20  }
0x279: {  	v2 =	vld.idx.msk [tilespmem:v3+s15+$0x0], $0xffff;
	v1 =	vand.u32 $0x7FFFFFF8, v1  }
0x27a: {  	v1 =	vor.u32 v18, v1  }
0x27b: {  	v3 =	vadd.s32 v0, v37;
	_ =	sdelay $0x3  }
0x27c: {  	[tilespmem:v1+s17+$0x0] =	vst.idx.msk $0xffff, v2;
	v1 =	vadd.s32 s29, v21  }
0x27d: {  	v2 =	vld.idx.msk [tilespmem:v3+s15+$0x0], $0xffff;
	v1 =	vand.u32 $0x7FFFFFF8, v1  }
0x27e: {  	v1 =	vor.u32 v18, v1  }
0x27f: {  	v3 =	vadd.s32 v0, v38;
	_ =	sdelay $0x3  }
0x280: {  	[tilespmem:v1+s17+$0x0] =	vst.idx.msk $0xffff, v2;
	v1 =	vadd.s32 s29, v22  }
0x281: {  	v2 =	vld.idx.msk [tilespmem:v3+s15+$0x0], $0xffff;
	v1 =	vand.u32 $0x7FFFFFF8, v1  }
0x282: {  	v1 =	vor.u32 v18, v1  }
0x283: {  	v3 =	vadd.s32 v0, v39;
	_ =	sdelay $0x3  }
0x284: {  	[tilespmem:v1+s17+$0x0] =	vst.idx.msk $0xffff, v2;
	v1 =	vadd.s32 s29, v23  }
0x285: {  	v2 =	vld.idx.msk [tilespmem:v3+s15+$0x0], $0xffff;
	v1 =	vand.u32 $0x7FFFFFF8, v1  }
0x286: {  	v1 =	vor.u32 v18, v1  }
0x287: {  	v3 =	vadd.s32 v0, v40;
	_ =	sdelay $0x3  }
0x288: {  	[tilespmem:v1+s17+$0x0] =	vst.idx.msk $0xffff, v2;
	v1 =	vadd.s32 s29, v24  }
0x289: {  	v2 =	vld.idx.msk [tilespmem:v3+s15+$0x0], $0xffff;
	v1 =	vand.u32 $0x7FFFFFF8, v1  }
0x28a: {  	v1 =	vor.u32 v18, v1  }
0x28b: {  	v3 =	vadd.s32 v0, v41;
	_ =	sdelay $0x3  }
0x28c: {  	[tilespmem:v1+s17+$0x0] =	vst.idx.msk $0xffff, v2;
	v1 =	vadd.s32 s29, v25  }
0x28d: {  	v2 =	vld.idx.msk [tilespmem:v3+s15+$0x0], $0xffff;
	v1 =	vand.u32 $0x7FFFFFF8, v1  }
0x28e: {  	v1 =	vor.u32 v18, v1  }
0x28f: {  	v3 =	vadd.s32 v0, v42;
	_ =	sdelay $0x3  }
0x290: {  	[tilespmem:v1+s17+$0x0] =	vst.idx.msk $0xffff, v2;
	v1 =	vadd.s32 s29, v26  }
0x291: {  	v2 =	vld.idx.msk [tilespmem:v3+s15+$0x0], $0xffff;
	v1 =	vand.u32 $0x7FFFFFF8, v1  }
0x292: {  	v1 =	vor.u32 v18, v1  }
0x293: {  	v3 =	vadd.s32 v0, v43;
	_ =	sdelay $0x3  }
0x294: {  	[tilespmem:v1+s17+$0x0] =	vst.idx.msk $0xffff, v2;
	v1 =	vadd.s32 s29, v27  }
0x295: {  	v2 =	vld.idx.msk [tilespmem:v3+s15+$0x0], $0xffff;
	v1 =	vand.u32 $0x7FFFFFF8, v1  }
0x296: {  	v1 =	vor.u32 v18, v1  }
0x297: {  	v3 =	vadd.s32 v0, v44;
	_ =	sdelay $0x3  }
0x298: {  	[tilespmem:v1+s17+$0x0] =	vst.idx.msk $0xffff, v2;
	v1 =	vadd.s32 s29, v28  }
0x299: {  	v2 =	vld.idx.msk [tilespmem:v3+s15+$0x0], $0xffff;
	v1 =	vand.u32 $0x7FFFFFF8, v1  }
0x29a: {  	v1 =	vor.u32 v18, v1  }
0x29b: {  	v3 =	vadd.s32 v0, v45;
	_ =	sdelay $0x3  }
0x29c: {  	[tilespmem:v1+s17+$0x0] =	vst.idx.msk $0xffff, v2;
	v1 =	vadd.s32 s29, v29  }
0x29d: {  	v2 =	vld.idx.msk [tilespmem:v3+s15+$0x0], $0xffff;
	v1 =	vand.u32 $0x7FFFFFF8, v1  }
0x29e: {  	v1 =	vor.u32 v18, v1  }
0x29f: {  	v3 =	vadd.s32 v0, v46;
	_ =	sdelay $0x3  }
0x2a0: {  	[tilespmem:v1+s17+$0x0] =	vst.idx.msk $0xffff, v2;
	v1 =	vadd.s32 s29, v30  }
0x2a1: {  	v2 =	vld.idx.msk [tilespmem:v3+s15+$0x0], $0xffff;
	v1 =	vand.u32 $0x7FFFFFF8, v1  }
0x2a2: {  	v1 =	vor.u32 v18, v1  }
0x2a3: {  	v3 =	vadd.s32 v0, v47;
	_ =	sdelay $0x3  }
0x2a4: {  	[tilespmem:v1+s17+$0x0] =	vst.idx.msk $0xffff, v2;
	v1 =	vadd.s32 s29, v31  }
0x2a5: {  	v2 =	vld.idx.msk [tilespmem:v3+s15+$0x0], $0xffff;
	v1 =	vand.u32 $0x7FFFFFF8, v1  }
0x2a6: {  	v1 =	vor.u32 v18, v1  }
0x2a7: {  	v3 =	vadd.s32 v0, v48;
	_ =	sdelay $0x3  }
.Ltmp6:
0x2a8: {  	[tilespmem:v1+s17+$0x0] =	vst.idx.msk $0xffff, v2;
	v2 =	vadd.s32 s29, v32;
	(pc) =	sbr.rel @p1 .LBB2_8-.Ltmp6, $4  }
0x2a9: {  	v1 =	vld.idx.msk [tilespmem:v3+s15+$0x0], $0xffff;
	v2 =	vand.u32 $0x7FFFFFF8, v2  }
0x2aa: {  	v2 =	vor.u32 v18, v2  }
0x2ab: {  	v0 =	vadd.s32 v0, v49  }
0x2ac: {  	s0 =	sadd.s32 $0x10, s0;
	v3 =	vmov s28  }
0x2ad: {  	_ = 	snop  }
0x2ae: {  	v3 =	vmul.u32 $0x130, v3;
	_ =	sdelay $0x1  }
0x2af: {  	v4 =	vadd.s32 s29, v33;
	v3 =	vbroadcast v3, $0x0  }
0x2b0: {  	[tilespmem:v2+s17+$0x0] =	vst.idx.msk $0xffff, v1;
	v55 =	vand.u32 $0x7FFFFFF8, v4  }
0x2b1: {  	v0 =	vld.idx.msk [tilespmem:v0+s15+$0x0], $0xffff;
	v1 =	vor.u32 v18, v55;
	v2 =	vadd.s32 v16, v3  }
0x2b2: {  	v3 =	vadd.s32 v2, v34;
	_ =	sdelay $0x1  }
0x2b3: {  	s0 =	sadd.s32 s28, s25  }
0x2b4: {  	v4 =	vadd.s32 s0, v17  }
0x2b5: {  	v56 =	vand.u32 $0x7FFFFFF8, v4;
	[tilespmem:v1+s17+$0x0] =	vst.idx.msk $0xffff, v0  }
0x2b6: {  	v0 =	vor.u32 v18, v56;
	v1 =	vld.idx.msk [tilespmem:v3+s15+$0x0], $0xffff  }
0x2b7: {  	v57 =	vadd.s32 v2, v35;
	_ =	sdelay $0x2  }
0x2b8: {  	v4 =	vadd.s32 s0, v19  }
0x2b9: {  	v58 =	vand.u32 $0x7FFFFFF8, v4;
	[tilespmem:v0+s17+$0x0] =	vst.idx.msk $0xffff, v1  }
0x2ba: {  	v0 =	vor.u32 v18, v58;
	v1 =	vld.idx.msk [tilespmem:v57+s15+$0x0], $0xffff  }
0x2bb: {  	v59 =	vadd.s32 v2, v36;
	_ =	sdelay $0x2  }
0x2bc: {  	v4 =	vadd.s32 s0, v20  }
0x2bd: {  	v60 =	vand.u32 $0x7FFFFFF8, v4;
	[tilespmem:v0+s17+$0x0] =	vst.idx.msk $0xffff, v1  }
0x2be: {  	v0 =	vor.u32 v18, v60;
	v1 =	vld.idx.msk [tilespmem:v59+s15+$0x0], $0xffff  }
0x2bf: {  	v61 =	vadd.s32 v2, v37;
	_ =	sdelay $0x2  }
0x2c0: {  	v4 =	vadd.s32 s0, v21  }
0x2c1: {  	v62 =	vand.u32 $0x7FFFFFF8, v4;
	[tilespmem:v0+s17+$0x0] =	vst.idx.msk $0xffff, v1  }
0x2c2: {  	v0 =	vor.u32 v18, v62;
	v1 =	vld.idx.msk [tilespmem:v61+s15+$0x0], $0xffff  }
0x2c3: {  	v63 =	vadd.s32 v2, v38;
	_ =	sdelay $0x2  }
0x2c4: {  	v4 =	vadd.s32 s0, v22  }
0x2c5: {  	v34 =	vand.u32 $0x7FFFFFF8, v4;
	[tilespmem:v0+s17+$0x0] =	vst.idx.msk $0xffff, v1  }
0x2c6: {  	v0 =	vor.u32 v18, v34;
	v1 =	vld.idx.msk [tilespmem:v63+s15+$0x0], $0xffff  }
0x2c7: {  	v35 =	vadd.s32 v2, v39;
	_ =	sdelay $0x2  }
0x2c8: {  	v4 =	vadd.s32 s0, v23  }
0x2c9: {  	v36 =	vand.u32 $0x7FFFFFF8, v4;
	[tilespmem:v0+s17+$0x0] =	vst.idx.msk $0xffff, v1  }
0x2ca: {  	v0 =	vor.u32 v18, v36;
	v1 =	vld.idx.msk [tilespmem:v35+s15+$0x0], $0xffff  }
0x2cb: {  	v37 =	vadd.s32 v2, v40;
	_ =	sdelay $0x2  }
0x2cc: {  	v4 =	vadd.s32 s0, v24  }
0x2cd: {  	v38 =	vand.u32 $0x7FFFFFF8, v4;
	[tilespmem:v0+s17+$0x0] =	vst.idx.msk $0xffff, v1  }
0x2ce: {  	v0 =	vor.u32 v18, v38;
	v1 =	vld.idx.msk [tilespmem:v37+s15+$0x0], $0xffff  }
0x2cf: {  	v39 =	vadd.s32 v2, v41;
	_ =	sdelay $0x2  }
0x2d0: {  	v4 =	vadd.s32 s0, v25  }
0x2d1: {  	v40 =	vand.u32 $0x7FFFFFF8, v4;
	[tilespmem:v0+s17+$0x0] =	vst.idx.msk $0xffff, v1  }
0x2d2: {  	v0 =	vor.u32 v18, v40;
	v1 =	vld.idx.msk [tilespmem:v39+s15+$0x0], $0xffff  }
0x2d3: {  	v41 =	vadd.s32 v2, v42;
	_ =	sdelay $0x2  }
0x2d4: {  	v4 =	vadd.s32 s0, v26  }
0x2d5: {  	v42 =	vand.u32 $0x7FFFFFF8, v4;
	[tilespmem:v0+s17+$0x0] =	vst.idx.msk $0xffff, v1  }
0x2d6: {  	v0 =	vor.u32 v18, v42;
	v1 =	vld.idx.msk [tilespmem:v41+s15+$0x0], $0xffff  }
0x2d7: {  	v50 =	vadd.s32 v2, v43;
	_ =	sdelay $0x2  }
0x2d8: {  	v4 =	vadd.s32 s0, v27  }
0x2d9: {  	v51 =	vand.u32 $0x7FFFFFF8, v4;
	[tilespmem:v0+s17+$0x0] =	vst.idx.msk $0xffff, v1  }
0x2da: {  	v0 =	vor.u32 v18, v51;
	v1 =	vld.idx.msk [tilespmem:v50+s15+$0x0], $0xffff  }
0x2db: {  	v52 =	vadd.s32 v2, v44;
	_ =	sdelay $0x2  }
0x2dc: {  	v4 =	vadd.s32 s0, v28  }
0x2dd: {  	v53 =	vand.u32 $0x7FFFFFF8, v4;
	[tilespmem:v0+s17+$0x0] =	vst.idx.msk $0xffff, v1  }
0x2de: {  	v0 =	vor.u32 v18, v53;
	v1 =	vld.idx.msk [tilespmem:v52+s15+$0x0], $0xffff  }
0x2df: {  	v54 =	vadd.s32 v2, v45;
	_ =	sdelay $0x2  }
0x2e0: {  	v4 =	vadd.s32 s0, v29  }
0x2e1: {  	v55 =	vand.u32 $0x7FFFFFF8, v4;
	[tilespmem:v0+s17+$0x0] =	vst.idx.msk $0xffff, v1  }
0x2e2: {  	v0 =	vor.u32 v18, v55;
	v1 =	vld.idx.msk [tilespmem:v54+s15+$0x0], $0xffff  }
0x2e3: {  	v56 =	vadd.s32 v2, v46;
	_ =	sdelay $0x2  }
0x2e4: {  	v4 =	vadd.s32 s0, v30  }
0x2e5: {  	v57 =	vand.u32 $0x7FFFFFF8, v4;
	[tilespmem:v0+s17+$0x0] =	vst.idx.msk $0xffff, v1  }
0x2e6: {  	v0 =	vor.u32 v18, v57;
	v1 =	vld.idx.msk [tilespmem:v56+s15+$0x0], $0xffff  }
0x2e7: {  	v58 =	vadd.s32 v2, v47;
	_ =	sdelay $0x2  }
0x2e8: {  	v4 =	vadd.s32 s0, v31  }
0x2e9: {  	v59 =	vand.u32 $0x7FFFFFF8, v4;
	[tilespmem:v0+s17+$0x0] =	vst.idx.msk $0xffff, v1  }
0x2ea: {  	v0 =	vor.u32 v18, v59;
	v1 =	vld.idx.msk [tilespmem:v58+s15+$0x0], $0xffff  }
0x2eb: {  	v60 =	vadd.s32 v2, v48;
	_ =	sdelay $0x2  }
0x2ec: {  	v4 =	vadd.s32 s0, v32  }
0x2ed: {  	v61 =	vand.u32 $0x7FFFFFF8, v4;
	[tilespmem:v0+s17+$0x0] =	vst.idx.msk $0xffff, v1  }
0x2ee: {  	v0 =	vor.u32 v18, v61;
	v1 =	vld.idx.msk [tilespmem:v60+s15+$0x0], $0xffff  }
0x2ef: {  	v2 =	vadd.s32 v2, v49;
	_ =	sdelay $0x2  }
0x2f0: {  	v62 =	vadd.s32 s0, v33  }
0x2f1: {  	s26 =	sadd.s32 $0x1, s26;
	v63 =	vand.u32 $0x7FFFFFF8, v62;
	[tilespmem:v0+s17+$0x0] =	vst.idx.msk $0xffff, v1  }
0x2f2: {  	p1 =	sne.s32 s26, $0xA;
	v0 =	vor.u32 v18, v63;
	v1 =	vld.idx.msk [tilespmem:v2+s15+$0x0], $0xffff  }
.Ltmp7:
0x2f3: {  	_ = 	snop;
	(pc) =	sbr.rel @p1 .LBB2_3-.Ltmp7, $2  }
0x2f4: {  	_ =	sdelay $0x2  }
0x2f5: {  	s24 =	sadd.s32 $0xC80, s24;
	s25 =	sadd.s32 $0xC80, s25;
	[tilespmem:v0+s17+$0x0] =	vst.idx.msk $0xffff, v1  }
0x2f6: {  	s0 =	sor.u32 s6, s22  }
0x2f7: {  	s0 =	smul.u32 $0xEA60, s0;
	_ =	sdelay $0x1  }
0x2f8: {  	s0 =	sshrl.u32 s0, $0x3  }
0x2f9: {  	s23 =	sadd.s32 s1, s0;
	s0 =	simm.s32 @!p0 $0x3  }
0x2fa: {  	[hbm4b:s23+s3] =	stream.linear.scatter [tilespmem:s17], [sflag:$0x2], $0x7D00, $0x38;
	[tilespmem:$0x1DE20] =	vst v63  }
0x2fb: {  	_ =	swait.ge @!p0 [sflag:s0], $0x6D60  }
0x2fc: {  	s24 =	simm.s32 $0x0;
	s25 =	simm.s32 $0x48;
	[sflag:s0] =	ssyncset.done @!p0 $0x0  }
0x2fd: {  	s26 =	simm.s32 $0x88;
	s28 =	simm.s32 $0x0;
	[sflag:s0] =	ssyncadd.s32 @!p0 $0xFFFF92A0  }
.LBB2_11:
0x2fe: {  	s30 =	smin.u32 s24, $0x38  }
0x2ff: {  	v0 =	vmov s30  }
0x300: {  	v0 =	vmul.u32 $0x130, v0;
	_ =	sdelay $0x1  }
0x301: {  	s0 =	sshll.u32 s28, $0x4;
	v0 =	vbroadcast v0, $0x0  }
0x302: {  	v1 =	vlaneseq.u32;
	s0 =	sadd.s32 $0xA0, s0  }
0x303: {  	v34 =	vor.u32 s0, v1;
	v0 =	vadd.s32 v16, v0  }
0x304: {  	s29 =	smul.u32 $0xC80, s28;
	v1 =	vadd.s32 v0, v34;
	_ =	sdelay $0x1  }
0x305: {  	s30 =	sor.u32 s29, s30  }
0x306: {  	v2 =	vadd.s32 s30, v17  }
0x307: {  	v3 =	vld [tilespmem:$0x1FFA0];
	v2 =	vand.u32 $0x1FFF8, v2  }
0x308: {  	v2 =	vor.u32 v18, v2;
	v1 =	vld.idx.msk [tilespmem:v1+s11+$0x0], $0xffff;
	_ =	sdelay $0x3  }
0x309: {  	v35 =	vor.u32 s0, v3  }
0x30a: {  	v3 =	vadd.s32 v0, v35;
	[tilespmem:v2+s18+$0x0] =	vst.idx.msk $0xffff, v1;
	v2 =	vld [tilespmem:$0x1FFB0];
	_ =	sdelay $0x2  }
0x30b: {  	v4 =	vadd.s32 s30, v19  }
0x30c: {  	v1 =	vand.u32 $0x1FFF8, v4  }
0x30d: {  	v1 =	vor.u32 v18, v1;
	v36 =	vor.u32 s0, v2;
	v2 =	vld.idx.msk [tilespmem:v3+s11+$0x0], $0xffff;
	_ =	sdelay $0x4  }
0x30e: {  	v3 =	vadd.s32 v0, v36;
	[tilespmem:v1+s18+$0x0] =	vst.idx.msk $0xffff, v2;
	v2 =	vld [tilespmem:$0x1FFC0];
	_ =	sdelay $0x2  }
0x30f: {  	v4 =	vadd.s32 s30, v20  }
0x310: {  	v1 =	vand.u32 $0x1FFF8, v4  }
0x311: {  	v1 =	vor.u32 v18, v1;
	v37 =	vor.u32 s0, v2;
	v2 =	vld.idx.msk [tilespmem:v3+s11+$0x0], $0xffff;
	_ =	sdelay $0x4  }
0x312: {  	v3 =	vadd.s32 v0, v37;
	[tilespmem:v1+s18+$0x0] =	vst.idx.msk $0xffff, v2;
	v2 =	vld [tilespmem:$0x1FFD0];
	_ =	sdelay $0x2  }
0x313: {  	v4 =	vadd.s32 s30, v21  }
0x314: {  	v1 =	vand.u32 $0x1FFF8, v4  }
0x315: {  	v1 =	vor.u32 v18, v1;
	v38 =	vor.u32 s0, v2;
	v2 =	vld.idx.msk [tilespmem:v3+s11+$0x0], $0xffff;
	_ =	sdelay $0x4  }
0x316: {  	v3 =	vadd.s32 v0, v38;
	[tilespmem:v1+s18+$0x0] =	vst.idx.msk $0xffff, v2;
	v2 =	vld [tilespmem:$0x1FFE0];
	_ =	sdelay $0x2  }
0x317: {  	v4 =	vadd.s32 s30, v22  }
0x318: {  	v1 =	vand.u32 $0x1FFF8, v4  }
0x319: {  	v1 =	vor.u32 v18, v1;
	v39 =	vor.u32 s0, v2;
	v2 =	vld.idx.msk [tilespmem:v3+s11+$0x0], $0xffff;
	_ =	sdelay $0x4  }
0x31a: {  	v3 =	vadd.s32 v0, v39;
	[tilespmem:v1+s18+$0x0] =	vst.idx.msk $0xffff, v2;
	v2 =	vld [tilespmem:$0x1FFF0];
	_ =	sdelay $0x2  }
0x31b: {  	v4 =	vadd.s32 s30, v23  }
0x31c: {  	v1 =	vand.u32 $0x1FFF8, v4  }
0x31d: {  	v1 =	vor.u32 v18, v1;
	v40 =	vor.u32 s0, v2;
	v2 =	vld.idx.msk [tilespmem:v3+s11+$0x0], $0xffff  }
0x31e: {  	v3 =	vadd.s32 v0, v40;
	_ =	sdelay $0x2  }
0x31f: {  	v4 =	vadd.s32 s30, v24  }
0x320: {  	[tilespmem:v1+s18+$0x0] =	vst.idx.msk $0xffff, v2;
	v1 =	vand.u32 $0x1FFF8, v4  }
0x321: {  	v41 =	vor.u32 s0, v7;
	v2 =	vld.idx.msk [tilespmem:v3+s11+$0x0], $0xffff;
	v1 =	vor.u32 v18, v1  }
0x322: {  	v3 =	vadd.s32 v0, v41;
	_ =	sdelay $0x2  }
0x323: {  	v4 =	vadd.s32 s30, v25  }
0x324: {  	[tilespmem:v1+s18+$0x0] =	vst.idx.msk $0xffff, v2;
	v1 =	vand.u32 $0x1FFF8, v4  }
0x325: {  	v42 =	vor.u32 s0, v8;
	v2 =	vld.idx.msk [tilespmem:v3+s11+$0x0], $0xffff;
	v1 =	vor.u32 v18, v1  }
0x326: {  	v3 =	vadd.s32 v0, v42;
	_ =	sdelay $0x2  }
0x327: {  	v4 =	vadd.s32 s30, v26  }
0x328: {  	[tilespmem:v1+s18+$0x0] =	vst.idx.msk $0xffff, v2;
	v1 =	vand.u32 $0x1FFF8, v4  }
0x329: {  	v43 =	vor.u32 s0, v9;
	v2 =	vld.idx.msk [tilespmem:v3+s11+$0x0], $0xffff;
	v1 =	vor.u32 v18, v1  }
0x32a: {  	v3 =	vadd.s32 v0, v43;
	_ =	sdelay $0x2  }
0x32b: {  	v4 =	vadd.s32 s30, v27  }
0x32c: {  	[tilespmem:v1+s18+$0x0] =	vst.idx.msk $0xffff, v2;
	v1 =	vand.u32 $0x1FFF8, v4  }
0x32d: {  	v44 =	vor.u32 s0, v10;
	v2 =	vld.idx.msk [tilespmem:v3+s11+$0x0], $0xffff;
	v1 =	vor.u32 v18, v1  }
0x32e: {  	v3 =	vadd.s32 v0, v44;
	_ =	sdelay $0x2  }
0x32f: {  	v4 =	vadd.s32 s30, v28  }
0x330: {  	[tilespmem:v1+s18+$0x0] =	vst.idx.msk $0xffff, v2;
	v1 =	vand.u32 $0x1FFF8, v4  }
0x331: {  	v45 =	vor.u32 s0, v11;
	v2 =	vld.idx.msk [tilespmem:v3+s11+$0x0], $0xffff;
	v1 =	vor.u32 v18, v1  }
0x332: {  	v3 =	vadd.s32 v0, v45;
	_ =	sdelay $0x2  }
0x333: {  	v4 =	vadd.s32 s30, v29  }
0x334: {  	[tilespmem:v1+s18+$0x0] =	vst.idx.msk $0xffff, v2;
	v1 =	vand.u32 $0x1FFF8, v4  }
0x335: {  	v46 =	vor.u32 s0, v12;
	v2 =	vld.idx.msk [tilespmem:v3+s11+$0x0], $0xffff;
	v1 =	vor.u32 v18, v1  }
0x336: {  	v3 =	vadd.s32 v0, v46;
	_ =	sdelay $0x2  }
0x337: {  	v4 =	vadd.s32 s30, v30  }
0x338: {  	[tilespmem:v1+s18+$0x0] =	vst.idx.msk $0xffff, v2;
	v1 =	vand.u32 $0x1FFF8, v4  }
0x339: {  	v47 =	vor.u32 s0, v13;
	v2 =	vld.idx.msk [tilespmem:v3+s11+$0x0], $0xffff;
	v1 =	vor.u32 v18, v1  }
0x33a: {  	v3 =	vadd.s32 v0, v47;
	_ =	sdelay $0x2  }
0x33b: {  	v4 =	vadd.s32 s30, v31  }
0x33c: {  	[tilespmem:v1+s18+$0x0] =	vst.idx.msk $0xffff, v2;
	v1 =	vand.u32 $0x1FFF8, v4  }
0x33d: {  	v48 =	vor.u32 s0, v14;
	v2 =	vld.idx.msk [tilespmem:v3+s11+$0x0], $0xffff;
	v1 =	vor.u32 v18, v1  }
0x33e: {  	v3 =	vadd.s32 v0, v48;
	_ =	sdelay $0x2  }
0x33f: {  	v4 =	vadd.s32 s30, v32  }
0x340: {  	[tilespmem:v1+s18+$0x0] =	vst.idx.msk $0xffff, v2;
	v2 =	vand.u32 $0x1FFF8, v4  }
0x341: {  	v49 =	vor.u32 s0, v15;
	s0 =	simm.s32 $0x10;
	v1 =	vld.idx.msk [tilespmem:v3+s11+$0x0], $0xffff;
	v2 =	vor.u32 v18, v2  }
0x342: {  	s31 =	simm.s32 $0x20;
	s0 =	smin.u32 s0, $0x38;
	v0 =	vadd.s32 v0, v49  }
.LBB2_12:
0x343: {  	p0 =	sne.s32 s31, $0x40;
	v3 =	vmov s0  }
0x344: {  	v3 =	vmul.u32 $0x130, v3;
	_ =	sdelay $0x1  }
0x345: {  	v3 =	vbroadcast v3, $0x0;
	[tilespmem:v2+s18+$0x0] =	vst.idx.msk $0xffff, v1;
	v1 =	vadd.s32 s30, v33  }
0x346: {  	v2 =	vld.idx.msk [tilespmem:v0+s11+$0x0], $0xffff;
	v1 =	vand.u32 $0x1FFF8, v1  }
0x347: {  	v0 =	vadd.s32 v16, v3;
	v1 =	vor.u32 v18, v1  }
0x348: {  	v3 =	vadd.s32 v0, v34;
	_ =	sdelay $0x2  }
0x349: {  	s30 =	sor.u32 s29, s0  }
0x34a: {  	v4 =	vadd.s32 s30, v17;
	[tilespmem:v1+s18+$0x0] =	vst.idx.msk $0xffff, v2  }
0x34b: {  	v2 =	vand.u32 $0x1FFF8, v4;
	v1 =	vld.idx.msk [tilespmem:v3+s11+$0x0], $0xffff  }
0x34c: {  	v2 =	vor.u32 v18, v2  }
0x34d: {  	v3 =	vadd.s32 v0, v35;
	_ =	sdelay $0x3  }
0x34e: {  	[tilespmem:v2+s18+$0x0] =	vst.idx.msk $0xffff, v1;
	v1 =	vadd.s32 s30, v19  }
0x34f: {  	v2 =	vld.idx.msk [tilespmem:v3+s11+$0x0], $0xffff;
	v1 =	vand.u32 $0x1FFF8, v1  }
0x350: {  	v1 =	vor.u32 v18, v1  }
0x351: {  	v3 =	vadd.s32 v0, v36;
	_ =	sdelay $0x3  }
0x352: {  	[tilespmem:v1+s18+$0x0] =	vst.idx.msk $0xffff, v2;
	v1 =	vadd.s32 s30, v20  }
0x353: {  	v2 =	vld.idx.msk [tilespmem:v3+s11+$0x0], $0xffff;
	v1 =	vand.u32 $0x1FFF8, v1  }
0x354: {  	v1 =	vor.u32 v18, v1  }
0x355: {  	v3 =	vadd.s32 v0, v37;
	_ =	sdelay $0x3  }
0x356: {  	[tilespmem:v1+s18+$0x0] =	vst.idx.msk $0xffff, v2;
	v1 =	vadd.s32 s30, v21  }
0x357: {  	v2 =	vld.idx.msk [tilespmem:v3+s11+$0x0], $0xffff;
	v1 =	vand.u32 $0x1FFF8, v1  }
0x358: {  	v1 =	vor.u32 v18, v1  }
0x359: {  	v3 =	vadd.s32 v0, v38;
	_ =	sdelay $0x3  }
0x35a: {  	[tilespmem:v1+s18+$0x0] =	vst.idx.msk $0xffff, v2;
	v1 =	vadd.s32 s30, v22  }
0x35b: {  	v2 =	vld.idx.msk [tilespmem:v3+s11+$0x0], $0xffff;
	v1 =	vand.u32 $0x1FFF8, v1  }
0x35c: {  	v1 =	vor.u32 v18, v1  }
0x35d: {  	v3 =	vadd.s32 v0, v39;
	_ =	sdelay $0x3  }
0x35e: {  	[tilespmem:v1+s18+$0x0] =	vst.idx.msk $0xffff, v2;
	v1 =	vadd.s32 s30, v23  }
0x35f: {  	v2 =	vld.idx.msk [tilespmem:v3+s11+$0x0], $0xffff;
	v1 =	vand.u32 $0x1FFF8, v1  }
0x360: {  	v1 =	vor.u32 v18, v1  }
0x361: {  	v3 =	vadd.s32 v0, v40;
	_ =	sdelay $0x3  }
0x362: {  	[tilespmem:v1+s18+$0x0] =	vst.idx.msk $0xffff, v2;
	v1 =	vadd.s32 s30, v24  }
0x363: {  	v2 =	vld.idx.msk [tilespmem:v3+s11+$0x0], $0xffff;
	v1 =	vand.u32 $0x1FFF8, v1  }
0x364: {  	v1 =	vor.u32 v18, v1  }
0x365: {  	v3 =	vadd.s32 v0, v41;
	_ =	sdelay $0x3  }
0x366: {  	[tilespmem:v1+s18+$0x0] =	vst.idx.msk $0xffff, v2;
	v1 =	vadd.s32 s30, v25  }
0x367: {  	v2 =	vld.idx.msk [tilespmem:v3+s11+$0x0], $0xffff;
	v1 =	vand.u32 $0x1FFF8, v1  }
0x368: {  	v1 =	vor.u32 v18, v1  }
0x369: {  	v3 =	vadd.s32 v0, v42;
	_ =	sdelay $0x3  }
0x36a: {  	[tilespmem:v1+s18+$0x0] =	vst.idx.msk $0xffff, v2;
	v1 =	vadd.s32 s30, v26  }
0x36b: {  	v2 =	vld.idx.msk [tilespmem:v3+s11+$0x0], $0xffff;
	v1 =	vand.u32 $0x1FFF8, v1  }
0x36c: {  	v1 =	vor.u32 v18, v1  }
0x36d: {  	v3 =	vadd.s32 v0, v43;
	_ =	sdelay $0x3  }
0x36e: {  	[tilespmem:v1+s18+$0x0] =	vst.idx.msk $0xffff, v2;
	v1 =	vadd.s32 s30, v27  }
0x36f: {  	v2 =	vld.idx.msk [tilespmem:v3+s11+$0x0], $0xffff;
	v1 =	vand.u32 $0x1FFF8, v1  }
0x370: {  	v1 =	vor.u32 v18, v1  }
0x371: {  	v3 =	vadd.s32 v0, v44;
	_ =	sdelay $0x3  }
0x372: {  	[tilespmem:v1+s18+$0x0] =	vst.idx.msk $0xffff, v2;
	v1 =	vadd.s32 s30, v28  }
0x373: {  	v2 =	vld.idx.msk [tilespmem:v3+s11+$0x0], $0xffff;
	v1 =	vand.u32 $0x1FFF8, v1  }
0x374: {  	v1 =	vor.u32 v18, v1  }
0x375: {  	v3 =	vadd.s32 v0, v45;
	_ =	sdelay $0x3  }
0x376: {  	[tilespmem:v1+s18+$0x0] =	vst.idx.msk $0xffff, v2;
	v1 =	vadd.s32 s30, v29  }
0x377: {  	v2 =	vld.idx.msk [tilespmem:v3+s11+$0x0], $0xffff;
	v1 =	vand.u32 $0x1FFF8, v1  }
0x378: {  	v1 =	vor.u32 v18, v1  }
0x379: {  	v3 =	vadd.s32 v0, v46;
	_ =	sdelay $0x3  }
0x37a: {  	[tilespmem:v1+s18+$0x0] =	vst.idx.msk $0xffff, v2;
	v1 =	vadd.s32 s30, v30  }
0x37b: {  	v2 =	vld.idx.msk [tilespmem:v3+s11+$0x0], $0xffff;
	v1 =	vand.u32 $0x1FFF8, v1  }
0x37c: {  	v1 =	vor.u32 v18, v1  }
0x37d: {  	v3 =	vadd.s32 v0, v47;
	_ =	sdelay $0x3  }
0x37e: {  	[tilespmem:v1+s18+$0x0] =	vst.idx.msk $0xffff, v2;
	v1 =	vadd.s32 s30, v31  }
0x37f: {  	v2 =	vld.idx.msk [tilespmem:v3+s11+$0x0], $0xffff;
	v1 =	vand.u32 $0x1FFF8, v1  }
0x380: {  	v1 =	vor.u32 v18, v1  }
0x381: {  	v3 =	vadd.s32 v0, v48;
	_ =	sdelay $0x2  }
.Ltmp8:
0x382: {  	(pc) =	sbr.rel @p0 .LBB2_12-.Ltmp8, $4  }
0x383: {  	[tilespmem:v1+s18+$0x0] =	vst.idx.msk $0xffff, v2;
	v2 =	vadd.s32 s30, v32  }
0x384: {  	v1 =	vld.idx.msk [tilespmem:v3+s11+$0x0], $0xffff;
	v2 =	vand.u32 $0x1FFF8, v2  }
0x385: {  	v2 =	vor.u32 v18, v2  }
0x386: {  	s0 =	smin.u32 s31, $0x38;
	s31 =	sadd.s32 $0x10, s31;
	v0 =	vadd.s32 v0, v49  }
0x387: {  	v3 =	vmov s0  }
0x388: {  	v3 =	vmul.u32 $0x130, v3;
	_ =	sdelay $0x1  }
0x389: {  	v4 =	vadd.s32 s30, v33;
	v3 =	vbroadcast v3, $0x0  }
0x38a: {  	[tilespmem:v2+s18+$0x0] =	vst.idx.msk $0xffff, v1;
	v1 =	vand.u32 $0x1FFF8, v4  }
0x38b: {  	v0 =	vld.idx.msk [tilespmem:v0+s11+$0x0], $0xffff;
	v1 =	vor.u32 v18, v1;
	v2 =	vadd.s32 v16, v3  }
0x38c: {  	v3 =	vadd.s32 v2, v34;
	_ =	sdelay $0x1  }
0x38d: {  	s0 =	sor.u32 s29, s0  }
0x38e: {  	v4 =	vadd.s32 s0, v17  }
0x38f: {  	[tilespmem:v1+s18+$0x0] =	vst.idx.msk $0xffff, v0;
	v0 =	vand.u32 $0x1FFF8, v4  }
0x390: {  	v0 =	vor.u32 v18, v0;
	v1 =	vld.idx.msk [tilespmem:v3+s11+$0x0], $0xffff  }
0x391: {  	v3 =	vadd.s32 v2, v35;
	_ =	sdelay $0x2  }
0x392: {  	v4 =	vadd.s32 s0, v19  }
0x393: {  	[tilespmem:v0+s18+$0x0] =	vst.idx.msk $0xffff, v1;
	v0 =	vand.u32 $0x1FFF8, v4  }
0x394: {  	v1 =	vld.idx.msk [tilespmem:v3+s11+$0x0], $0xffff;
	v0 =	vor.u32 v18, v0  }
0x395: {  	v3 =	vadd.s32 v2, v36;
	_ =	sdelay $0x2  }
0x396: {  	v4 =	vadd.s32 s0, v20  }
0x397: {  	[tilespmem:v0+s18+$0x0] =	vst.idx.msk $0xffff, v1;
	v0 =	vand.u32 $0x1FFF8, v4  }
0x398: {  	v1 =	vld.idx.msk [tilespmem:v3+s11+$0x0], $0xffff;
	v0 =	vor.u32 v18, v0  }
0x399: {  	v3 =	vadd.s32 v2, v37;
	_ =	sdelay $0x2  }
0x39a: {  	v4 =	vadd.s32 s0, v21  }
0x39b: {  	[tilespmem:v0+s18+$0x0] =	vst.idx.msk $0xffff, v1;
	v0 =	vand.u32 $0x1FFF8, v4  }
0x39c: {  	v1 =	vld.idx.msk [tilespmem:v3+s11+$0x0], $0xffff;
	v0 =	vor.u32 v18, v0  }
0x39d: {  	v3 =	vadd.s32 v2, v38;
	_ =	sdelay $0x2  }
0x39e: {  	v4 =	vadd.s32 s0, v22  }
0x39f: {  	[tilespmem:v0+s18+$0x0] =	vst.idx.msk $0xffff, v1;
	v0 =	vand.u32 $0x1FFF8, v4  }
0x3a0: {  	v1 =	vld.idx.msk [tilespmem:v3+s11+$0x0], $0xffff;
	v0 =	vor.u32 v18, v0  }
0x3a1: {  	v3 =	vadd.s32 v2, v39;
	_ =	sdelay $0x2  }
0x3a2: {  	v4 =	vadd.s32 s0, v23  }
0x3a3: {  	[tilespmem:v0+s18+$0x0] =	vst.idx.msk $0xffff, v1;
	v0 =	vand.u32 $0x1FFF8, v4  }
0x3a4: {  	v1 =	vld.idx.msk [tilespmem:v3+s11+$0x0], $0xffff;
	v0 =	vor.u32 v18, v0  }
0x3a5: {  	v3 =	vadd.s32 v2, v40;
	_ =	sdelay $0x2  }
0x3a6: {  	v4 =	vadd.s32 s0, v24  }
0x3a7: {  	[tilespmem:v0+s18+$0x0] =	vst.idx.msk $0xffff, v1;
	v0 =	vand.u32 $0x1FFF8, v4  }
0x3a8: {  	v1 =	vld.idx.msk [tilespmem:v3+s11+$0x0], $0xffff;
	v0 =	vor.u32 v18, v0  }
0x3a9: {  	v3 =	vadd.s32 v2, v41;
	_ =	sdelay $0x2  }
0x3aa: {  	v4 =	vadd.s32 s0, v25  }
0x3ab: {  	[tilespmem:v0+s18+$0x0] =	vst.idx.msk $0xffff, v1;
	v0 =	vand.u32 $0x1FFF8, v4  }
0x3ac: {  	v1 =	vld.idx.msk [tilespmem:v3+s11+$0x0], $0xffff;
	v0 =	vor.u32 v18, v0  }
0x3ad: {  	v3 =	vadd.s32 v2, v42;
	_ =	sdelay $0x2  }
0x3ae: {  	v4 =	vadd.s32 s0, v26  }
0x3af: {  	[tilespmem:v0+s18+$0x0] =	vst.idx.msk $0xffff, v1;
	v0 =	vand.u32 $0x1FFF8, v4  }
0x3b0: {  	v1 =	vld.idx.msk [tilespmem:v3+s11+$0x0], $0xffff;
	v0 =	vor.u32 v18, v0  }
0x3b1: {  	v3 =	vadd.s32 v2, v43;
	_ =	sdelay $0x2  }
0x3b2: {  	v4 =	vadd.s32 s0, v27  }
0x3b3: {  	[tilespmem:v0+s18+$0x0] =	vst.idx.msk $0xffff, v1;
	v0 =	vand.u32 $0x1FFF8, v4  }
0x3b4: {  	v1 =	vld.idx.msk [tilespmem:v3+s11+$0x0], $0xffff;
	v0 =	vor.u32 v18, v0  }
0x3b5: {  	v3 =	vadd.s32 v2, v44;
	_ =	sdelay $0x2  }
0x3b6: {  	v4 =	vadd.s32 s0, v28  }
0x3b7: {  	[tilespmem:v0+s18+$0x0] =	vst.idx.msk $0xffff, v1;
	v0 =	vand.u32 $0x1FFF8, v4  }
0x3b8: {  	v1 =	vld.idx.msk [tilespmem:v3+s11+$0x0], $0xffff;
	v0 =	vor.u32 v18, v0  }
0x3b9: {  	v3 =	vadd.s32 v2, v45;
	_ =	sdelay $0x2  }
0x3ba: {  	v4 =	vadd.s32 s0, v29  }
0x3bb: {  	[tilespmem:v0+s18+$0x0] =	vst.idx.msk $0xffff, v1;
	v0 =	vand.u32 $0x1FFF8, v4  }
0x3bc: {  	v1 =	vld.idx.msk [tilespmem:v3+s11+$0x0], $0xffff;
	v0 =	vor.u32 v18, v0  }
0x3bd: {  	v3 =	vadd.s32 v2, v46;
	_ =	sdelay $0x2  }
0x3be: {  	v4 =	vadd.s32 s0, v30  }
0x3bf: {  	[tilespmem:v0+s18+$0x0] =	vst.idx.msk $0xffff, v1;
	v0 =	vand.u32 $0x1FFF8, v4  }
0x3c0: {  	v1 =	vld.idx.msk [tilespmem:v3+s11+$0x0], $0xffff;
	v0 =	vor.u32 v18, v0  }
0x3c1: {  	v3 =	vadd.s32 v2, v47;
	_ =	sdelay $0x2  }
0x3c2: {  	v4 =	vadd.s32 s0, v31  }
0x3c3: {  	[tilespmem:v0+s18+$0x0] =	vst.idx.msk $0xffff, v1;
	v0 =	vand.u32 $0x1FFF8, v4  }
0x3c4: {  	v1 =	vld.idx.msk [tilespmem:v3+s11+$0x0], $0xffff;
	v0 =	vor.u32 v18, v0  }
0x3c5: {  	v3 =	vadd.s32 v2, v48;
	_ =	sdelay $0x2  }
0x3c6: {  	v4 =	vadd.s32 s0, v32  }
0x3c7: {  	[tilespmem:v0+s18+$0x0] =	vst.idx.msk $0xffff, v1;
	v0 =	vand.u32 $0x1FFF8, v4  }
0x3c8: {  	s29 =	simm.s32 $0x0;
	v1 =	vld.idx.msk [tilespmem:v3+s11+$0x0], $0xffff;
	v0 =	vor.u32 v18, v0  }
0x3c9: {  	v2 =	vadd.s32 v2, v49;
	v3 =	vmov s29  }
0x3ca: {  	v3 =	vmul.u32 $0x130, v3;
	_ =	sdelay $0x1  }
0x3cb: {  	v4 =	vadd.s32 s0, v33;
	v3 =	vbroadcast v3, $0x0  }
0x3cc: {  	[tilespmem:v0+s18+$0x0] =	vst.idx.msk $0xffff, v1;
	v0 =	vand.u32 $0x1FFF8, v4  }
0x3cd: {  	v50 =	vadd.s32 v16, v3;
	v1 =	vld.idx.msk [tilespmem:v2+s11+$0x0], $0xffff;
	v0 =	vor.u32 v18, v0  }
0x3ce: {  	v51 =	vadd.s32 v50, v34;
	_ =	sdelay $0x1  }
0x3cf: {  	s30 =	sadd.s32 $0x0, s25  }
0x3d0: {  	v2 =	vadd.s32 s30, v17  }
0x3d1: {  	[tilespmem:v0+s18+$0x0] =	vst.idx.msk $0xffff, v1;
	v0 =	vand.u32 $0x7FFFFFF8, v2  }
0x3d2: {  	v1 =	vld.idx.msk [tilespmem:v51+s13+$0x0], $0xffff;
	v0 =	vor.u32 v18, v0  }
0x3d3: {  	v52 =	vadd.s32 v50, v35;
	_ =	sdelay $0x2  }
0x3d4: {  	v2 =	vadd.s32 s30, v19  }
0x3d5: {  	[tilespmem:v0+s18+$0x0] =	vst.idx.msk $0xffff, v1;
	v0 =	vand.u32 $0x7FFFFFF8, v2  }
0x3d6: {  	v1 =	vld.idx.msk [tilespmem:v52+s13+$0x0], $0xffff;
	v0 =	vor.u32 v18, v0  }
0x3d7: {  	v53 =	vadd.s32 v50, v36;
	_ =	sdelay $0x2  }
0x3d8: {  	v2 =	vadd.s32 s30, v20  }
0x3d9: {  	[tilespmem:v0+s18+$0x0] =	vst.idx.msk $0xffff, v1;
	v0 =	vand.u32 $0x7FFFFFF8, v2  }
0x3da: {  	v1 =	vld.idx.msk [tilespmem:v53+s13+$0x0], $0xffff;
	v0 =	vor.u32 v18, v0  }
0x3db: {  	v54 =	vadd.s32 v50, v37;
	_ =	sdelay $0x2  }
0x3dc: {  	v2 =	vadd.s32 s30, v21  }
0x3dd: {  	[tilespmem:v0+s18+$0x0] =	vst.idx.msk $0xffff, v1;
	v0 =	vand.u32 $0x7FFFFFF8, v2  }
0x3de: {  	v1 =	vld.idx.msk [tilespmem:v54+s13+$0x0], $0xffff;
	v0 =	vor.u32 v18, v0  }
0x3df: {  	v55 =	vadd.s32 v50, v38;
	_ =	sdelay $0x2  }
0x3e0: {  	v2 =	vadd.s32 s30, v22  }
0x3e1: {  	[tilespmem:v0+s18+$0x0] =	vst.idx.msk $0xffff, v1;
	v0 =	vand.u32 $0x7FFFFFF8, v2  }
0x3e2: {  	v1 =	vld.idx.msk [tilespmem:v55+s13+$0x0], $0xffff;
	v0 =	vor.u32 v18, v0  }
0x3e3: {  	v56 =	vadd.s32 v50, v39;
	_ =	sdelay $0x2  }
0x3e4: {  	v2 =	vadd.s32 s30, v23  }
0x3e5: {  	[tilespmem:v0+s18+$0x0] =	vst.idx.msk $0xffff, v1;
	v0 =	vand.u32 $0x7FFFFFF8, v2  }
0x3e6: {  	v1 =	vld.idx.msk [tilespmem:v56+s13+$0x0], $0xffff;
	v0 =	vor.u32 v18, v0  }
0x3e7: {  	v57 =	vadd.s32 v50, v40;
	_ =	sdelay $0x2  }
0x3e8: {  	v2 =	vadd.s32 s30, v24  }
0x3e9: {  	[tilespmem:v0+s18+$0x0] =	vst.idx.msk $0xffff, v1;
	v0 =	vand.u32 $0x7FFFFFF8, v2  }
0x3ea: {  	v1 =	vld.idx.msk [tilespmem:v57+s13+$0x0], $0xffff;
	v0 =	vor.u32 v18, v0  }
0x3eb: {  	v58 =	vadd.s32 v50, v41;
	_ =	sdelay $0x2  }
0x3ec: {  	v2 =	vadd.s32 s30, v25  }
0x3ed: {  	[tilespmem:v0+s18+$0x0] =	vst.idx.msk $0xffff, v1;
	v0 =	vand.u32 $0x7FFFFFF8, v2  }
0x3ee: {  	v1 =	vld.idx.msk [tilespmem:v58+s13+$0x0], $0xffff;
	v0 =	vor.u32 v18, v0  }
0x3ef: {  	v59 =	vadd.s32 v50, v42;
	_ =	sdelay $0x2  }
0x3f0: {  	v2 =	vadd.s32 s30, v26  }
0x3f1: {  	[tilespmem:v0+s18+$0x0] =	vst.idx.msk $0xffff, v1;
	v0 =	vand.u32 $0x7FFFFFF8, v2  }
0x3f2: {  	v1 =	vld.idx.msk [tilespmem:v59+s13+$0x0], $0xffff;
	v0 =	vor.u32 v18, v0  }
0x3f3: {  	v60 =	vadd.s32 v50, v43;
	_ =	sdelay $0x2  }
0x3f4: {  	v2 =	vadd.s32 s30, v27  }
0x3f5: {  	[tilespmem:v0+s18+$0x0] =	vst.idx.msk $0xffff, v1;
	v0 =	vand.u32 $0x7FFFFFF8, v2  }
0x3f6: {  	v1 =	vld.idx.msk [tilespmem:v60+s13+$0x0], $0xffff;
	v0 =	vor.u32 v18, v0  }
0x3f7: {  	v61 =	vadd.s32 v50, v44;
	_ =	sdelay $0x2  }
0x3f8: {  	v2 =	vadd.s32 s30, v28  }
0x3f9: {  	[tilespmem:v0+s18+$0x0] =	vst.idx.msk $0xffff, v1;
	v0 =	vand.u32 $0x7FFFFFF8, v2  }
0x3fa: {  	v1 =	vld.idx.msk [tilespmem:v61+s13+$0x0], $0xffff;
	v0 =	vor.u32 v18, v0  }
0x3fb: {  	v62 =	vadd.s32 v50, v45;
	_ =	sdelay $0x2  }
0x3fc: {  	v2 =	vadd.s32 s30, v29  }
0x3fd: {  	[tilespmem:v0+s18+$0x0] =	vst.idx.msk $0xffff, v1;
	v0 =	vand.u32 $0x7FFFFFF8, v2  }
0x3fe: {  	v1 =	vld.idx.msk [tilespmem:v62+s13+$0x0], $0xffff;
	v0 =	vor.u32 v18, v0  }
0x3ff: {  	v63 =	vadd.s32 v50, v46;
	_ =	sdelay $0x2  }
0x400: {  	v2 =	vadd.s32 s30, v30  }
0x401: {  	[tilespmem:v0+s18+$0x0] =	vst.idx.msk $0xffff, v1;
	v0 =	vand.u32 $0x7FFFFFF8, v2  }
0x402: {  	v1 =	vld.idx.msk [tilespmem:v63+s13+$0x0], $0xffff;
	v2 =	vor.u32 v18, v0  }
0x403: {  	v0 =	vadd.s32 v50, v47;
	_ =	sdelay $0x2  }
0x404: {  	v3 =	vadd.s32 s30, v31  }
0x405: {  	[tilespmem:v2+s18+$0x0] =	vst.idx.msk $0xffff, v1;
	v1 =	vand.u32 $0x7FFFFFF8, v3  }
0x406: {  	v2 =	vld.idx.msk [tilespmem:v0+s13+$0x0], $0xffff;
	v3 =	vor.u32 v18, v1  }
0x407: {  	v1 =	vadd.s32 v50, v48;
	_ =	sdelay $0x2  }
0x408: {  	v4 =	vadd.s32 s30, v32  }
0x409: {  	[tilespmem:v3+s18+$0x0] =	vst.idx.msk $0xffff, v2;
	v2 =	vand.u32 $0x7FFFFFF8, v4  }
0x40a: {  	v3 =	vld.idx.msk [tilespmem:v1+s13+$0x0], $0xffff;
	v4 =	vor.u32 v18, v2  }
0x40b: {  	s29 =	simm.s32 $0x10;
	v2 =	vadd.s32 v50, v49  }
0x40c: {  	s31 =	simm.s32 $0x10;
	s0 =	simm.s32 $0x20;
	v5 =	vmov s29  }
.LBB2_14:
0x40d: {  	p0 =	sne.s32 s0, $0x30;
	v5 =	vmul.u32 $0x130, v5;
	_ =	sdelay $0x1  }
0x40e: {  	v5 =	vbroadcast v5, $0x0;
	[tilespmem:v4+s18+$0x0] =	vst.idx.msk $0xffff, v3;
	v3 =	vadd.s32 s30, v33  }
0x40f: {  	v4 =	vld.idx.msk [tilespmem:v2+s13+$0x0], $0xffff;
	v3 =	vand.u32 $0x7FFFFFF8, v3  }
0x410: {  	v2 =	vadd.s32 v16, v5;
	v3 =	vor.u32 v18, v3  }
0x411: {  	v5 =	vadd.s32 v2, v34;
	_ =	sdelay $0x2  }
0x412: {  	s30 =	sadd.s32 s31, s25;
	s31 =	smov.u32 s0  }
0x413: {  	v6 =	vadd.s32 s30, v17;
	[tilespmem:v3+s18+$0x0] =	vst.idx.msk $0xffff, v4  }
0x414: {  	v4 =	vand.u32 $0x7FFFFFF8, v6;
	v3 =	vld.idx.msk [tilespmem:v5+s13+$0x0], $0xffff  }
0x415: {  	v4 =	vor.u32 v18, v4  }
0x416: {  	v5 =	vadd.s32 v2, v35;
	_ =	sdelay $0x3  }
0x417: {  	[tilespmem:v4+s18+$0x0] =	vst.idx.msk $0xffff, v3;
	v3 =	vadd.s32 s30, v19  }
0x418: {  	v4 =	vld.idx.msk [tilespmem:v5+s13+$0x0], $0xffff;
	v3 =	vand.u32 $0x7FFFFFF8, v3  }
0x419: {  	v3 =	vor.u32 v18, v3  }
0x41a: {  	v5 =	vadd.s32 v2, v36;
	_ =	sdelay $0x3  }
0x41b: {  	[tilespmem:v3+s18+$0x0] =	vst.idx.msk $0xffff, v4;
	v3 =	vadd.s32 s30, v20  }
0x41c: {  	v4 =	vld.idx.msk [tilespmem:v5+s13+$0x0], $0xffff;
	v3 =	vand.u32 $0x7FFFFFF8, v3  }
0x41d: {  	v3 =	vor.u32 v18, v3  }
0x41e: {  	v5 =	vadd.s32 v2, v37;
	_ =	sdelay $0x3  }
0x41f: {  	[tilespmem:v3+s18+$0x0] =	vst.idx.msk $0xffff, v4;
	v3 =	vadd.s32 s30, v21  }
0x420: {  	v4 =	vld.idx.msk [tilespmem:v5+s13+$0x0], $0xffff;
	v3 =	vand.u32 $0x7FFFFFF8, v3  }
0x421: {  	v3 =	vor.u32 v18, v3  }
0x422: {  	v5 =	vadd.s32 v2, v38;
	_ =	sdelay $0x3  }
0x423: {  	[tilespmem:v3+s18+$0x0] =	vst.idx.msk $0xffff, v4;
	v3 =	vadd.s32 s30, v22  }
0x424: {  	v4 =	vld.idx.msk [tilespmem:v5+s13+$0x0], $0xffff;
	v3 =	vand.u32 $0x7FFFFFF8, v3  }
0x425: {  	v3 =	vor.u32 v18, v3  }
0x426: {  	v5 =	vadd.s32 v2, v39;
	_ =	sdelay $0x3  }
0x427: {  	[tilespmem:v3+s18+$0x0] =	vst.idx.msk $0xffff, v4;
	v3 =	vadd.s32 s30, v23  }
0x428: {  	v4 =	vld.idx.msk [tilespmem:v5+s13+$0x0], $0xffff;
	v3 =	vand.u32 $0x7FFFFFF8, v3  }
0x429: {  	v3 =	vor.u32 v18, v3  }
0x42a: {  	v5 =	vadd.s32 v2, v40;
	_ =	sdelay $0x3  }
0x42b: {  	[tilespmem:v3+s18+$0x0] =	vst.idx.msk $0xffff, v4;
	v3 =	vadd.s32 s30, v24  }
0x42c: {  	v4 =	vld.idx.msk [tilespmem:v5+s13+$0x0], $0xffff;
	v3 =	vand.u32 $0x7FFFFFF8, v3  }
0x42d: {  	v3 =	vor.u32 v18, v3  }
0x42e: {  	v5 =	vadd.s32 v2, v41;
	_ =	sdelay $0x3  }
0x42f: {  	[tilespmem:v3+s18+$0x0] =	vst.idx.msk $0xffff, v4;
	v3 =	vadd.s32 s30, v25  }
0x430: {  	v4 =	vld.idx.msk [tilespmem:v5+s13+$0x0], $0xffff;
	v3 =	vand.u32 $0x7FFFFFF8, v3  }
0x431: {  	v3 =	vor.u32 v18, v3  }
0x432: {  	v5 =	vadd.s32 v2, v42;
	_ =	sdelay $0x3  }
0x433: {  	[tilespmem:v3+s18+$0x0] =	vst.idx.msk $0xffff, v4;
	v3 =	vadd.s32 s30, v26  }
0x434: {  	v4 =	vld.idx.msk [tilespmem:v5+s13+$0x0], $0xffff;
	v3 =	vand.u32 $0x7FFFFFF8, v3  }
0x435: {  	v3 =	vor.u32 v18, v3  }
0x436: {  	v5 =	vadd.s32 v2, v43;
	_ =	sdelay $0x3  }
0x437: {  	[tilespmem:v3+s18+$0x0] =	vst.idx.msk $0xffff, v4;
	v3 =	vadd.s32 s30, v27  }
0x438: {  	v4 =	vld.idx.msk [tilespmem:v5+s13+$0x0], $0xffff;
	v3 =	vand.u32 $0x7FFFFFF8, v3  }
0x439: {  	v3 =	vor.u32 v18, v3  }
0x43a: {  	v5 =	vadd.s32 v2, v44;
	_ =	sdelay $0x3  }
0x43b: {  	[tilespmem:v3+s18+$0x0] =	vst.idx.msk $0xffff, v4;
	v3 =	vadd.s32 s30, v28  }
0x43c: {  	v4 =	vld.idx.msk [tilespmem:v5+s13+$0x0], $0xffff;
	v3 =	vand.u32 $0x7FFFFFF8, v3  }
0x43d: {  	v3 =	vor.u32 v18, v3  }
0x43e: {  	v5 =	vadd.s32 v2, v45;
	_ =	sdelay $0x3  }
0x43f: {  	[tilespmem:v3+s18+$0x0] =	vst.idx.msk $0xffff, v4;
	v3 =	vadd.s32 s30, v29  }
0x440: {  	v4 =	vld.idx.msk [tilespmem:v5+s13+$0x0], $0xffff;
	v3 =	vand.u32 $0x7FFFFFF8, v3  }
0x441: {  	v3 =	vor.u32 v18, v3  }
0x442: {  	v5 =	vadd.s32 v2, v46;
	_ =	sdelay $0x3  }
0x443: {  	[tilespmem:v3+s18+$0x0] =	vst.idx.msk $0xffff, v4;
	v3 =	vadd.s32 s30, v30  }
0x444: {  	v4 =	vld.idx.msk [tilespmem:v5+s13+$0x0], $0xffff;
	v3 =	vand.u32 $0x7FFFFFF8, v3  }
0x445: {  	v3 =	vor.u32 v18, v3  }
0x446: {  	v5 =	vadd.s32 v2, v47;
	_ =	sdelay $0x3  }
0x447: {  	[tilespmem:v3+s18+$0x0] =	vst.idx.msk $0xffff, v4;
	v3 =	vadd.s32 s30, v31  }
0x448: {  	v4 =	vld.idx.msk [tilespmem:v5+s13+$0x0], $0xffff;
	v3 =	vand.u32 $0x7FFFFFF8, v3  }
0x449: {  	v3 =	vor.u32 v18, v3  }
0x44a: {  	v5 =	vadd.s32 v2, v48;
	_ =	sdelay $0x3  }
.Ltmp9:
0x44b: {  	[tilespmem:v3+s18+$0x0] =	vst.idx.msk $0xffff, v4;
	v4 =	vadd.s32 s30, v32;
	(pc) =	sbr.rel @p0 .LBB2_14-.Ltmp9, $4  }
0x44c: {  	v3 =	vld.idx.msk [tilespmem:v5+s13+$0x0], $0xffff;
	v4 =	vand.u32 $0x7FFFFFF8, v4  }
0x44d: {  	v4 =	vor.u32 v18, v4  }
0x44e: {  	v2 =	vadd.s32 v2, v49  }
0x44f: {  	s0 =	sadd.s32 $0x10, s0;
	v5 =	vmov s31  }
0x450: {  	_ = 	snop  }
0x451: {  	v5 =	vmul.u32 $0x130, v5;
	_ =	sdelay $0x1  }
0x452: {  	v6 =	vadd.s32 s30, v33;
	v5 =	vbroadcast v5, $0x0  }
0x453: {  	[tilespmem:v4+s18+$0x0] =	vst.idx.msk $0xffff, v3;
	v3 =	vand.u32 $0x7FFFFFF8, v6  }
0x454: {  	v2 =	vld.idx.msk [tilespmem:v2+s13+$0x0], $0xffff;
	v3 =	vor.u32 v18, v3;
	v4 =	vadd.s32 v16, v5  }
0x455: {  	v5 =	vadd.s32 v4, v34;
	_ =	sdelay $0x1  }
0x456: {  	s0 =	sadd.s32 s31, s25  }
0x457: {  	v6 =	vadd.s32 s0, v17  }
0x458: {  	[tilespmem:v3+s18+$0x0] =	vst.idx.msk $0xffff, v2;
	v2 =	vand.u32 $0x7FFFFFF8, v6  }
0x459: {  	v2 =	vor.u32 v18, v2;
	v3 =	vld.idx.msk [tilespmem:v5+s13+$0x0], $0xffff  }
0x45a: {  	v5 =	vadd.s32 v4, v35;
	_ =	sdelay $0x2  }
0x45b: {  	v6 =	vadd.s32 s0, v19  }
0x45c: {  	[tilespmem:v2+s18+$0x0] =	vst.idx.msk $0xffff, v3;
	v2 =	vand.u32 $0x7FFFFFF8, v6  }
0x45d: {  	v3 =	vld.idx.msk [tilespmem:v5+s13+$0x0], $0xffff;
	v2 =	vor.u32 v18, v2  }
0x45e: {  	v5 =	vadd.s32 v4, v36;
	_ =	sdelay $0x2  }
0x45f: {  	v6 =	vadd.s32 s0, v20  }
0x460: {  	[tilespmem:v2+s18+$0x0] =	vst.idx.msk $0xffff, v3;
	v2 =	vand.u32 $0x7FFFFFF8, v6  }
0x461: {  	v3 =	vld.idx.msk [tilespmem:v5+s13+$0x0], $0xffff;
	v2 =	vor.u32 v18, v2  }
0x462: {  	v5 =	vadd.s32 v4, v37;
	_ =	sdelay $0x2  }
0x463: {  	v6 =	vadd.s32 s0, v21  }
0x464: {  	[tilespmem:v2+s18+$0x0] =	vst.idx.msk $0xffff, v3;
	v2 =	vand.u32 $0x7FFFFFF8, v6  }
0x465: {  	v3 =	vld.idx.msk [tilespmem:v5+s13+$0x0], $0xffff;
	v2 =	vor.u32 v18, v2  }
0x466: {  	v5 =	vadd.s32 v4, v38;
	_ =	sdelay $0x2  }
0x467: {  	v6 =	vadd.s32 s0, v22  }
0x468: {  	[tilespmem:v2+s18+$0x0] =	vst.idx.msk $0xffff, v3;
	v2 =	vand.u32 $0x7FFFFFF8, v6  }
0x469: {  	v3 =	vld.idx.msk [tilespmem:v5+s13+$0x0], $0xffff;
	v2 =	vor.u32 v18, v2  }
0x46a: {  	v5 =	vadd.s32 v4, v39;
	_ =	sdelay $0x2  }
0x46b: {  	v6 =	vadd.s32 s0, v23  }
0x46c: {  	[tilespmem:v2+s18+$0x0] =	vst.idx.msk $0xffff, v3;
	v2 =	vand.u32 $0x7FFFFFF8, v6  }
0x46d: {  	v3 =	vld.idx.msk [tilespmem:v5+s13+$0x0], $0xffff;
	v2 =	vor.u32 v18, v2  }
0x46e: {  	v5 =	vadd.s32 v4, v40;
	_ =	sdelay $0x2  }
0x46f: {  	v6 =	vadd.s32 s0, v24  }
0x470: {  	[tilespmem:v2+s18+$0x0] =	vst.idx.msk $0xffff, v3;
	v2 =	vand.u32 $0x7FFFFFF8, v6  }
0x471: {  	v3 =	vld.idx.msk [tilespmem:v5+s13+$0x0], $0xffff;
	v2 =	vor.u32 v18, v2  }
0x472: {  	v5 =	vadd.s32 v4, v41;
	_ =	sdelay $0x2  }
0x473: {  	v6 =	vadd.s32 s0, v25  }
0x474: {  	[tilespmem:v2+s18+$0x0] =	vst.idx.msk $0xffff, v3;
	v2 =	vand.u32 $0x7FFFFFF8, v6  }
0x475: {  	v3 =	vld.idx.msk [tilespmem:v5+s13+$0x0], $0xffff;
	v2 =	vor.u32 v18, v2  }
0x476: {  	v5 =	vadd.s32 v4, v42;
	_ =	sdelay $0x2  }
0x477: {  	v6 =	vadd.s32 s0, v26  }
0x478: {  	[tilespmem:v2+s18+$0x0] =	vst.idx.msk $0xffff, v3;
	v2 =	vand.u32 $0x7FFFFFF8, v6  }
0x479: {  	v3 =	vld.idx.msk [tilespmem:v5+s13+$0x0], $0xffff;
	v2 =	vor.u32 v18, v2  }
0x47a: {  	v5 =	vadd.s32 v4, v43;
	_ =	sdelay $0x2  }
0x47b: {  	v6 =	vadd.s32 s0, v27  }
0x47c: {  	[tilespmem:v2+s18+$0x0] =	vst.idx.msk $0xffff, v3;
	v2 =	vand.u32 $0x7FFFFFF8, v6  }
0x47d: {  	v3 =	vld.idx.msk [tilespmem:v5+s13+$0x0], $0xffff;
	v2 =	vor.u32 v18, v2  }
0x47e: {  	v5 =	vadd.s32 v4, v44;
	_ =	sdelay $0x2  }
0x47f: {  	v6 =	vadd.s32 s0, v28  }
0x480: {  	[tilespmem:v2+s18+$0x0] =	vst.idx.msk $0xffff, v3;
	v2 =	vand.u32 $0x7FFFFFF8, v6  }
0x481: {  	v3 =	vld.idx.msk [tilespmem:v5+s13+$0x0], $0xffff;
	v2 =	vor.u32 v18, v2  }
0x482: {  	v5 =	vadd.s32 v4, v45;
	_ =	sdelay $0x2  }
0x483: {  	v6 =	vadd.s32 s0, v29  }
0x484: {  	[tilespmem:v2+s18+$0x0] =	vst.idx.msk $0xffff, v3;
	v2 =	vand.u32 $0x7FFFFFF8, v6  }
0x485: {  	v3 =	vld.idx.msk [tilespmem:v5+s13+$0x0], $0xffff;
	v2 =	vor.u32 v18, v2  }
0x486: {  	v5 =	vadd.s32 v4, v46;
	_ =	sdelay $0x2  }
0x487: {  	v6 =	vadd.s32 s0, v30  }
0x488: {  	[tilespmem:v2+s18+$0x0] =	vst.idx.msk $0xffff, v3;
	v2 =	vand.u32 $0x7FFFFFF8, v6  }
0x489: {  	v3 =	vld.idx.msk [tilespmem:v5+s13+$0x0], $0xffff;
	v2 =	vor.u32 v18, v2  }
0x48a: {  	v5 =	vadd.s32 v4, v47;
	_ =	sdelay $0x2  }
0x48b: {  	v6 =	vadd.s32 s0, v31  }
0x48c: {  	[tilespmem:v2+s18+$0x0] =	vst.idx.msk $0xffff, v3;
	v2 =	vand.u32 $0x7FFFFFF8, v6  }
0x48d: {  	v3 =	vld.idx.msk [tilespmem:v5+s13+$0x0], $0xffff;
	v2 =	vor.u32 v18, v2  }
0x48e: {  	v5 =	vadd.s32 v4, v48;
	_ =	sdelay $0x2  }
0x48f: {  	v6 =	vadd.s32 s0, v32  }
0x490: {  	[tilespmem:v2+s18+$0x0] =	vst.idx.msk $0xffff, v3;
	v2 =	vand.u32 $0x7FFFFFF8, v6  }
0x491: {  	v3 =	vld.idx.msk [tilespmem:v5+s13+$0x0], $0xffff;
	v2 =	vor.u32 v18, v2  }
0x492: {  	v4 =	vadd.s32 v4, v49;
	_ =	sdelay $0x2  }
0x493: {  	v5 =	vadd.s32 s0, v33  }
0x494: {  	[tilespmem:v2+s18+$0x0] =	vst.idx.msk $0xffff, v3;
	v2 =	vand.u32 $0x7FFFFFF8, v5  }
0x495: {  	v3 =	vld.idx.msk [tilespmem:v4+s13+$0x0], $0xffff;
	v2 =	vor.u32 v18, v2;
	_ =	sdelay $0x2  }
0x496: {  	s30 =	sadd.s32 $0x0, s26  }
0x497: {  	v4 =	vadd.s32 s30, v17  }
0x498: {  	[tilespmem:v2+s18+$0x0] =	vst.idx.msk $0xffff, v3;
	v2 =	vand.u32 $0x7FFFFFF8, v4  }
0x499: {  	v3 =	vld.idx.msk [tilespmem:v51+s15+$0x0], $0xffff;
	v2 =	vor.u32 v18, v2;
	_ =	sdelay $0x3  }
0x49a: {  	v4 =	vadd.s32 s30, v19  }
0x49b: {  	[tilespmem:v2+s18+$0x0] =	vst.idx.msk $0xffff, v3;
	v2 =	vand.u32 $0x7FFFFFF8, v4  }
0x49c: {  	v3 =	vld.idx.msk [tilespmem:v52+s15+$0x0], $0xffff;
	v2 =	vor.u32 v18, v2;
	_ =	sdelay $0x3  }
0x49d: {  	v4 =	vadd.s32 s30, v20  }
0x49e: {  	[tilespmem:v2+s18+$0x0] =	vst.idx.msk $0xffff, v3;
	v2 =	vand.u32 $0x7FFFFFF8, v4  }
0x49f: {  	v3 =	vld.idx.msk [tilespmem:v53+s15+$0x0], $0xffff;
	v2 =	vor.u32 v18, v2;
	_ =	sdelay $0x3  }
0x4a0: {  	v4 =	vadd.s32 s30, v21  }
0x4a1: {  	[tilespmem:v2+s18+$0x0] =	vst.idx.msk $0xffff, v3;
	v2 =	vand.u32 $0x7FFFFFF8, v4  }
0x4a2: {  	v3 =	vld.idx.msk [tilespmem:v54+s15+$0x0], $0xffff;
	v2 =	vor.u32 v18, v2;
	_ =	sdelay $0x3  }
0x4a3: {  	v4 =	vadd.s32 s30, v22  }
0x4a4: {  	[tilespmem:v2+s18+$0x0] =	vst.idx.msk $0xffff, v3;
	v2 =	vand.u32 $0x7FFFFFF8, v4  }
0x4a5: {  	v3 =	vld.idx.msk [tilespmem:v55+s15+$0x0], $0xffff;
	v2 =	vor.u32 v18, v2;
	_ =	sdelay $0x3  }
0x4a6: {  	v4 =	vadd.s32 s30, v23  }
0x4a7: {  	[tilespmem:v2+s18+$0x0] =	vst.idx.msk $0xffff, v3;
	v2 =	vand.u32 $0x7FFFFFF8, v4  }
0x4a8: {  	v3 =	vld.idx.msk [tilespmem:v56+s15+$0x0], $0xffff;
	v2 =	vor.u32 v18, v2;
	_ =	sdelay $0x3  }
0x4a9: {  	v4 =	vadd.s32 s30, v24  }
0x4aa: {  	[tilespmem:v2+s18+$0x0] =	vst.idx.msk $0xffff, v3;
	v2 =	vand.u32 $0x7FFFFFF8, v4  }
0x4ab: {  	v3 =	vld.idx.msk [tilespmem:v57+s15+$0x0], $0xffff;
	v2 =	vor.u32 v18, v2;
	_ =	sdelay $0x3  }
0x4ac: {  	v4 =	vadd.s32 s30, v25  }
0x4ad: {  	[tilespmem:v2+s18+$0x0] =	vst.idx.msk $0xffff, v3;
	v2 =	vand.u32 $0x7FFFFFF8, v4  }
0x4ae: {  	v3 =	vld.idx.msk [tilespmem:v58+s15+$0x0], $0xffff;
	v2 =	vor.u32 v18, v2;
	_ =	sdelay $0x3  }
0x4af: {  	v4 =	vadd.s32 s30, v26  }
0x4b0: {  	[tilespmem:v2+s18+$0x0] =	vst.idx.msk $0xffff, v3;
	v2 =	vand.u32 $0x7FFFFFF8, v4  }
0x4b1: {  	v3 =	vld.idx.msk [tilespmem:v59+s15+$0x0], $0xffff;
	v2 =	vor.u32 v18, v2;
	_ =	sdelay $0x3  }
0x4b2: {  	v4 =	vadd.s32 s30, v27  }
0x4b3: {  	[tilespmem:v2+s18+$0x0] =	vst.idx.msk $0xffff, v3;
	v2 =	vand.u32 $0x7FFFFFF8, v4  }
0x4b4: {  	v3 =	vld.idx.msk [tilespmem:v60+s15+$0x0], $0xffff;
	v2 =	vor.u32 v18, v2;
	_ =	sdelay $0x3  }
0x4b5: {  	v4 =	vadd.s32 s30, v28  }
0x4b6: {  	[tilespmem:v2+s18+$0x0] =	vst.idx.msk $0xffff, v3;
	v2 =	vand.u32 $0x7FFFFFF8, v4  }
0x4b7: {  	v3 =	vld.idx.msk [tilespmem:v61+s15+$0x0], $0xffff;
	v2 =	vor.u32 v18, v2;
	_ =	sdelay $0x3  }
0x4b8: {  	v4 =	vadd.s32 s30, v29  }
0x4b9: {  	[tilespmem:v2+s18+$0x0] =	vst.idx.msk $0xffff, v3;
	v2 =	vand.u32 $0x7FFFFFF8, v4  }
0x4ba: {  	v3 =	vld.idx.msk [tilespmem:v62+s15+$0x0], $0xffff;
	v2 =	vor.u32 v18, v2;
	_ =	sdelay $0x3  }
0x4bb: {  	v4 =	vadd.s32 s30, v30  }
0x4bc: {  	[tilespmem:v2+s18+$0x0] =	vst.idx.msk $0xffff, v3;
	v2 =	vand.u32 $0x7FFFFFF8, v4  }
0x4bd: {  	v3 =	vld.idx.msk [tilespmem:v63+s15+$0x0], $0xffff;
	v2 =	vor.u32 v18, v2;
	_ =	sdelay $0x3  }
0x4be: {  	v4 =	vadd.s32 s30, v31  }
0x4bf: {  	[tilespmem:v2+s18+$0x0] =	vst.idx.msk $0xffff, v3;
	v2 =	vand.u32 $0x7FFFFFF8, v4  }
0x4c0: {  	v0 =	vld.idx.msk [tilespmem:v0+s15+$0x0], $0xffff;
	v2 =	vor.u32 v18, v2;
	_ =	sdelay $0x3  }
0x4c1: {  	v3 =	vadd.s32 s30, v32  }
0x4c2: {  	[tilespmem:v2+s18+$0x0] =	vst.idx.msk $0xffff, v0;
	v0 =	vand.u32 $0x7FFFFFF8, v3  }
0x4c3: {  	v1 =	vld.idx.msk [tilespmem:v1+s15+$0x0], $0xffff;
	v2 =	vor.u32 v18, v0  }
0x4c4: {  	v0 =	vadd.s32 v50, v49  }
0x4c5: {  	s0 =	simm.s32 $0x20;
	v3 =	vmov s29  }
.LBB2_16:
0x4c6: {  	p0 =	sne.s32 s0, $0x30;
	v3 =	vmul.u32 $0x130, v3;
	_ =	sdelay $0x1  }
0x4c7: {  	v3 =	vbroadcast v3, $0x0;
	[tilespmem:v2+s18+$0x0] =	vst.idx.msk $0xffff, v1;
	v1 =	vadd.s32 s30, v33  }
0x4c8: {  	v2 =	vld.idx.msk [tilespmem:v0+s15+$0x0], $0xffff;
	v1 =	vand.u32 $0x7FFFFFF8, v1  }
0x4c9: {  	v0 =	vadd.s32 v16, v3;
	v1 =	vor.u32 v18, v1  }
0x4ca: {  	v3 =	vadd.s32 v0, v34;
	_ =	sdelay $0x2  }
0x4cb: {  	s30 =	sadd.s32 s29, s26;
	s29 =	smov.u32 s0  }
0x4cc: {  	v4 =	vadd.s32 s30, v17;
	[tilespmem:v1+s18+$0x0] =	vst.idx.msk $0xffff, v2  }
0x4cd: {  	v2 =	vand.u32 $0x7FFFFFF8, v4;
	v1 =	vld.idx.msk [tilespmem:v3+s15+$0x0], $0xffff  }
0x4ce: {  	v2 =	vor.u32 v18, v2  }
0x4cf: {  	v3 =	vadd.s32 v0, v35;
	_ =	sdelay $0x3  }
0x4d0: {  	[tilespmem:v2+s18+$0x0] =	vst.idx.msk $0xffff, v1;
	v1 =	vadd.s32 s30, v19  }
0x4d1: {  	v2 =	vld.idx.msk [tilespmem:v3+s15+$0x0], $0xffff;
	v1 =	vand.u32 $0x7FFFFFF8, v1  }
0x4d2: {  	v1 =	vor.u32 v18, v1  }
0x4d3: {  	v3 =	vadd.s32 v0, v36;
	_ =	sdelay $0x3  }
0x4d4: {  	[tilespmem:v1+s18+$0x0] =	vst.idx.msk $0xffff, v2;
	v1 =	vadd.s32 s30, v20  }
0x4d5: {  	v2 =	vld.idx.msk [tilespmem:v3+s15+$0x0], $0xffff;
	v1 =	vand.u32 $0x7FFFFFF8, v1  }
0x4d6: {  	v1 =	vor.u32 v18, v1  }
0x4d7: {  	v3 =	vadd.s32 v0, v37;
	_ =	sdelay $0x3  }
0x4d8: {  	[tilespmem:v1+s18+$0x0] =	vst.idx.msk $0xffff, v2;
	v1 =	vadd.s32 s30, v21  }
0x4d9: {  	v2 =	vld.idx.msk [tilespmem:v3+s15+$0x0], $0xffff;
	v1 =	vand.u32 $0x7FFFFFF8, v1  }
0x4da: {  	v1 =	vor.u32 v18, v1  }
0x4db: {  	v3 =	vadd.s32 v0, v38;
	_ =	sdelay $0x3  }
0x4dc: {  	[tilespmem:v1+s18+$0x0] =	vst.idx.msk $0xffff, v2;
	v1 =	vadd.s32 s30, v22  }
0x4dd: {  	v2 =	vld.idx.msk [tilespmem:v3+s15+$0x0], $0xffff;
	v1 =	vand.u32 $0x7FFFFFF8, v1  }
0x4de: {  	v1 =	vor.u32 v18, v1  }
0x4df: {  	v3 =	vadd.s32 v0, v39;
	_ =	sdelay $0x3  }
0x4e0: {  	[tilespmem:v1+s18+$0x0] =	vst.idx.msk $0xffff, v2;
	v1 =	vadd.s32 s30, v23  }
0x4e1: {  	v2 =	vld.idx.msk [tilespmem:v3+s15+$0x0], $0xffff;
	v1 =	vand.u32 $0x7FFFFFF8, v1  }
0x4e2: {  	v1 =	vor.u32 v18, v1  }
0x4e3: {  	v3 =	vadd.s32 v0, v40;
	_ =	sdelay $0x3  }
0x4e4: {  	[tilespmem:v1+s18+$0x0] =	vst.idx.msk $0xffff, v2;
	v1 =	vadd.s32 s30, v24  }
0x4e5: {  	v2 =	vld.idx.msk [tilespmem:v3+s15+$0x0], $0xffff;
	v1 =	vand.u32 $0x7FFFFFF8, v1  }
0x4e6: {  	v1 =	vor.u32 v18, v1  }
0x4e7: {  	v3 =	vadd.s32 v0, v41;
	_ =	sdelay $0x3  }
0x4e8: {  	[tilespmem:v1+s18+$0x0] =	vst.idx.msk $0xffff, v2;
	v1 =	vadd.s32 s30, v25  }
0x4e9: {  	v2 =	vld.idx.msk [tilespmem:v3+s15+$0x0], $0xffff;
	v1 =	vand.u32 $0x7FFFFFF8, v1  }
0x4ea: {  	v1 =	vor.u32 v18, v1  }
0x4eb: {  	v3 =	vadd.s32 v0, v42;
	_ =	sdelay $0x3  }
0x4ec: {  	[tilespmem:v1+s18+$0x0] =	vst.idx.msk $0xffff, v2;
	v1 =	vadd.s32 s30, v26  }
0x4ed: {  	v2 =	vld.idx.msk [tilespmem:v3+s15+$0x0], $0xffff;
	v1 =	vand.u32 $0x7FFFFFF8, v1  }
0x4ee: {  	v1 =	vor.u32 v18, v1  }
0x4ef: {  	v3 =	vadd.s32 v0, v43;
	_ =	sdelay $0x3  }
0x4f0: {  	[tilespmem:v1+s18+$0x0] =	vst.idx.msk $0xffff, v2;
	v1 =	vadd.s32 s30, v27  }
0x4f1: {  	v2 =	vld.idx.msk [tilespmem:v3+s15+$0x0], $0xffff;
	v1 =	vand.u32 $0x7FFFFFF8, v1  }
0x4f2: {  	v1 =	vor.u32 v18, v1  }
0x4f3: {  	v3 =	vadd.s32 v0, v44;
	_ =	sdelay $0x3  }
0x4f4: {  	[tilespmem:v1+s18+$0x0] =	vst.idx.msk $0xffff, v2;
	v1 =	vadd.s32 s30, v28  }
0x4f5: {  	v2 =	vld.idx.msk [tilespmem:v3+s15+$0x0], $0xffff;
	v1 =	vand.u32 $0x7FFFFFF8, v1  }
0x4f6: {  	v1 =	vor.u32 v18, v1  }
0x4f7: {  	v3 =	vadd.s32 v0, v45;
	_ =	sdelay $0x3  }
0x4f8: {  	[tilespmem:v1+s18+$0x0] =	vst.idx.msk $0xffff, v2;
	v1 =	vadd.s32 s30, v29  }
0x4f9: {  	v2 =	vld.idx.msk [tilespmem:v3+s15+$0x0], $0xffff;
	v1 =	vand.u32 $0x7FFFFFF8, v1  }
0x4fa: {  	v1 =	vor.u32 v18, v1  }
0x4fb: {  	v3 =	vadd.s32 v0, v46;
	_ =	sdelay $0x3  }
0x4fc: {  	[tilespmem:v1+s18+$0x0] =	vst.idx.msk $0xffff, v2;
	v1 =	vadd.s32 s30, v30  }
0x4fd: {  	v2 =	vld.idx.msk [tilespmem:v3+s15+$0x0], $0xffff;
	v1 =	vand.u32 $0x7FFFFFF8, v1  }
0x4fe: {  	v1 =	vor.u32 v18, v1  }
0x4ff: {  	v3 =	vadd.s32 v0, v47;
	_ =	sdelay $0x3  }
0x500: {  	[tilespmem:v1+s18+$0x0] =	vst.idx.msk $0xffff, v2;
	v1 =	vadd.s32 s30, v31  }
0x501: {  	v2 =	vld.idx.msk [tilespmem:v3+s15+$0x0], $0xffff;
	v1 =	vand.u32 $0x7FFFFFF8, v1  }
0x502: {  	v1 =	vor.u32 v18, v1  }
0x503: {  	v3 =	vadd.s32 v0, v48;
	_ =	sdelay $0x3  }
.Ltmp10:
0x504: {  	[tilespmem:v1+s18+$0x0] =	vst.idx.msk $0xffff, v2;
	v2 =	vadd.s32 s30, v32;
	(pc) =	sbr.rel @p0 .LBB2_16-.Ltmp10, $4  }
0x505: {  	v1 =	vld.idx.msk [tilespmem:v3+s15+$0x0], $0xffff;
	v2 =	vand.u32 $0x7FFFFFF8, v2  }
0x506: {  	v2 =	vor.u32 v18, v2  }
0x507: {  	v0 =	vadd.s32 v0, v49  }
0x508: {  	s0 =	sadd.s32 $0x10, s0;
	v3 =	vmov s29  }
0x509: {  	_ = 	snop  }
0x50a: {  	v3 =	vmul.u32 $0x130, v3;
	_ =	sdelay $0x1  }
0x50b: {  	v4 =	vadd.s32 s30, v33;
	v3 =	vbroadcast v3, $0x0  }
0x50c: {  	[tilespmem:v2+s18+$0x0] =	vst.idx.msk $0xffff, v1;
	v55 =	vand.u32 $0x7FFFFFF8, v4  }
0x50d: {  	v0 =	vld.idx.msk [tilespmem:v0+s15+$0x0], $0xffff;
	v1 =	vor.u32 v18, v55;
	v2 =	vadd.s32 v16, v3  }
0x50e: {  	v3 =	vadd.s32 v2, v34;
	_ =	sdelay $0x1  }
0x50f: {  	s0 =	sadd.s32 s29, s26  }
0x510: {  	v4 =	vadd.s32 s0, v17  }
0x511: {  	v56 =	vand.u32 $0x7FFFFFF8, v4;
	[tilespmem:v1+s18+$0x0] =	vst.idx.msk $0xffff, v0  }
0x512: {  	v0 =	vor.u32 v18, v56;
	v1 =	vld.idx.msk [tilespmem:v3+s15+$0x0], $0xffff  }
0x513: {  	v57 =	vadd.s32 v2, v35;
	_ =	sdelay $0x2  }
0x514: {  	v4 =	vadd.s32 s0, v19  }
0x515: {  	v58 =	vand.u32 $0x7FFFFFF8, v4;
	[tilespmem:v0+s18+$0x0] =	vst.idx.msk $0xffff, v1  }
0x516: {  	v0 =	vor.u32 v18, v58;
	v1 =	vld.idx.msk [tilespmem:v57+s15+$0x0], $0xffff  }
0x517: {  	v59 =	vadd.s32 v2, v36;
	_ =	sdelay $0x2  }
0x518: {  	v4 =	vadd.s32 s0, v20  }
0x519: {  	v60 =	vand.u32 $0x7FFFFFF8, v4;
	[tilespmem:v0+s18+$0x0] =	vst.idx.msk $0xffff, v1  }
0x51a: {  	v0 =	vor.u32 v18, v60;
	v1 =	vld.idx.msk [tilespmem:v59+s15+$0x0], $0xffff  }
0x51b: {  	v61 =	vadd.s32 v2, v37;
	_ =	sdelay $0x2  }
0x51c: {  	v4 =	vadd.s32 s0, v21  }
0x51d: {  	v62 =	vand.u32 $0x7FFFFFF8, v4;
	[tilespmem:v0+s18+$0x0] =	vst.idx.msk $0xffff, v1  }
0x51e: {  	v0 =	vor.u32 v18, v62;
	v1 =	vld.idx.msk [tilespmem:v61+s15+$0x0], $0xffff  }
0x51f: {  	v63 =	vadd.s32 v2, v38;
	_ =	sdelay $0x2  }
0x520: {  	v4 =	vadd.s32 s0, v22  }
0x521: {  	v34 =	vand.u32 $0x7FFFFFF8, v4;
	[tilespmem:v0+s18+$0x0] =	vst.idx.msk $0xffff, v1  }
0x522: {  	v0 =	vor.u32 v18, v34;
	v1 =	vld.idx.msk [tilespmem:v63+s15+$0x0], $0xffff  }
0x523: {  	v35 =	vadd.s32 v2, v39;
	_ =	sdelay $0x2  }
0x524: {  	v4 =	vadd.s32 s0, v23  }
0x525: {  	v36 =	vand.u32 $0x7FFFFFF8, v4;
	[tilespmem:v0+s18+$0x0] =	vst.idx.msk $0xffff, v1  }
0x526: {  	v0 =	vor.u32 v18, v36;
	v1 =	vld.idx.msk [tilespmem:v35+s15+$0x0], $0xffff  }
0x527: {  	v37 =	vadd.s32 v2, v40;
	_ =	sdelay $0x2  }
0x528: {  	v4 =	vadd.s32 s0, v24  }
0x529: {  	v38 =	vand.u32 $0x7FFFFFF8, v4;
	[tilespmem:v0+s18+$0x0] =	vst.idx.msk $0xffff, v1  }
0x52a: {  	v0 =	vor.u32 v18, v38;
	v1 =	vld.idx.msk [tilespmem:v37+s15+$0x0], $0xffff  }
0x52b: {  	v39 =	vadd.s32 v2, v41;
	_ =	sdelay $0x2  }
0x52c: {  	v4 =	vadd.s32 s0, v25  }
0x52d: {  	v40 =	vand.u32 $0x7FFFFFF8, v4;
	[tilespmem:v0+s18+$0x0] =	vst.idx.msk $0xffff, v1  }
0x52e: {  	v0 =	vor.u32 v18, v40;
	v1 =	vld.idx.msk [tilespmem:v39+s15+$0x0], $0xffff  }
0x52f: {  	v41 =	vadd.s32 v2, v42;
	_ =	sdelay $0x2  }
0x530: {  	v4 =	vadd.s32 s0, v26  }
0x531: {  	v42 =	vand.u32 $0x7FFFFFF8, v4;
	[tilespmem:v0+s18+$0x0] =	vst.idx.msk $0xffff, v1  }
0x532: {  	v0 =	vor.u32 v18, v42;
	v1 =	vld.idx.msk [tilespmem:v41+s15+$0x0], $0xffff  }
0x533: {  	v50 =	vadd.s32 v2, v43;
	_ =	sdelay $0x2  }
0x534: {  	v4 =	vadd.s32 s0, v27  }
0x535: {  	v51 =	vand.u32 $0x7FFFFFF8, v4;
	[tilespmem:v0+s18+$0x0] =	vst.idx.msk $0xffff, v1  }
0x536: {  	v0 =	vor.u32 v18, v51;
	v1 =	vld.idx.msk [tilespmem:v50+s15+$0x0], $0xffff  }
0x537: {  	v52 =	vadd.s32 v2, v44;
	_ =	sdelay $0x2  }
0x538: {  	v4 =	vadd.s32 s0, v28  }
0x539: {  	v53 =	vand.u32 $0x7FFFFFF8, v4;
	[tilespmem:v0+s18+$0x0] =	vst.idx.msk $0xffff, v1  }
0x53a: {  	v0 =	vor.u32 v18, v53;
	v1 =	vld.idx.msk [tilespmem:v52+s15+$0x0], $0xffff  }
0x53b: {  	v54 =	vadd.s32 v2, v45;
	_ =	sdelay $0x2  }
0x53c: {  	v4 =	vadd.s32 s0, v29  }
0x53d: {  	v55 =	vand.u32 $0x7FFFFFF8, v4;
	[tilespmem:v0+s18+$0x0] =	vst.idx.msk $0xffff, v1  }
0x53e: {  	v0 =	vor.u32 v18, v55;
	v1 =	vld.idx.msk [tilespmem:v54+s15+$0x0], $0xffff  }
0x53f: {  	v56 =	vadd.s32 v2, v46;
	_ =	sdelay $0x2  }
0x540: {  	v4 =	vadd.s32 s0, v30  }
0x541: {  	v57 =	vand.u32 $0x7FFFFFF8, v4;
	[tilespmem:v0+s18+$0x0] =	vst.idx.msk $0xffff, v1  }
0x542: {  	v0 =	vor.u32 v18, v57;
	v1 =	vld.idx.msk [tilespmem:v56+s15+$0x0], $0xffff  }
0x543: {  	v58 =	vadd.s32 v2, v47;
	_ =	sdelay $0x2  }
0x544: {  	v4 =	vadd.s32 s0, v31  }
0x545: {  	v59 =	vand.u32 $0x7FFFFFF8, v4;
	[tilespmem:v0+s18+$0x0] =	vst.idx.msk $0xffff, v1  }
0x546: {  	v0 =	vor.u32 v18, v59;
	v1 =	vld.idx.msk [tilespmem:v58+s15+$0x0], $0xffff  }
0x547: {  	v60 =	vadd.s32 v2, v48;
	_ =	sdelay $0x2  }
0x548: {  	v4 =	vadd.s32 s0, v32  }
0x549: {  	v61 =	vand.u32 $0x7FFFFFF8, v4;
	[tilespmem:v0+s18+$0x0] =	vst.idx.msk $0xffff, v1  }
0x54a: {  	v0 =	vor.u32 v18, v61;
	v1 =	vld.idx.msk [tilespmem:v60+s15+$0x0], $0xffff  }
0x54b: {  	v2 =	vadd.s32 v2, v49;
	_ =	sdelay $0x2  }
0x54c: {  	v62 =	vadd.s32 s0, v33  }
0x54d: {  	s28 =	sadd.s32 $0x1, s28;
	v63 =	vand.u32 $0x7FFFFFF8, v62;
	[tilespmem:v0+s18+$0x0] =	vst.idx.msk $0xffff, v1  }
0x54e: {  	p0 =	sne.s32 s28, $0x9;
	v0 =	vor.u32 v18, v63;
	v1 =	vld.idx.msk [tilespmem:v2+s15+$0x0], $0xffff  }
.Ltmp11:
0x54f: {  	_ = 	snop;
	(pc) =	sbr.rel @p0 .LBB2_11-.Ltmp11, $2  }
0x550: {  	_ =	sdelay $0x2  }
0x551: {  	s25 =	sadd.s32 $0xC80, s25;
	s26 =	sadd.s32 $0xC80, s26;
	[tilespmem:v0+s18+$0x0] =	vst.idx.msk $0xffff, v1  }
0x552: {  	s0 =	sadd.s32 $0x1, s22  }
0x553: {  	p0 =	seq.s32 s22, $0x7F;
	s24 =	sand.u32 $0x3, s0  }
0x554: {  	p1 =	sne.s32 @!p0 s24, $0x0  }
0x555: {  	p1 =	por p0, p1  }
.Ltmp12:
0x556: {  	_ = 	snop;
	(pc) =	sbr.rel @!p1 .LBB2_19-.Ltmp12, $1  }
0x557: {  	_ =	sdelay $0x3  }
.Ltmp13:
0x558: {  	(pc) =	sbr.rel @p0 .LBB2_22-.Ltmp13, $4  }
.Ltmp14:
0x559: {  	(pc) =	sbr.rel @!p0 .LBB2_21-.Ltmp14, $4  }
0x55a: {  	_ = 	snop  }
0x55b: {  	_ = 	snop  }
0x55c: {  	_ = 	snop  }
0x55d: {  	_ = 	snop  }
.LBB2_24:
0x55e: {  	_ =	sfence.sel $0x180000  }
0x55f: {  	[bflag:$0x0] =	sbarrier.arrive $0xFFFF  }
0x560: {  	_ =	strace $0x90000047  }
0x561: {  	[bflag:$0x2] =	sbarrier.arrive $0xFFFF  }
0x562: {  	p0 =	sne.s32 s2, $0x0;
	s0 =	rddreg [dreg:$0x2]  }
0x563: {  	s0 =	sadd.s32 @!p0 $0x100000, s0  }
0x564: {  	[sflag:s0] =	ssyncadd.tile.s32 @!p0 $0x1;
	_ =	shalt  }
.Lfunc_end2:
_tile_overlayer_lowered:
.L_overlay_start_2:
0x565: {  	(tag) =	ssettag $0x2  }
0x566: {  	s0 =	rddreg [dreg:$0x0];
	s2 =	stileid.u32  }
0x567: {  	s1 =	rddreg [dreg:$0x1];
	p0 =	sne.s32 s2, $0x0  }
0x568: {  	s3 =	rddreg [dreg:$0x2];
	[bflag:$0x3] =	sbarrier.arrive $0xFFFF;
	s2 =	simm.s32 @!p0 $0x1C04  }
0x569: {  	[timem:s3], [sflag:s2] =	dma.local @!p0 [hbm:s0], s1  }
0x56a: {  	s0 =	simm.s32 @!p0 $0x4  }
0x56b: {  	_ =	swait.ge @!p0 [sflag:s0], s1  }
0x56c: {  	s1 =	ssub.s32 @!p0 $0x0, s1;
	[sflag:s0] =	ssyncset.done @!p0 $0x0  }
0x56d: {  	[sflag:s0] =	ssyncadd.s32 @!p0 s1  }
0x56e: {  	[bflag:$0x3] =	sbarrier.arrive $0xFFFF  }
0x56f: {  	_ =	shalt  }

// kernel: sparse-core-data-format-call.cloned.1.call-start
scs
called_computation_lowered:
.L_overlay_start_0:
0x0: {  	s2 =	sld [smem:$0x3FD9]  }
0x1: {  	s3 =	sld [smem:$0x3FFE];
	_ =	sdelay $0x1  }
0x2: {  	s1 =	srdreg.scid  }
0x3: {  	s0 =	sand.u32 $0x1, s1  }
0x4: {  	s18 =	sshll.u32 s0, $0xA;
	s2 =	sadd.s32 s3, s2  }
0x5: {  	s2 =	sadd.s32 s2, s18  }
0x6: {  	[smem:$0x3FC6] =	sst s2  }
0x7: {  	_ = 	snop  }
0x8: {  	s2 =	sld [smem:$0x3FD0];
	(tm) =	ssettm $0x1  }
0x9: {  	s19 =	sld [smem:$0x3FFB];
	_ =	sdelay $0x3  }
0xa: {  	_ =	strace s19  }
0xb: {  	s3 =	sld [smem:$0x3FFC];
	_ =	sdelay $0x3  }
0xc: {  	_ =	strace s3  }
0xd: {  	s3 =	sld [smem:$0x3FFD];
	_ =	sdelay $0x3  }
0xe: {  	_ =	strace s3  }
0xf: {  	_ =	strace $0x8FFFFFFF  }
0x10: {  	s20 =	sld [smem:$0x3FDB];
	_ =	sdelay $0x1  }
0x11: {  	s4 =	simm.s32 $_scs_section_size  }
0x12: {  	s5 =	simm.s32 $_size__tile_overlayer_lowered;
	s6 =	simm.s32 $_tile_overlayer_lowered  }
0x13: {  	s23 =	simm.s32 $0x1BFF;
	s22 =	sshll.u32 s6, $0x1;
	s3 =	sadd.s32 s4, s20  }
0x14: {  	s7 =	simm.s32 $0x0;
	s21 =	sshll.u32 s5, $0x1;
	s5 =	sadd.s32 s22, s3  }
0x15: {  	[timem:s7], [sflag:s23] =	dma.local [hbm:s5], s21  }
0x16: {  	_ =	swait.ge [sflag:s23], s21  }
0x17: {  	s4 =	ssub.s32 $0x0, s21;
	[sflag:s23] =	ssyncset.done $0x0  }
0x18: {  	[sflag:s23] =	ssyncadd.s32 s4;
	_ =	sdelay $0x1  }
0x19: {  	s24 =	simm.s32 $0x1B8B  }
0x1a: {  	_ =	swait.ge [sflag:s24], $0x1  }
0x1b: {  	[sflag:s24] =	ssyncset.done $0x0  }
0x1c: {  	s26 =	simm.s32 $0x1B8E;
	s25 =	sld [smem:$0x3FFE];
	[sflag:s24] =	ssyncadd.s32 $0xFFFFFFFF  }
0x1d: {  	s27 =	simm.s32 $execute0_lowered;
	[smem:$0x3FD2] =	sst s26  }
0x1e: {  	s5 =	sshll.u32 s27, $0x1;
	_ =	strace $0x80000049;
	[dreg:$0x1] =	wrdreg $0xFFFFFFFF  }
0x1f: {  	s28 =	simm.s32 $_size_execute0_lowered;
	s3 =	sadd.s32 s3, s5;
	[dreg:$0x0] =	wrdreg $0x0  }
0x20: {  	s5 =	sshll.u32 s28, $0x1;
	[dreg:$0x2] =	wrdreg s3  }
0x21: {  	[dreg:$0x3] =	wrdreg s5  }
0x22: {  	[dreg:$0x4] =	wrdreg $0xC0  }
0x23: {  	_ =	task [dreg:s7], $0x5FFFF  }
0x24: {  	[dreg:$0x1] =	wrdreg $0xFFFFFFFF  }
0x25: {  	[dreg:$0x0] =	wrdreg $0x60  }
0x26: {  	[dreg:$0x2] =	wrdreg s25  }
0x27: {  	[dreg:$0x3] =	wrdreg s2  }
0x28: {  	[dreg:$0x4] =	wrdreg $0x9  }
0x29: {  	_ =	task.clear_ibuf [dreg:s7], $0x5FFFF;
	_ =	strace $0x90000049  }
0x2a: {  	s29 =	simm.s32 $0x9;
	_ =	strace $0x8000004B  }
0x2b: {  	_ =	swait.ge [sflag:s29], $0x1  }
0x2c: {  	[sflag:s29] =	ssyncadd.s32 $0xFFFFFFFF  }
0x2d: {  	_ =	strace $0x9000004B  }
0x2e: {  	_ =	sfence  }
0x2f: {  	s30 =	sld [smem:$0x0];
	_ =	sdelay $0x2  }
0x30: {  	s31 =	sshll.u32 s1, $0xD;
	s1 =	sshrl.u32 s1, $0x2  }
0x31: {  	s3 =	sand.u32 $0x4000, s31;
	s1 =	sadd.s32 s1, s30  }
0x32: {  	s0 =	sor.u32 s3, s0;
	s1 =	sshll.u32 s1, $0x11  }
0x33: {  	s0 =	sor.u32 s1, s0  }
0x34: {  	s0 =	sadd.s32 $0x8F2B, s0  }
0x35: {  	[sflag:s0] =	ssyncadd.remote.s32 $0x1  }
0x36: {  	_ =	sfence.sel $0xFFFF  }
0x37: {  	[dreg:$0x0] =	wrdreg $0xFFFFFFFF;
	(pc) =	sbr.abs _section_cstart, $3  }
0x38: {  	[dreg:$0x1] =	wrdreg $0xFFFFFFFF  }
0x39: {  	_ =	task.clear_ibuf [dreg:s7], $0x2FFFF;
	_ =	strace $0x9FFFFFFF  }
0x3a: {  	(tm) =	ssettm $0x7FFFFFFF  }
0x3b: {  	_ =	shalt  }
tec
execute0_lowered:
.L_overlay_start_1:
0x0: {  	(tag) =	ssettag $0x1  }
0x1: {  	s0 =	srdreg.scid;
	s6 =	rddreg [dreg:$0x0]  }
0x2: {  	s3 =	rddreg [dreg:$0x1];
	s1 =	sshll.u32 s0, $0x4  }
0x3: {  	s5 =	simm.s32 $0x1;
	s0 =	stileid.u32;
	s1 =	sand.u32 $0x10, s1  }
0x4: {  	s31 =	simm.s32 $0x2;
	s16 =	simm.s32 $0x0;
	s1 =	sor.u32 s0, s1  }
0x5: {  	s8 =	simm.s32 $0x8000;
	s18 =	simm.s32 $0x0;
	s2 =	sshll.u32 s1, $0x7  }
0x6: {  	s17 =	simm.s32 $0x0;
	s9 =	simm.s32 $0x0;
	s4 =	ssub.s32 $0x1000, s2  }
0x7: {  	s10 =	simm.s32 $0x0;
	s11 =	simm.s32 $0x0;
	s30 =	sand.u32 $0xF80, s4  }
0x8: {  	s12 =	simm.s32 $0x0;
	s13 =	simm.s32 $0x0;
	p0 =	sne.s32 s30, $0x0  }
.Ltmp0:
0x9: {  	s7 =	sshrl.u32 s4, $0xC;
	s5 =	simm.s32 @!p0 $0x0;
	(pc) =	sbr.rel .LBB1_1-.Ltmp0, $4  }
0xa: {  	s15 =	simm.s32 $0x0;
	s1 =	rddreg [dreg:$0x2];
	s5 =	sadd.s32 s5, s7  }
0xb: {  	_ =	strace $0x8000004A;
	s4 =	simm.s32 $0x1;
	s5 =	smul.u32 $0x258, s5  }
0xc: {  	s6 =	sadd.s32 $0x800, s6;
	s14 =	smov.u32 s2;
	[sflag:s4] =	ssyncpa.u1 $0x0  }
0xd: {  	[sflag:s31] =	ssyncpa.u1 $0x0;
	p0 =	por $0x0, $0x0;
	s7 =	sor.u32 $0x1, s5  }
.LBB1_4:
0xe: {  	s23 =	sshra.s32 s23, $0x2;
	s30 =	sshll.u32 s9, $0xC  }
0xf: {  	p1 =	sgt.s32 s10, $0x12B;
	s24 =	smov.u32 s10;
	s25 =	sshra.s32 s10, $0x1F  }
0x10: {  	s26 =	sshll.u32 s11, $0x3;
	s28 =	smov.u32 s11;
	s29 =	sshra.s32 s11, $0x1F  }
0x11: {  	s22 =	sadd.s32 s23, s22;
	s24 =	simm.s32 @!p1 $0x12B;
	s25 =	sand.u32 s25, s10  }
0x12: {  	s23 =	sand.u32 $0xFFFF8000, s30;
	s27 =	sand.u32 $0xFFFFFC00, s26;
	p1 =	sgt.s32 s9, $0x48  }
0x13: {  	s31 =	sand.u32 s29, s11;
	s29 =	sshll.u32 s9, $0x7;
	s30 =	sshra.s32 s9, $0x1F  }
0x14: {  	[tilespmem:s21+$0x2040 ss:$0x81] =	vst.msk $0xffff, v4;
	s24 =	ssub.s32 s24, s25;
	s23 =	sadd.s32 s27, s23;
	s27 =	smov.u32 s9  }
0x15: {  	[tilespmem:s21+$0x2850 ss:$0x81] =	vst.msk $0xffff, v3;
	s29 =	sand.u32 $0x380, s29;
	s25 =	sadd.s32 $0xFFFFFED5, s24;
	s27 =	simm.s32 @!p1 $0x48  }
0x16: {  	v5 =	vld [tilespmem:s20+$0xFFFFFFD0];
	[tilespmem:s21+$0x3060 ss:$0x81] =	vst.msk $0xffff, v2;
	p1 =	sgt.s32 s11, $0xF80;
	s23 =	sshrl.u32 s23, $0xC;
	s24 =	ssub.s32 $0x12C, s24  }
0x17: {  	v58 =	vld [tilespmem:s20+$0xFFFFFFE0];
	[tilespmem:s21+$0x0 ss:$0x81] =	vst.msk $0xffff, v1;
	s28 =	simm.s32 @!p1 $0xF80;
	p1 =	sgt.s32 s25, $0x0;
	s21 =	smulhi.u32 $0x147AE15, s23  }
0x18: {  	v59 =	vld [tilespmem:s20+$0xFFFFFFF0];
	s25 =	ssub.s32 s28, s31;
	s28 =	sand.u32 s30, s9;
	s24 =	simm.s32 @p1 $0x0  }
0x19: {  	v60 =	vld [tilespmem:s20+$0x0];
	s27 =	ssub.s32 s27, s28;
	s31 =	sadd.s32 $0xFFFFF080, s25;
	s25 =	ssub.s32 $0x1000, s25  }
0x1a: {  	v61 =	vld [tilespmem:s20+$0x10];
	[tilespmem:s22+$0x3870 ss:$0x81] =	vst.msk $0xffff, v0;
	s21 =	smul.u32 $0xC8, s21;
	s28 =	sand.u32 $0x7, s11;
	p1 =	sgt.s32 s31, $0x7F  }
0x1b: {  	v62 =	vld [tilespmem:s20+$0x20];
	[tilespmem:s22+$0x810 ss:$0x81] =	vst.msk $0xffff, v5;
	s30 =	sadd.s32 $0xFFFFFFB8, s27;
	s31 =	sand.u32 $0x78, s11;
	s25 =	simm.s32 @p1 $0x0  }
0x1c: {  	v63 =	vld [tilespmem:s20+$0xFFFFFFC0];
	[tilespmem:s22+$0x1020 ss:$0x81] =	vst.msk $0xffff, v58;
	p1 =	sgt.s32 s30, $0x7F;
	s30 =	sand.u32 $0xC00, s26;
	s24 =	smul.u32 s25, s24  }
0x1d: {  	[tilespmem:s22+$0x1830 ss:$0x81] =	vst.msk $0xffff, v59;
	s26 =	ssub.s32 $0xC8, s27;
	s20 =	sor.u32 s31, s30;
	s31 =	smul.u32 $0x19000, s10  }
0x1e: {  	[tilespmem:s22+$0x2040 ss:$0x81] =	vst.msk $0xffff, v60;
	s21 =	ssub.s32 s23, s21;
	s26 =	simm.s32 @p1 $0x0;
	s20 =	sor.u32 s29, s20  }
0x1f: {  	[tilespmem:s22+$0x2850 ss:$0x81] =	vst.msk $0xffff, v61;
	s26 =	smul.u32 s26, s24;
	s20 =	sshrl.u32 s20, $0x3;
	s27 =	sadd.s32 s3, s31  }
0x20: {  	[tilespmem:s22+$0x3060 ss:$0x81] =	vst.msk $0xffff, v62;
	s21 =	sshll.u32 s21, $0x9;
	s29 =	sshll.u32 s28, $0x12;
	s20 =	sadd.s32 s20, s27  }
0x21: {  	[tilespmem:s22+$0x0 ss:$0x81] =	vst.msk $0xffff, v63;
	s31 =	sor.u32 $0x400, s29;
	s30 =	sand.u32 $0x3FFFFFFF, s26;
	s20 =	sadd.s32 s21, s20  }
0x22: {  	[hbm4b:s20+s31] =	stream.strided.scatter [tilespmem:s19], [sflag:$0x2], s30, s8, s31, $0x20;
	[tilespmem:$0x10100] =	vst v63  }
.LBB1_5:
0x23: {  	p1 =	slt.u32 s15, $0x2  }
0x24: {  	p2 =	sgt.s32 @!p1 s18, $0x12B  }
0x25: {  	s19 =	smov.u32 s18;
	s20 =	sshra.s32 @!p1 s18, $0x1F;
	p2 =	por !p2, p1  }
0x26: {  	s18 =	sand.u32 @!p1 s20, s18;
	s19 =	simm.s32 @p2 $0x12B  }
0x27: {  	p3 =	sgt.s32 @!p1 s16, $0x48;
	s18 =	ssub.s32 @!p1 s19, s18  }
0x28: {  	p4 =	sgt.s32 @!p1 s17, $0xF80;
	s21 =	sshra.s32 @!p1 s17, $0x1F;
	s19 =	sadd.s32 @!p1 $0xFFFFFED5, s18  }
0x29: {  	s20 =	smov.u32 s16;
	p2 =	sgt.s32 @!p1 s19, $0x0;
	s19 =	sshra.s32 @!p1 s16, $0x1F  }
0x2a: {  	p4 =	por !p4, p1;
	s16 =	sand.u32 @!p1 s19, s16;
	s19 =	smov.u32 s17  }
0x2b: {  	p3 =	por !p3, p1;
	s17 =	sand.u32 @!p1 s21, s17;
	s19 =	simm.s32 @p4 $0xF80  }
0x2c: {  	s20 =	simm.s32 @p3 $0x48;
	s18 =	ssub.s32 @!p1 $0x12C, s18;
	s17 =	ssub.s32 @!p1 s19, s17  }
0x2d: {  	p2 =	por !p2, p1;
	s16 =	ssub.s32 @!p1 s20, s16;
	s20 =	sadd.s32 @!p1 $0xFFFFF080, s17  }
0x2e: {  	s18 =	simm.s32 @!p2 $0x0;
	p3 =	sgt.s32 @!p1 s20, $0x7F  }
0x2f: {  	s19 =	sadd.s32 @!p1 $0xFFFFFFB8, s16;
	s17 =	ssub.s32 @!p1 $0x1000, s17;
	p3 =	por !p3, p1  }
0x30: {  	p2 =	sgt.s32 @!p1 s19, $0x7F;
	s19 =	sadd.s32 $0x80, s12;
	s17 =	simm.s32 @!p3 $0x0  }
0x31: {  	p3 =	sgt.s32 s19, $0xC7;
	s17 =	smul.u32 @!p1 s17, s18;
	s18 =	simm.s32 $0x1  }
0x32: {  	s16 =	ssub.s32 @!p1 $0xC8, s16;
	p2 =	por !p2, p1;
	s18 =	simm.s32 @!p3 $0x0  }
0x33: {  	s21 =	smov.u32 s14;
	s16 =	simm.s32 @!p2 $0x0;
	s20 =	sadd.s32 s18, s13  }
0x34: {  	s16 =	smul.u32 @!p1 s16, s17;
	s17 =	sadd.s32 $0x1000, s14;
	p2 =	sgt.s32 s20, $0x12B  }
0x35: {  	p0 =	por !p0, !p0;
	s22 =	simm.s32 @!p1 $0x2;
	s21 =	smov.u32 @p2 s17  }
0x36: {  	s19 =	simm.s32 @p3 $0x0;
	s20 =	simm.s32 @p2 $0x0;
	p2 =	sgt.s32 s21, $0xFFF  }
0x37: {  	s18 =	smov.u32 s10;
	s21 =	smov.u32 @p2 s2;
	p2 =	sne.s32 s15, s7  }
.Ltmp1:
0x38: {  	s10 =	smov.u32 s13;
	s16 =	sand.u32 @!p1 $0x3FFFFFFF, s16;
	(pc) =	sbr.rel @!p2 .LBB1_6-.Ltmp1, $4  }
0x39: {  	s17 =	smov.u32 s11;
	s11 =	smov.u32 s14;
	_ =	swait.ge @!p1 [sflag:s22], s16  }
0x3a: {  	s23 =	ssub.s32 @!p1 $0x0, s16;
	s16 =	smov.u32 s9;
	s9 =	smov.u32 s12  }
0x3b: {  	s12 =	smov.u32 s19;
	s13 =	smov.u32 s20;
	[sflag:s22] =	ssyncset.done @!p1 $0x0  }
0x3c: {  	s15 =	sadd.s32 $0x1, s15;
	[sflag:s22] =	ssyncadd.s32 @!p1 s23;
	s14 =	smov.u32 s21  }
.LBB1_1:
0x3d: {  	p1 =	sge.u32 s15, s5  }
0x3e: {  	s19 =	sshll.u32 @!p1 s13, $0x8;
	s20 =	sshll.u32 @!p1 s12, $0x3  }
0x3f: {  	s21 =	sshll.u32 @!p1 s13, $0x7;
	s19 =	sand.u32 @!p1 $0xFFFFF800, s19;
	s20 =	sand.u32 @!p1 $0xFFFFFC00, s20  }
0x40: {  	s19 =	sadd.s32 @!p1 s19, s20;
	s20 =	sand.u32 @!p1 $0x300, s21  }
0x41: {  	s19 =	sor.u32 @!p1 s20, s19  }
0x42: {  	s19 =	sshrl.u32 @!p1 s19, $0x8  }
0x43: {  	s31 =	sadd.s32 $0xFFFFFFFF, s15;
	s20 =	smulhi.u32 @!p1 $0xD79436, s19  }
0x44: {  	s22 =	sxor.u32 @!p1 $0xFFFFFFFF, s15;
	s23 =	sand.u32 @!p1 $0x78, s12;
	s24 =	smul.u32 @!p1 $0x2600, s14  }
0x45: {  	s22 =	sshll.u32 @!p1 s22, $0xE;
	s21 =	sand.u32 @!p1 $0x80, s21;
	s20 =	smul.u32 @!p1 $0x130, s20  }
0x46: {  	s22 =	sand.u32 @!p1 $0x4000, s22;
	s21 =	sor.u32 @!p1 s23, s21;
	s23 =	sand.u32 @!p1 $0x7, s12  }
0x47: {  	s19 =	ssub.s32 @!p1 s19, s20;
	s20 =	sshrl.u32 @!p1 s21, $0x3;
	s21 =	sadd.s32 @!p1 s6, s24  }
0x48: {  	s19 =	sshll.u32 @!p1 s19, $0x5;
	s20 =	sadd.s32 @!p1 s20, s21;
	s21 =	sshll.u32 @!p1 s23, $0x12  }
0x49: {  	s19 =	sadd.s32 @!p1 s19, s20;
	s20 =	sor.u32 @!p1 $0x80, s21;
	s21 =	simm.s32 @!p1 $0x13000  }
0x4a: {  	[tilespmem:s22], [sflag:$0x1] =	stream.strided.gather @!p1 [hbm4b:s19+s20], $0x4000, s21, s20, $0x38;
	[tilespmem:$0x10100] =	vst v63  }
0x4b: {  	p1 =	sge.u32 s31, s5  }
.Ltmp2:
0x4c: {  	_ = 	snop;
	(pc) =	sbr.rel @p1 .LBB1_5-.Ltmp2, $1  }
0x4d: {  	_ =	sdelay $0x3  }
0x4e: {  	s19 =	simm.s32 $0x1  }
0x4f: {  	_ =	swait.ge [sflag:s4], $0x4000;
	s19 =	simm.s32 @!p0 $0x0  }
0x50: {  	[sflag:s4] =	ssyncset.done $0x0;
	s20 =	sshll.u32 s19, $0xE  }
0x51: {  	[sflag:s4] =	ssyncadd.s32 $0xFFFFC000;
	s20 =	sor.u32 $0x40, s20  }
0x52: {  	s19 =	smul.u32 $0x10200, s19;
	v0 =	vld [tilespmem:s20+$0x30]  }
0x53: {  	v1 =	vld [tilespmem:s20+$0xFFFFFFD0]  }
0x54: {  	s19 =	sshrl.u32 s19, $0x2;
	v5 =	vld [tilespmem:s20+$0xFFFFFFE0]  }
0x55: {  	v6 =	vld [tilespmem:s20+$0xFFFFFFF0];
	s22 =	sor.u32 $0x8000, s19  }
0x56: {  	s31 =	sand.u32 $0x1, s15;
	v4 =	vld [tilespmem:s20+$0x0];
	s21 =	sadd.s32 $0x0, s22  }
0x57: {  	v3 =	vld [tilespmem:s20+$0x10];
	s19 =	smul.u32 $0x10200, s31;
	[tilespmem:s21+$0x3870 ss:$0x81] =	vst.msk $0xffff, v0  }
0x58: {  	v2 =	vld [tilespmem:s20+$0x20];
	[tilespmem:s21+$0x810 ss:$0x81] =	vst.msk $0xffff, v1  }
0x59: {  	s19 =	sshrl.u32 s19, $0x2;
	v1 =	vld [tilespmem:s20+$0xFFFFFFC0];
	[tilespmem:s21+$0x1020 ss:$0x81] =	vst.msk $0xffff, v5;
	s20 =	sadd.s32 $0x80, s20  }
0x5a: {  	s23 =	simm.s32 $0x4;
	s24 =	simm.s32 $0x8;
	s19 =	sor.u32 $0x8000, s19;
	[tilespmem:s21+$0x1830 ss:$0x81] =	vst.msk $0xffff, v6;
	v0 =	vld [tilespmem:s20+$0x30]  }
.LBB1_3:
0x5b: {  	p1 =	sne.s32 s24, $0x1FC;
	v5 =	vld [tilespmem:s20+$0xFFFFFFD0];
	[tilespmem:s21+$0x2040 ss:$0x81] =	vst.msk $0xffff, v4  }
0x5c: {  	v6 =	vld [tilespmem:s20+$0xFFFFFFE0];
	[tilespmem:s21+$0x2850 ss:$0x81] =	vst.msk $0xffff, v3  }
0x5d: {  	s25 =	sshra.s32 s23, $0x2;
	s23 =	smov.u32 s24;
	v7 =	vld [tilespmem:s20+$0xFFFFFFF0];
	[tilespmem:s21+$0x3060 ss:$0x81] =	vst.msk $0xffff, v2  }
.Ltmp3:
0x5e: {  	v4 =	vld [tilespmem:s20+$0x0];
	[tilespmem:s21+$0x0 ss:$0x81] =	vst.msk $0xffff, v1;
	s21 =	sadd.s32 s25, s22;
	(pc) =	sbr.rel @p1 .LBB1_3-.Ltmp3, $4  }
0x5f: {  	v3 =	vld [tilespmem:s20+$0x10];
	[tilespmem:s21+$0x3870 ss:$0x81] =	vst.msk $0xffff, v0  }
0x60: {  	[tilespmem:s21+$0x810 ss:$0x81] =	vst.msk $0xffff, v5;
	v2 =	vld [tilespmem:s20+$0x20]  }
0x61: {  	v1 =	vld [tilespmem:s20+$0xFFFFFFC0];
	[tilespmem:s21+$0x1020 ss:$0x81] =	vst.msk $0xffff, v6;
	s20 =	sadd.s32 $0x80, s20  }
0x62: {  	s24 =	sadd.s32 $0x4, s24;
	v0 =	vld [tilespmem:s20+$0x30];
	[tilespmem:s21+$0x1830 ss:$0x81] =	vst.msk $0xffff, v7  }
.Ltmp4:
0x63: {  	_ = 	snop;
	(pc) =	sbr.rel .LBB1_4-.Ltmp4, $1  }
0x64: {  	_ =	sdelay $0x3  }
.LBB1_6:
0x65: {  	_ =	sfence.sel $0x180000  }
0x66: {  	s2 =	simm.s32 $0x1;
	[bflag:$0x0] =	sbarrier.arrive $0xFFFF  }
0x67: {  	s31 =	simm.s32 $0x2;
	[sflag:s2] =	ssyncpa.u1 $0x1  }
0x68: {  	[sflag:s31] =	ssyncpa.u1 $0x1  }
0x69: {  	p0 =	sne.s32 s0, $0x0;
	_ =	strace $0x9000004A  }
0x6a: {  	s0 =	sadd.s32 @!p0 $0x100000, s1;
	[bflag:$0x2] =	sbarrier.arrive $0xFFFF  }
0x6b: {  	[sflag:s0] =	ssyncadd.tile.s32 @!p0 $0x1;
	_ =	shalt  }
.Lfunc_end1:
_tile_overlayer_lowered:
.L_overlay_start_2:
0x6c: {  	(tag) =	ssettag $0x2  }
0x6d: {  	s0 =	rddreg [dreg:$0x0];
	s2 =	stileid.u32  }
0x6e: {  	s1 =	rddreg [dreg:$0x1];
	p0 =	sne.s32 s2, $0x0  }
0x6f: {  	s3 =	rddreg [dreg:$0x2];
	[bflag:$0x3] =	sbarrier.arrive $0xFFFF;
	s2 =	simm.s32 @!p0 $0x1C01  }
0x70: {  	[timem:s3], [sflag:s2] =	dma.local @!p0 [hbm:s0], s1  }
0x71: {  	s0 =	simm.s32 @!p0 $0x1  }
0x72: {  	_ =	swait.ge @!p0 [sflag:s0], s1  }
0x73: {  	s1 =	ssub.s32 @!p0 $0x0, s1;
	[sflag:s0] =	ssyncset.done @!p0 $0x0  }
0x74: {  	[sflag:s0] =	ssyncadd.s32 @!p0 s1  }
0x75: {  	[bflag:$0x3] =	sbarrier.arrive $0xFFFF  }
0x76: {  	_ =	shalt  }

</sc_bundles>
